<compile_context>
chip_gen: v7x
topology: tpu7x:2x2x1
jax: 0.10.2.dev20260603
libtpu: 0.0.44.dev20260713+nightly
codegen_flags: <defaults>
</compile_context>

<pallas_src>
import functools

import jax
import jax.numpy as jnp
from jax import lax
from jax.experimental import pallas as pl
from jax.experimental.pallas import tpu as pltpu
from jax.experimental.pallas import tpu_sc as plsc

_BN = 1000
_NSUB = 16
_NCORE = 2
_CHUNK = 128
_NPAD = 10240


def _mesh():
    return plsc.VectorSubcoreMesh(core_axis_name="c", subcore_axis_name="s",
                                  num_cores=_NCORE, num_subcores=_NSUB)



def _deg_sc(d3, zeros16, ones16, N):
    nsh = d3.shape[0]
    wrows = d3.shape[1]
    zr = _NPAD // _NSUB

    @functools.partial(
        pl.kernel,
        out_type=jax.ShapeDtypeStruct((_NCORE * _NPAD, 16), jnp.float32),
        mesh=_mesh(),
        scratch_types=[
            pltpu.VMEM_SHARED((_NPAD, 16), jnp.float32),
            pltpu.VMEM((wrows, _CHUNK), jnp.int32),
            pltpu.VMEM((_CHUNK, 16), jnp.float32),
        ],
    )
    def k(d_h, z_h, o_h, out_h, acc, d_buf, ones_b):
        core = lax.axis_index("c")
        sub = lax.axis_index("s")
        w = core * _NSUB + sub
        pltpu.sync_copy(d_h.at[w], d_buf)
        pltpu.sync_copy(o_h, ones_b)
        pltpu.sync_copy(z_h.at[pl.ds(sub * zr, zr)], acc.at[pl.ds(sub * zr, zr)])
        plsc.subcore_barrier()

        def body(t, carry):
            pltpu.sync_copy(ones_b, acc.at[d_buf.at[t]], add=True)
            return carry

        lax.fori_loop(0, wrows, body, 0)
        plsc.subcore_barrier()
        pltpu.sync_copy(acc.at[pl.ds(sub * zr, zr)],
                        out_h.at[pl.ds(core * _NPAD + sub * zr, zr)])

    return k(d3, zeros16, ones16)


def _spmm_sc(table, s3, d3, zeros, nc, N):
    srows = s3.shape[1]
    zr = _NPAD // _NSUB
    halves = nc // _NCORE

    @functools.partial(
        pl.kernel,
        out_type=[jax.ShapeDtypeStruct((_NPAD, _CHUNK), jnp.float32)
                  for _ in range(nc)],
        mesh=_mesh(),
        scratch_types=[
            pltpu.VMEM_SHARED((_NPAD, _CHUNK), jnp.float32),
            pltpu.VMEM((srows, _CHUNK), jnp.int32),
            pltpu.VMEM((srows, _CHUNK), jnp.int32),
            pltpu.VMEM((_CHUNK, _CHUNK), jnp.float32),
            pltpu.SemaphoreType.DMA,
        ],
    )
    def k(table_h, s_h, d_h, z_h, *rest):
        outs = rest[:nc]
        acc, s_buf, d_buf, rows, sem = rest[nc:]
        core = lax.axis_index("c")
        sub = lax.axis_index("s")
        pltpu.sync_copy(s_h.at[sub], s_buf)
        pltpu.sync_copy(d_h.at[sub], d_buf)

        def adjust(delta):
            def body(i, carry):
                j = i // 8
                kk = (i % 8) * 16
                s_buf[j, pl.ds(kk, 16)] = s_buf[j, pl.ds(kk, 16)] + delta
                return carry
            lax.fori_loop(0, srows * 8, body, 0)

        for half in range(halves):
            if half == 0:
                delta = core * N
            else:
                delta = jnp.int32(_NCORE * N)
            adjust(delta)
            pltpu.sync_copy(z_h.at[pl.ds(sub * zr, zr)],
                            acc.at[pl.ds(sub * zr, zr)])
            plsc.subcore_barrier()

            def edge_body(t, carry):
                pltpu.async_copy(table_h.at[s_buf.at[t]], rows, sem).wait()
                pltpu.sync_copy(rows, acc.at[d_buf.at[t]], add=True)
                return carry

            lax.fori_loop(0, srows, edge_body, 0)
            plsc.subcore_barrier()
            for cand in range(_NCORE):
                cc = half * _NCORE + cand

                @pl.when(core == cand)
                def _():
                    pltpu.sync_copy(acc.at[pl.ds(sub * zr, zr)],
                                    outs[cc].at[pl.ds(sub * zr, zr)])
            if half + 1 < halves:
                plsc.subcore_barrier()

    return k(table, s3, d3, zeros)



def _dinv_tc(degp, N):
    def body(dp_ref, o_ref):
        deg = dp_ref[:N, :] + dp_ref[_NPAD:_NPAD + N, :]
        dinv = 1.0 / jnp.sqrt(deg)
        o_ref[...] = jnp.broadcast_to(dinv[:, :1], (N, 128))

    return pl.pallas_call(
        body,
        out_shape=jax.ShapeDtypeStruct((N, 128), jnp.float32),
    )(degp)


def _prescale_tc(x, dinv, N, C):
    nc = C // 128
    G = N // _BN

    def body(x_ref, v_ref, o_ref):
        o_ref[...] = x_ref[...] * v_ref[:, :1]

    return pl.pallas_call(
        body,
        grid=(G, nc),
        in_specs=[
            pl.BlockSpec((_BN, 128), lambda i, c: (i, c)),
            pl.BlockSpec((_BN, 128), lambda i, c: (i, 0)),
        ],
        out_specs=pl.BlockSpec((_BN, 128), lambda i, c: (c * G + i, 0)),
        out_shape=jax.ShapeDtypeStruct((nc * N, 128), jnp.float32),
    )(x, dinv)


def _mm_stats_tc(aggs, dinv, W, b, N, Cin, Cout):
    nc = Cin // 128
    G = N // _BN

    def body(*refs):
        parts = refs[:nc]
        v_ref, w_ref, b_ref, h_ref, st_ref = refs[nc:]
        a = jnp.concatenate([p[...] for p in parts], axis=1) * v_ref[:, :1]
        h = jnp.dot(a, w_ref[...], preferred_element_type=jnp.float32,
                    precision=lax.Precision.HIGHEST) + b_ref[...]
        h_ref[...] = h
        cs = jnp.sum(h, axis=0, keepdims=True)
        cq = jnp.sum(h * h, axis=0, keepdims=True)
        st = jnp.concatenate([cs, cq, jnp.zeros((6, Cout), jnp.float32)], 0)
        st_ref[...] = st[None]

    in_specs = [pl.BlockSpec((_BN, 128), lambda i: (i, 0)) for _ in range(nc)]
    in_specs += [
        pl.BlockSpec((_BN, 128), lambda i: (i, 0)),
        pl.BlockSpec((Cin, Cout), lambda i: (0, 0)),
        pl.BlockSpec((1, Cout), lambda i: (0, 0)),
    ]
    return pl.pallas_call(
        body,
        grid=(G,),
        in_specs=in_specs,
        out_specs=[
            pl.BlockSpec((_BN, Cout), lambda i: (i, 0)),
            pl.BlockSpec((1, 8, Cout), lambda i: (i, 0, 0)),
        ],
        out_shape=[
            jax.ShapeDtypeStruct((N, Cout), jnp.float32),
            jax.ShapeDtypeStruct((G, 8, Cout), jnp.float32),
        ],
    )(*aggs, dinv, W, b)


def _graphnorm(h, st_ref, g_ref, be_ref, al_ref, N, eps=1e-5):
    m = jnp.sum(st_ref[:, 0, :], axis=0) * (1.0 / N)
    q = jnp.sum(st_ref[:, 1, :], axis=0) * (1.0 / N)
    al = al_ref[0]
    var = q - 2.0 * al * m * m + al * al * m * m
    xc = h - al * m
    return g_ref[0] * xc / jnp.sqrt(var + eps) + be_ref[0]


def _ep1_tc(hpre, st, g, be, al, dinv, N, C):
    nc = C // 128
    G = N // _BN

    def body(h_ref, st_ref, g_ref, be_ref, al_ref, v_ref, o_ref):
        y = _graphnorm(h_ref[...], st_ref, g_ref, be_ref, al_ref, N)
        o_ref[...] = jnp.maximum(y, 0.0) * v_ref[:, :1]

    return pl.pallas_call(
        body,
        grid=(G, nc),
        in_specs=[
            pl.BlockSpec((_BN, 128), lambda i, c: (i, c)),
            pl.BlockSpec((G, 8, 128), lambda i, c: (0, 0, c)),
            pl.BlockSpec((1, 128), lambda i, c: (0, c)),
            pl.BlockSpec((1, 128), lambda i, c: (0, c)),
            pl.BlockSpec((1, 128), lambda i, c: (0, c)),
            pl.BlockSpec((_BN, 128), lambda i, c: (i, 0)),
        ],
        out_specs=pl.BlockSpec((_BN, 128), lambda i, c: (c * G + i, 0)),
        out_shape=jax.ShapeDtypeStruct((nc * N, 128), jnp.float32),
    )(hpre, st, g, be, al, dinv)


def _ep2_tc(hpre, st, g, be, al, W3, dinv, N, C, Cout):
    G = N // _BN
    nco = Cout // 128

    def body(h_ref, st_ref, g_ref, be_ref, al_ref, w_ref, v_ref, o_ref):
        y = _graphnorm(h_ref[...], st_ref, g_ref, be_ref, al_ref, N)
        r = jnp.maximum(y, 0.0)
        t = jnp.dot(r, w_ref[...], preferred_element_type=jnp.float32,
                    precision=lax.Precision.HIGHEST)
        o_ref[...] = t * v_ref[:, :1]

    return pl.pallas_call(
        body,
        grid=(G, nco),
        in_specs=[
            pl.BlockSpec((_BN, C), lambda i, c: (i, 0)),
            pl.BlockSpec((G, 8, C), lambda i, c: (0, 0, 0)),
            pl.BlockSpec((1, C), lambda i, c: (0, 0)),
            pl.BlockSpec((1, C), lambda i, c: (0, 0)),
            pl.BlockSpec((1, C), lambda i, c: (0, 0)),
            pl.BlockSpec((C, 128), lambda i, c: (0, c)),
            pl.BlockSpec((_BN, 128), lambda i, c: (i, 0)),
        ],
        out_specs=pl.BlockSpec((_BN, 128), lambda i, c: (c * G + i, 0)),
        out_shape=jax.ShapeDtypeStruct((nco * N, 128), jnp.float32),
    )(hpre, st, g, be, al, W3, dinv)


def _final_tc(aggs, dinv, b3, N, C):
    nc = C // 128
    G = N // _BN

    def body(*refs):
        parts = refs[:nc]
        v_ref, b_ref, o_ref = refs[nc:]
        cols = [parts[c][...] * v_ref[:, :1] + b_ref[:, 128 * c:128 * (c + 1)]
                for c in range(nc)]
        o_ref[...] = jnp.concatenate(cols, axis=1)

    in_specs = [pl.BlockSpec((_BN, 128), lambda i: (i, 0)) for _ in range(nc)]
    in_specs += [
        pl.BlockSpec((_BN, 128), lambda i: (i, 0)),
        pl.BlockSpec((1, C), lambda i: (0, 0)),
    ]
    return pl.pallas_call(
        body,
        grid=(G,),
        in_specs=in_specs,
        out_specs=pl.BlockSpec((_BN, C), lambda i: (i, 0)),
        out_shape=jax.ShapeDtypeStruct((N, C), jnp.float32),
    )(*aggs, dinv, b3)



def kernel(x, edge_index, W1, b1, g1, be1, a1, W2, b2, g2, be2, a2, W3, b3):
    N, IN = x.shape
    H = W1.shape[1]
    OUT = W3.shape[1]
    E = edge_index.shape[1]

    nworker = _NCORE * _NSUB
    align = nworker * _CHUNK * 8
    EP = ((E + N + align - 1) // align) * align
    pad = EP - E - N

    loop = jnp.arange(N, dtype=jnp.int32)
    s_flat = jnp.concatenate(
        [edge_index[0], loop, jnp.zeros((pad,), jnp.int32)])
    d_flat = jnp.concatenate(
        [edge_index[1], loop, jnp.full((pad,), N, jnp.int32)])
    s3 = s_flat.reshape(_NSUB, -1, _CHUNK)
    d3 = d_flat.reshape(_NSUB, -1, _CHUNK)
    d3deg = d_flat.reshape(nworker, -1, _CHUNK)
    zeros = jnp.zeros((_NPAD, _CHUNK), jnp.float32)
    zeros16 = jnp.zeros((_NPAD, 16), jnp.float32)
    ones16 = jnp.ones((_CHUNK, 16), jnp.float32)

    degp = _deg_sc(d3deg, zeros16, ones16, N)
    dinv = _dinv_tc(degp, N)

    g0 = _prescale_tc(x, dinv, N, IN)
    a0 = _spmm_sc(g0, s3, d3, zeros, IN // 128, N)
    h1, st1 = _mm_stats_tc(a0, dinv, W1, b1.reshape(1, H), N, IN, H)
    g1c = _ep1_tc(h1, st1, g1.reshape(1, H), be1.reshape(1, H),
                  a1.reshape(1, H), dinv, N, H)
    a1g = _spmm_sc(g1c, s3, d3, zeros, H // 128, N)
    h2, st2 = _mm_stats_tc(a1g, dinv, W2, b2.reshape(1, H), N, H, H)
    g2c = _ep2_tc(h2, st2, g2.reshape(1, H), be2.reshape(1, H),
                  a2.reshape(1, H), W3, dinv, N, H, OUT)
    a2g = _spmm_sc(g2c, s3, d3, zeros, OUT // 128, N)
    return _final_tc(a2g, dinv, b3.reshape(1, OUT), N, OUT)

# --- scband reference (transcript-rebuilt; emitter-appended) ---
"""Pipeline reference for scband-custom-gnn-74818330296408 (READ-ONLY COPY).

The authoritative reference and input builder live on the scoring server;
editing this copy changes nothing except your own understanding.
"""

import jax, jax.numpy as jnp
import numpy as np

N = 10000
E = 160000
IN = 256
H = 512
OUT = 256


def setup_inputs(seed: int = 0) -> dict:
    key = jax.random.key(seed)
    ks = jax.random.split(key, 8)
    x = jax.random.normal(ks[0], (N, IN), dtype=jnp.float32)
    edge_index = jax.random.randint(ks[1], (2, E), 0, N, dtype=jnp.int32)
    W1 = jax.random.normal(ks[2], (IN, H), dtype=jnp.float32) * (1.0 / np.sqrt(IN))
    b1 = jnp.zeros((H,), dtype=jnp.float32)
    g1 = jnp.ones((H,), dtype=jnp.float32)
    be1 = jnp.zeros((H,), dtype=jnp.float32)
    a1 = jnp.ones((H,), dtype=jnp.float32)
    W2 = jax.random.normal(ks[3], (H, H), dtype=jnp.float32) * (1.0 / np.sqrt(H))
    b2 = jnp.zeros((H,), dtype=jnp.float32)
    g2 = jnp.ones((H,), dtype=jnp.float32)
    be2 = jnp.zeros((H,), dtype=jnp.float32)
    a2 = jnp.ones((H,), dtype=jnp.float32)
    W3 = jax.random.normal(ks[4], (H, OUT), dtype=jnp.float32) * (1.0 / np.sqrt(H))
    b3 = jnp.zeros((OUT,), dtype=jnp.float32)
    return {"x": x, "edge_index": edge_index, "W1": W1, "b1": b1, "g1": g1,
            "be1": be1, "a1": a1, "W2": W2, "b2": b2, "g2": g2, "be2": be2,
            "a2": a2, "W3": W3, "b3": b3}


def _gcn_conv(x, edge_index, W, b):
    # GCNConv with added self-loops and symmetric normalization:
    # out = D^{-1/2} (A + I) D^{-1/2} X W + b
    src = edge_index[0]
    dst = edge_index[1]
    loop = jnp.arange(N, dtype=src.dtype)
    s = jnp.concatenate([src, loop])
    d = jnp.concatenate([dst, loop])
    deg = jax.ops.segment_sum(jnp.ones_like(s, dtype=jnp.float32), d, num_segments=N)
    dinv = jnp.where(deg > 0, 1.0 / jnp.sqrt(deg), 0.0)
    norm = dinv[s] * dinv[d]
    h = x @ W
    msg = jnp.take(h, s, axis=0) * norm[:, None]
    out = jax.ops.segment_sum(msg, d, num_segments=N)
    return out + b


def _graph_norm(x, gamma, beta, alpha, eps=1e-5):
    # PyG GraphNorm: single-graph batch; mean/var over nodes per channel,
    # with learnable mean-scale alpha.
    mean = jnp.mean(x, axis=0, keepdims=True)
    xc = x - alpha * mean
    var = jnp.mean(xc * xc, axis=0, keepdims=True)
    return gamma * xc / jnp.sqrt(var + eps) + beta


def reference(x, edge_index, W1, b1, g1, be1, a1, W2, b2, g2, be2, a2, W3, b3):
    # CustomGNN(type='GCN', num_layers=3, act=relu, norm=GraphNorm, dropout=0 eval)
    h = _gcn_conv(x, edge_index, W1, b1)
    h = _graph_norm(h, g1, be1, a1)
    h = jax.nn.relu(h)
    h = _gcn_conv(h, edge_index, W2, b2)
    h = _graph_norm(h, g2, be2, a2)
    h = jax.nn.relu(h)
    h = _gcn_conv(h, edge_index, W3, b3)
    return h

if __name__ == "__main__":
    import jax
    _d = setup_inputs()
    print(jax.jit(kernel)(*tuple(_d.values())))

</pallas_src>

<mosaic_0001>
#map = affine_map<(d0, d1) -> (0, 0)>
#map1 = affine_map<(d0, d1) -> (0, 0, 0)>
module attributes {stable_mosaic.version = 14 : i64} {
  func.func @k(%arg0: i32, %arg1: i32, %arg2: memref<20000x128xf32, #tpu.memory_space<hbm>>, %arg3: memref<16x96x128xi32, #tpu.memory_space<hbm>>, %arg4: memref<16x96x128xi32, #tpu.memory_space<hbm>>, %arg5: memref<10240x128xf32, #tpu.memory_space<hbm>>, %arg6: memref<10240x128xf32, #tpu.memory_space<hbm>>, %arg7: memref<10240x128xf32, #tpu.memory_space<hbm>>, %arg8: memref<10240x128xf32, #tpu.memory_space<vmem_shared>>, %arg9: memref<96x128xi32, #tpu.memory_space<vmem>>, %arg10: memref<96x128xi32, #tpu.memory_space<vmem>>, %arg11: memref<128x128xf32, #tpu.memory_space<vmem>>, %arg12: memref<!tpu.dma_semaphore, #tpu.memory_space<semaphore_mem>>) attributes {dimension_semantics = [#tpu.dimension_semantics<core_parallel>, #tpu.dimension_semantics<subcore_parallel>], iteration_bounds = array<i64: 2, 16>, scalar_prefetch = 0 : i64, scratch_operands = 5 : i64, tpu.core_type = #tpu.core_type<sc_vector_subcore>, window_params = [{transform_indices = #map}, {transform_indices = #map1}, {transform_indices = #map1}, {transform_indices = #map}, {transform_indices = #map}, {transform_indices = #map}]} {
    "tpu.region"() ({
      %run_scoped3A = tpu.sem_alloc : memref<!tpu.dma_semaphore, #tpu.memory_space<semaphore_mem>>
      %dma_start3A = arith.constant 0 : i32
      %dma_start3A_24 = arith.constant 0 : i32
      %dma_start3A_25 = tpu.memref_slice %arg3[%arg1, %dma_start3A, %dma_start3A_24] : memref<16x96x128xi32, #tpu.memory_space<hbm>> -> memref<1x96x128xi32, #tpu.memory_space<hbm>>
      %dma_start3A_26 = tpu.memref_squeeze %dma_start3A_25 : memref<1x96x128xi32, #tpu.memory_space<hbm>> -> memref<96x128xi32, #tpu.memory_space<hbm>>
      %dma_start3A_27 = arith.constant 0 : i32
      %dma_start3A_28 = arith.constant 0 : i32
      %dma_start3A_29 = tpu.memref_slice %arg3[%arg1, %dma_start3A_27, %dma_start3A_28] : memref<16x96x128xi32, #tpu.memory_space<hbm>> -> memref<1x96x128xi32, #tpu.memory_space<hbm>>
      %dma_start3A_30 = tpu.memref_squeeze %dma_start3A_29 : memref<1x96x128xi32, #tpu.memory_space<hbm>> -> memref<96x128xi32, #tpu.memory_space<hbm>>
      tpu.enqueue_dma source(%dma_start3A_30 : memref<96x128xi32, #tpu.memory_space<hbm>>) target(%arg9 : memref<96x128xi32, #tpu.memory_space<vmem>>) target_semaphore(%run_scoped3A : memref<!tpu.dma_semaphore, #tpu.memory_space<semaphore_mem>>)
      %dma_wait3A = arith.constant 0 : i32
      %dma_wait3A_31 = arith.constant 0 : i32
      %dma_wait3A_32 = tpu.memref_slice %arg3[%arg1, %dma_wait3A, %dma_wait3A_31] : memref<16x96x128xi32, #tpu.memory_space<hbm>> -> memref<1x96x128xi32, #tpu.memory_space<hbm>>
      %dma_wait3A_33 = tpu.memref_squeeze %dma_wait3A_32 : memref<1x96x128xi32, #tpu.memory_space<hbm>> -> memref<96x128xi32, #tpu.memory_space<hbm>>
      %dma_wait3A_34 = arith.constant 0 : i32
      %dma_wait3A_35 = arith.constant 0 : i32
      %dma_wait3A_36 = tpu.memref_slice %arg3[%arg1, %dma_wait3A_34, %dma_wait3A_35] : memref<16x96x128xi32, #tpu.memory_space<hbm>> -> memref<1x96x128xi32, #tpu.memory_space<hbm>>
      %dma_wait3A_37 = tpu.memref_squeeze %dma_wait3A_36 : memref<1x96x128xi32, #tpu.memory_space<hbm>> -> memref<96x128xi32, #tpu.memory_space<hbm>>
      tpu.wait_dma2 semaphore(%run_scoped3A : memref<!tpu.dma_semaphore, #tpu.memory_space<semaphore_mem>>) src(%dma_wait3A_37 : memref<96x128xi32, #tpu.memory_space<hbm>>) dst(%arg9 : memref<96x128xi32, #tpu.memory_space<vmem>>)
      tpu.yield
    }) : () -> ()
    "tpu.region"() ({
      %run_scoped3A = tpu.sem_alloc : memref<!tpu.dma_semaphore, #tpu.memory_space<semaphore_mem>>
      %dma_start3A = arith.constant 0 : i32
      %dma_start3A_24 = arith.constant 0 : i32
      %dma_start3A_25 = tpu.memref_slice %arg4[%arg1, %dma_start3A, %dma_start3A_24] : memref<16x96x128xi32, #tpu.memory_space<hbm>> -> memref<1x96x128xi32, #tpu.memory_space<hbm>>
      %dma_start3A_26 = tpu.memref_squeeze %dma_start3A_25 : memref<1x96x128xi32, #tpu.memory_space<hbm>> -> memref<96x128xi32, #tpu.memory_space<hbm>>
      %dma_start3A_27 = arith.constant 0 : i32
      %dma_start3A_28 = arith.constant 0 : i32
      %dma_start3A_29 = tpu.memref_slice %arg4[%arg1, %dma_start3A_27, %dma_start3A_28] : memref<16x96x128xi32, #tpu.memory_space<hbm>> -> memref<1x96x128xi32, #tpu.memory_space<hbm>>
      %dma_start3A_30 = tpu.memref_squeeze %dma_start3A_29 : memref<1x96x128xi32, #tpu.memory_space<hbm>> -> memref<96x128xi32, #tpu.memory_space<hbm>>
      tpu.enqueue_dma source(%dma_start3A_30 : memref<96x128xi32, #tpu.memory_space<hbm>>) target(%arg10 : memref<96x128xi32, #tpu.memory_space<vmem>>) target_semaphore(%run_scoped3A : memref<!tpu.dma_semaphore, #tpu.memory_space<semaphore_mem>>)
      %dma_wait3A = arith.constant 0 : i32
      %dma_wait3A_31 = arith.constant 0 : i32
      %dma_wait3A_32 = tpu.memref_slice %arg4[%arg1, %dma_wait3A, %dma_wait3A_31] : memref<16x96x128xi32, #tpu.memory_space<hbm>> -> memref<1x96x128xi32, #tpu.memory_space<hbm>>
      %dma_wait3A_33 = tpu.memref_squeeze %dma_wait3A_32 : memref<1x96x128xi32, #tpu.memory_space<hbm>> -> memref<96x128xi32, #tpu.memory_space<hbm>>
      %dma_wait3A_34 = arith.constant 0 : i32
      %dma_wait3A_35 = arith.constant 0 : i32
      %dma_wait3A_36 = tpu.memref_slice %arg4[%arg1, %dma_wait3A_34, %dma_wait3A_35] : memref<16x96x128xi32, #tpu.memory_space<hbm>> -> memref<1x96x128xi32, #tpu.memory_space<hbm>>
      %dma_wait3A_37 = tpu.memref_squeeze %dma_wait3A_36 : memref<1x96x128xi32, #tpu.memory_space<hbm>> -> memref<96x128xi32, #tpu.memory_space<hbm>>
      tpu.wait_dma2 semaphore(%run_scoped3A : memref<!tpu.dma_semaphore, #tpu.memory_space<semaphore_mem>>) src(%dma_wait3A_37 : memref<96x128xi32, #tpu.memory_space<hbm>>) dst(%arg10 : memref<96x128xi32, #tpu.memory_space<vmem>>)
      tpu.yield
    }) : () -> ()
    %mul3A = arith.constant 10000 : i32
    %mul3A_0 = arith.muli %arg0, %mul3A : i32
    %scan3A = arith.constant 0 : i32
    %scan3A_1 = arith.constant 0 : i32
    %scan3A_2 = arith.constant 768 : i32
    %scan3A_3 = arith.addi %scan3A_1, %scan3A_2 : i32
    %scan3A_4 = arith.constant 1 : i32
    scf.for %scan3A_24 = %scan3A_1 to %scan3A_3 step %scan3A_4  : i32 {
      %jit3A = arith.constant 8 : i32
      %div3A = arith.divsi %scan3A_24, %jit3A : i32
      %sign3A = arith.constant 0 : i32
      %sign3A_25 = arith.cmpi sgt, %scan3A_24, %sign3A : i32
      %sign3A_26 = arith.extui %sign3A_25 : i1 to i32
      %sign3A_27 = arith.constant 0 : i32
      %sign3A_28 = arith.cmpi slt, %scan3A_24, %sign3A_27 : i32
      %sign3A_29 = arith.extui %sign3A_28 : i1 to i32
      %sign3A_30 = arith.subi %sign3A_26, %sign3A_29 : i32
      %sign3A_31 = arith.constant 0 : i32
      %sign3A_32 = arith.cmpi sgt, %jit3A, %sign3A_31 : i32
      %sign3A_33 = arith.extui %sign3A_32 : i1 to i32
      %sign3A_34 = arith.constant 0 : i32
      %sign3A_35 = arith.cmpi slt, %jit3A, %sign3A_34 : i32
      %sign3A_36 = arith.extui %sign3A_35 : i1 to i32
      %sign3A_37 = arith.subi %sign3A_33, %sign3A_36 : i32
      %ne3A = arith.cmpi ne, %sign3A_30, %sign3A_37 : i32
      %rem3A = arith.remsi %scan3A_24, %jit3A : i32
      %ne3A_38 = arith.constant 0 : i32
      %ne3A_39 = arith.cmpi ne, %rem3A, %ne3A_38 : i32
      %and3A = arith.andi %ne3A, %ne3A_39 : i1
      %sub3A = arith.constant 1 : i32
      %sub3A_40 = arith.subi %div3A, %sub3A : i32
      %select_n3A = arith.select %and3A, %sub3A_40, %div3A : i32
      %jit3A_41 = arith.constant 8 : i32
      %eq3A_42 = arith.constant 0 : i32
      %eq3A_43 = arith.cmpi eq, %jit3A_41, %eq3A_42 : i32
      %jit3A_44 = arith.constant 1 : i32
      %select_n3A_45 = arith.select %eq3A_43, %jit3A_44, %jit3A_41 : i32
      %rem3A_46 = arith.remsi %scan3A_24, %select_n3A_45 : i32
      %ne3A_47 = arith.constant 0 : i32
      %ne3A_48 = arith.cmpi ne, %rem3A_46, %ne3A_47 : i32
      %lt3A = arith.constant 0 : i32
      %lt3A_49 = arith.cmpi slt, %rem3A_46, %lt3A : i32
      %lt3A_50 = arith.constant 0 : i32
      %lt3A_51 = arith.cmpi slt, %select_n3A_45, %lt3A_50 : i32
      %ne3A_52 = arith.xori %lt3A_49, %lt3A_51 : i1
      %and3A_53 = arith.andi %ne3A_52, %ne3A_48 : i1
      %add3A = arith.addi %rem3A_46, %select_n3A_45 : i32
      %select_n3A_54 = arith.select %and3A_53, %add3A, %rem3A_46 : i32
      %mul3A_55 = arith.constant 16 : i32
      %mul3A_56 = arith.muli %select_n3A_54, %mul3A_55 : i32
      %get3A = arith.index_cast %select_n3A : i32 to index
      %get3A_57 = arith.index_cast %mul3A_56 : i32 to index
      %get3A_58 = tpu.vector_load %arg9[%get3A, %get3A_57] {strides = array<i32>} : memref<96x128xi32, #tpu.memory_space<vmem>>, vector<1x16xi32>,
      %get3A_59 = vector.shape_cast %get3A_58 : vector<1x16xi32> to vector<16xi32>
      %add3A_60 = vector.broadcast %mul3A_0 : i32 to vector<16xi32>
      %add3A_61 = arith.addi %get3A_59, %add3A_60 : vector<16xi32>
      %swap3A = arith.index_cast %select_n3A : i32 to index
      %swap3A_62 = arith.index_cast %mul3A_56 : i32 to index
      %swap3A_63 = tpu.vector_load %arg9[%swap3A, %swap3A_62] {strides = array<i32>} : memref<96x128xi32, #tpu.memory_space<vmem>>, vector<1x16xi32>,
      %swap3A_64 = vector.shape_cast %swap3A_63 : vector<1x16xi32> to vector<16xi32>
      %swap3A_65 = vector.shape_cast %add3A_61 : vector<16xi32> to vector<1x16xi32>
      tpu.vector_store %arg9[%swap3A, %swap3A_62], %swap3A_65 {strides = array<i32>} : memref<96x128xi32, #tpu.memory_space<vmem>>, vector<1x16xi32>,
    }
    %scan3A_5 = arith.constant 768 : i32
    %mul3A_6 = arith.constant 640 : i32
    %mul3A_7 = arith.muli %arg1, %mul3A_6 : i32
    %mul3A_8 = arith.constant 640 : i32
    %mul3A_9 = arith.muli %arg1, %mul3A_8 : i32
    "tpu.region"() ({
      %run_scoped3A = tpu.sem_alloc : memref<!tpu.dma_semaphore, #tpu.memory_space<semaphore_mem>>
      %dma_start3A = arith.constant 0 : i32
      %dma_start3A_24 = tpu.memref_slice %arg8[%mul3A_9, %dma_start3A] : memref<10240x128xf32, #tpu.memory_space<vmem_shared>> -> memref<640x128xf32, #tpu.memory_space<vmem_shared>>
      %dma_start3A_25 = arith.constant 0 : i32
      %dma_start3A_26 = tpu.memref_slice %arg5[%mul3A_7, %dma_start3A_25] : memref<10240x128xf32, #tpu.memory_space<hbm>> -> memref<640x128xf32, #tpu.memory_space<hbm>>
      tpu.enqueue_dma source(%dma_start3A_26 : memref<640x128xf32, #tpu.memory_space<hbm>>) target(%dma_start3A_24 : memref<640x128xf32, #tpu.memory_space<vmem_shared>>) target_semaphore(%run_scoped3A : memref<!tpu.dma_semaphore, #tpu.memory_space<semaphore_mem>>)
      %dma_wait3A = arith.constant 0 : i32
      %dma_wait3A_27 = tpu.memref_slice %arg8[%mul3A_9, %dma_wait3A] : memref<10240x128xf32, #tpu.memory_space<vmem_shared>> -> memref<640x128xf32, #tpu.memory_space<vmem_shared>>
      %dma_wait3A_28 = arith.constant 0 : i32
      %dma_wait3A_29 = tpu.memref_slice %arg5[%mul3A_7, %dma_wait3A_28] : memref<10240x128xf32, #tpu.memory_space<hbm>> -> memref<640x128xf32, #tpu.memory_space<hbm>>
      tpu.wait_dma2 semaphore(%run_scoped3A : memref<!tpu.dma_semaphore, #tpu.memory_space<semaphore_mem>>) src(%dma_wait3A_29 : memref<640x128xf32, #tpu.memory_space<hbm>>) dst(%dma_wait3A_27 : memref<640x128xf32, #tpu.memory_space<vmem_shared>>)
      tpu.yield
    }) : () -> ()
    %barrier3A = arith.constant 0 : index
    tpu.barrier barrier_id(%barrier3A)
    %scan3A_10 = arith.constant 0 : i32
    %scan3A_11 = arith.constant 0 : i32
    %scan3A_12 = arith.constant 96 : i32
    %scan3A_13 = arith.addi %scan3A_11, %scan3A_12 : i32
    %scan3A_14 = arith.constant 1 : i32
    scf.for %scan3A_24 = %scan3A_11 to %scan3A_13 step %scan3A_14  : i32 {
      %dma_start3A = arith.constant 0 : i32
      %dma_start3A_25 = tpu.memref_slice %arg9[%scan3A_24, %dma_start3A] : memref<96x128xi32, #tpu.memory_space<vmem>> -> memref<1x128xi32, #tpu.memory_space<vmem>>
      %dma_start3A_26 = tpu.memref_squeeze %dma_start3A_25 : memref<1x128xi32, #tpu.memory_space<vmem>> -> memref<128xi32, #tpu.memory_space<vmem>>
      %dma_start3A_27 = arith.constant 0 : i32
      %dma_start3A_28 = arith.constant 0 : i32
      %dma_start3A_29 = tpu.memref_slice %arg2[%dma_start3A_27, %dma_start3A_28] : memref<20000x128xf32, #tpu.memory_space<hbm>> -> memref<20000x128xf32, #tpu.memory_space<hbm>>
      tpu.enqueue_indirect_dma source(%dma_start3A_29 : memref<20000x128xf32, #tpu.memory_space<hbm>>) target(%arg11 : memref<128x128xf32, #tpu.memory_space<vmem>>) offsets(%dma_start3A_26 : memref<128xi32, #tpu.memory_space<vmem>>) semaphore(%arg12 : memref<!tpu.dma_semaphore, #tpu.memory_space<semaphore_mem>>)
      %dma_wait3A = arith.constant 0 : i32
      %dma_wait3A_30 = tpu.memref_slice %arg9[%scan3A_24, %dma_wait3A] : memref<96x128xi32, #tpu.memory_space<vmem>> -> memref<1x128xi32, #tpu.memory_space<vmem>>
      %dma_wait3A_31 = tpu.memref_squeeze %dma_wait3A_30 : memref<1x128xi32, #tpu.memory_space<vmem>> -> memref<128xi32, #tpu.memory_space<vmem>>
      %dma_wait3A_32 = arith.constant 0 : i32
      %dma_wait3A_33 = arith.constant 0 : i32
      %dma_wait3A_34 = tpu.memref_slice %arg2[%dma_wait3A_32, %dma_wait3A_33] : memref<20000x128xf32, #tpu.memory_space<hbm>> -> memref<20000x128xf32, #tpu.memory_space<hbm>>
      tpu.wait_indirect_dma semaphore(%arg12 : memref<!tpu.dma_semaphore, #tpu.memory_space<semaphore_mem>>) src(%dma_wait3A_34 : memref<20000x128xf32, #tpu.memory_space<hbm>>) dst(%arg11 : memref<128x128xf32, #tpu.memory_space<vmem>>)
      "tpu.region"() ({
        %run_scoped3A = tpu.sem_alloc : memref<!tpu.dma_semaphore, #tpu.memory_space<semaphore_mem>>
        %dma_start3A_35 = arith.constant 0 : i32
        %dma_start3A_36 = tpu.memref_slice %arg10[%scan3A_24, %dma_start3A_35] : memref<96x128xi32, #tpu.memory_space<vmem>> -> memref<1x128xi32, #tpu.memory_space<vmem>>
        %dma_start3A_37 = tpu.memref_squeeze %dma_start3A_36 : memref<1x128xi32, #tpu.memory_space<vmem>> -> memref<128xi32, #tpu.memory_space<vmem>>
        %dma_start3A_38 = arith.constant 0 : i32
        %dma_start3A_39 = arith.constant 0 : i32
        %dma_start3A_40 = tpu.memref_slice %arg8[%dma_start3A_38, %dma_start3A_39] : memref<10240x128xf32, #tpu.memory_space<vmem_shared>> -> memref<10240x128xf32, #tpu.memory_space<vmem_shared>>
        tpu.enqueue_indirect_dma source(%arg11 : memref<128x128xf32, #tpu.memory_space<vmem>>) target(%dma_start3A_40 : memref<10240x128xf32, #tpu.memory_space<vmem_shared>>) offsets(%dma_start3A_37 : memref<128xi32, #tpu.memory_space<vmem>>) semaphore(%run_scoped3A : memref<!tpu.dma_semaphore, #tpu.memory_space<semaphore_mem>>) {add = true}
        %dma_wait3A_41 = arith.constant 0 : i32
        %dma_wait3A_42 = tpu.memref_slice %arg10[%scan3A_24, %dma_wait3A_41] : memref<96x128xi32, #tpu.memory_space<vmem>> -> memref<1x128xi32, #tpu.memory_space<vmem>>
        %dma_wait3A_43 = tpu.memref_squeeze %dma_wait3A_42 : memref<1x128xi32, #tpu.memory_space<vmem>> -> memref<128xi32, #tpu.memory_space<vmem>>
        %dma_wait3A_44 = arith.constant 0 : i32
        %dma_wait3A_45 = arith.constant 0 : i32
        %dma_wait3A_46 = tpu.memref_slice %arg8[%dma_wait3A_44, %dma_wait3A_45] : memref<10240x128xf32, #tpu.memory_space<vmem_shared>> -> memref<10240x128xf32, #tpu.memory_space<vmem_shared>>
        tpu.wait_indirect_dma semaphore(%run_scoped3A : memref<!tpu.dma_semaphore, #tpu.memory_space<semaphore_mem>>) src(%arg11 : memref<128x128xf32, #tpu.memory_space<vmem>>) dst(%dma_wait3A_46 : memref<10240x128xf32, #tpu.memory_space<vmem_shared>>)
        tpu.yield
      }) : () -> ()
    }
    %scan3A_15 = arith.constant 96 : i32
    %barrier3A_16 = arith.constant 0 : index
    tpu.barrier barrier_id(%barrier3A_16)
    %eq3A = arith.constant 0 : i32
    %eq3A_17 = arith.cmpi eq, %arg0, %eq3A : i32
    %convert_element_type3A = arith.extui %eq3A_17 : i1 to i32
    %cond3A = arith.constant 0 : i32
    %cond3A_18 = arith.cmpi ne, %convert_element_type3A, %cond3A : i32
    scf.if %cond3A_18 {
      %mul3A_24 = arith.constant 640 : i32
      %mul3A_25 = arith.muli %arg1, %mul3A_24 : i32
      %mul3A_26 = arith.constant 640 : i32
      %mul3A_27 = arith.muli %arg1, %mul3A_26 : i32
      "tpu.region"() ({
        %run_scoped3A = tpu.sem_alloc : memref<!tpu.dma_semaphore, #tpu.memory_space<semaphore_mem>>
        %dma_start3A = arith.constant 0 : i32
        %dma_start3A_28 = tpu.memref_slice %arg6[%mul3A_27, %dma_start3A] : memref<10240x128xf32, #tpu.memory_space<hbm>> -> memref<640x128xf32, #tpu.memory_space<hbm>>
        %dma_start3A_29 = arith.constant 0 : i32
        %dma_start3A_30 = tpu.memref_slice %arg8[%mul3A_25, %dma_start3A_29] : memref<10240x128xf32, #tpu.memory_space<vmem_shared>> -> memref<640x128xf32, #tpu.memory_space<vmem_shared>>
        tpu.enqueue_dma source(%dma_start3A_30 : memref<640x128xf32, #tpu.memory_space<vmem_shared>>) target(%dma_start3A_28 : memref<640x128xf32, #tpu.memory_space<hbm>>) target_semaphore(%run_scoped3A : memref<!tpu.dma_semaphore, #tpu.memory_space<semaphore_mem>>)
        %dma_wait3A = arith.constant 0 : i32
        %dma_wait3A_31 = tpu.memref_slice %arg6[%mul3A_27, %dma_wait3A] : memref<10240x128xf32, #tpu.memory_space<hbm>> -> memref<640x128xf32, #tpu.memory_space<hbm>>
        %dma_wait3A_32 = arith.constant 0 : i32
        %dma_wait3A_33 = tpu.memref_slice %arg8[%mul3A_25, %dma_wait3A_32] : memref<10240x128xf32, #tpu.memory_space<vmem_shared>> -> memref<640x128xf32, #tpu.memory_space<vmem_shared>>
        tpu.wait_dma2 semaphore(%run_scoped3A : memref<!tpu.dma_semaphore, #tpu.memory_space<semaphore_mem>>) src(%dma_wait3A_33 : memref<640x128xf32, #tpu.memory_space<vmem_shared>>) dst(%dma_wait3A_31 : memref<640x128xf32, #tpu.memory_space<hbm>>)
        tpu.yield
      }) : () -> ()
    } else {
    }
    %eq3A_19 = arith.constant 1 : i32
    %eq3A_20 = arith.cmpi eq, %arg0, %eq3A_19 : i32
    %convert_element_type3A_21 = arith.extui %eq3A_20 : i1 to i32
    %cond3A_22 = arith.constant 0 : i32
    %cond3A_23 = arith.cmpi ne, %convert_element_type3A_21, %cond3A_22 : i32
    scf.if %cond3A_23 {
      %mul3A_24 = arith.constant 640 : i32
      %mul3A_25 = arith.muli %arg1, %mul3A_24 : i32
      %mul3A_26 = arith.constant 640 : i32
      %mul3A_27 = arith.muli %arg1, %mul3A_26 : i32
      "tpu.region"() ({
        %run_scoped3A = tpu.sem_alloc : memref<!tpu.dma_semaphore, #tpu.memory_space<semaphore_mem>>
        %dma_start3A = arith.constant 0 : i32
        %dma_start3A_28 = tpu.memref_slice %arg7[%mul3A_27, %dma_start3A] : memref<10240x128xf32, #tpu.memory_space<hbm>> -> memref<640x128xf32, #tpu.memory_space<hbm>>
        %dma_start3A_29 = arith.constant 0 : i32
        %dma_start3A_30 = tpu.memref_slice %arg8[%mul3A_25, %dma_start3A_29] : memref<10240x128xf32, #tpu.memory_space<vmem_shared>> -> memref<640x128xf32, #tpu.memory_space<vmem_shared>>
        tpu.enqueue_dma source(%dma_start3A_30 : memref<640x128xf32, #tpu.memory_space<vmem_shared>>) target(%dma_start3A_28 : memref<640x128xf32, #tpu.memory_space<hbm>>) target_semaphore(%run_scoped3A : memref<!tpu.dma_semaphore, #tpu.memory_space<semaphore_mem>>)
        %dma_wait3A = arith.constant 0 : i32
        %dma_wait3A_31 = tpu.memref_slice %arg7[%mul3A_27, %dma_wait3A] : memref<10240x128xf32, #tpu.memory_space<hbm>> -> memref<640x128xf32, #tpu.memory_space<hbm>>
        %dma_wait3A_32 = arith.constant 0 : i32
        %dma_wait3A_33 = tpu.memref_slice %arg8[%mul3A_25, %dma_wait3A_32] : memref<10240x128xf32, #tpu.memory_space<vmem_shared>> -> memref<640x128xf32, #tpu.memory_space<vmem_shared>>
        tpu.wait_dma2 semaphore(%run_scoped3A : memref<!tpu.dma_semaphore, #tpu.memory_space<semaphore_mem>>) src(%dma_wait3A_33 : memref<640x128xf32, #tpu.memory_space<vmem_shared>>) dst(%dma_wait3A_31 : memref<640x128xf32, #tpu.memory_space<hbm>>)
        tpu.yield
      }) : () -> ()
    } else {
    }
    return
  }
}

#map = affine_map<(d0, d1) -> (0, 0)>
#map1 = affine_map<(d0, d1) -> (0, 0, 0)>
module attributes {stable_mosaic.version = 14 : i64} {
  func.func @k(%arg0: i32, %arg1: i32, %arg2: memref<40000x128xf32, #tpu.memory_space<hbm>>, %arg3: memref<16x96x128xi32, #tpu.memory_space<hbm>>, %arg4: memref<16x96x128xi32, #tpu.memory_space<hbm>>, %arg5: memref<10240x128xf32, #tpu.memory_space<hbm>>, %arg6: memref<10240x128xf32, #tpu.memory_space<hbm>>, %arg7: memref<10240x128xf32, #tpu.memory_space<hbm>>, %arg8: memref<10240x128xf32, #tpu.memory_space<hbm>>, %arg9: memref<10240x128xf32, #tpu.memory_space<hbm>>, %arg10: memref<10240x128xf32, #tpu.memory_space<vmem_shared>>, %arg11: memref<96x128xi32, #tpu.memory_space<vmem>>, %arg12: memref<96x128xi32, #tpu.memory_space<vmem>>, %arg13: memref<128x128xf32, #tpu.memory_space<vmem>>, %arg14: memref<!tpu.dma_semaphore, #tpu.memory_space<semaphore_mem>>) attributes {dimension_semantics = [#tpu.dimension_semantics<core_parallel>, #tpu.dimension_semantics<subcore_parallel>], iteration_bounds = array<i64: 2, 16>, scalar_prefetch = 0 : i64, scratch_operands = 5 : i64, tpu.core_type = #tpu.core_type<sc_vector_subcore>, window_params = [{transform_indices = #map}, {transform_indices = #map1}, {transform_indices = #map1}, {transform_indices = #map}, {transform_indices = #map}, {transform_indices = #map}, {transform_indices = #map}, {transform_indices = #map}]} {
    "tpu.region"() ({
      %run_scoped3A = tpu.sem_alloc : memref<!tpu.dma_semaphore, #tpu.memory_space<semaphore_mem>>
      %dma_start3A = arith.constant 0 : i32
      %dma_start3A_54 = arith.constant 0 : i32
      %dma_start3A_55 = tpu.memref_slice %arg3[%arg1, %dma_start3A, %dma_start3A_54] : memref<16x96x128xi32, #tpu.memory_space<hbm>> -> memref<1x96x128xi32, #tpu.memory_space<hbm>>
      %dma_start3A_56 = tpu.memref_squeeze %dma_start3A_55 : memref<1x96x128xi32, #tpu.memory_space<hbm>> -> memref<96x128xi32, #tpu.memory_space<hbm>>
      %dma_start3A_57 = arith.constant 0 : i32
      %dma_start3A_58 = arith.constant 0 : i32
      %dma_start3A_59 = tpu.memref_slice %arg3[%arg1, %dma_start3A_57, %dma_start3A_58] : memref<16x96x128xi32, #tpu.memory_space<hbm>> -> memref<1x96x128xi32, #tpu.memory_space<hbm>>
      %dma_start3A_60 = tpu.memref_squeeze %dma_start3A_59 : memref<1x96x128xi32, #tpu.memory_space<hbm>> -> memref<96x128xi32, #tpu.memory_space<hbm>>
      tpu.enqueue_dma source(%dma_start3A_60 : memref<96x128xi32, #tpu.memory_space<hbm>>) target(%arg11 : memref<96x128xi32, #tpu.memory_space<vmem>>) target_semaphore(%run_scoped3A : memref<!tpu.dma_semaphore, #tpu.memory_space<semaphore_mem>>)
      %dma_wait3A = arith.constant 0 : i32
      %dma_wait3A_61 = arith.constant 0 : i32
      %dma_wait3A_62 = tpu.memref_slice %arg3[%arg1, %dma_wait3A, %dma_wait3A_61] : memref<16x96x128xi32, #tpu.memory_space<hbm>> -> memref<1x96x128xi32, #tpu.memory_space<hbm>>
      %dma_wait3A_63 = tpu.memref_squeeze %dma_wait3A_62 : memref<1x96x128xi32, #tpu.memory_space<hbm>> -> memref<96x128xi32, #tpu.memory_space<hbm>>
      %dma_wait3A_64 = arith.constant 0 : i32
      %dma_wait3A_65 = arith.constant 0 : i32
      %dma_wait3A_66 = tpu.memref_slice %arg3[%arg1, %dma_wait3A_64, %dma_wait3A_65] : memref<16x96x128xi32, #tpu.memory_space<hbm>> -> memref<1x96x128xi32, #tpu.memory_space<hbm>>
      %dma_wait3A_67 = tpu.memref_squeeze %dma_wait3A_66 : memref<1x96x128xi32, #tpu.memory_space<hbm>> -> memref<96x128xi32, #tpu.memory_space<hbm>>
      tpu.wait_dma2 semaphore(%run_scoped3A : memref<!tpu.dma_semaphore, #tpu.memory_space<semaphore_mem>>) src(%dma_wait3A_67 : memref<96x128xi32, #tpu.memory_space<hbm>>) dst(%arg11 : memref<96x128xi32, #tpu.memory_space<vmem>>)
      tpu.yield
    }) : () -> ()
    "tpu.region"() ({
      %run_scoped3A = tpu.sem_alloc : memref<!tpu.dma_semaphore, #tpu.memory_space<semaphore_mem>>
      %dma_start3A = arith.constant 0 : i32
      %dma_start3A_54 = arith.constant 0 : i32
      %dma_start3A_55 = tpu.memref_slice %arg4[%arg1, %dma_start3A, %dma_start3A_54] : memref<16x96x128xi32, #tpu.memory_space<hbm>> -> memref<1x96x128xi32, #tpu.memory_space<hbm>>
      %dma_start3A_56 = tpu.memref_squeeze %dma_start3A_55 : memref<1x96x128xi32, #tpu.memory_space<hbm>> -> memref<96x128xi32, #tpu.memory_space<hbm>>
      %dma_start3A_57 = arith.constant 0 : i32
      %dma_start3A_58 = arith.constant 0 : i32
      %dma_start3A_59 = tpu.memref_slice %arg4[%arg1, %dma_start3A_57, %dma_start3A_58] : memref<16x96x128xi32, #tpu.memory_space<hbm>> -> memref<1x96x128xi32, #tpu.memory_space<hbm>>
      %dma_start3A_60 = tpu.memref_squeeze %dma_start3A_59 : memref<1x96x128xi32, #tpu.memory_space<hbm>> -> memref<96x128xi32, #tpu.memory_space<hbm>>
      tpu.enqueue_dma source(%dma_start3A_60 : memref<96x128xi32, #tpu.memory_space<hbm>>) target(%arg12 : memref<96x128xi32, #tpu.memory_space<vmem>>) target_semaphore(%run_scoped3A : memref<!tpu.dma_semaphore, #tpu.memory_space<semaphore_mem>>)
      %dma_wait3A = arith.constant 0 : i32
      %dma_wait3A_61 = arith.constant 0 : i32
      %dma_wait3A_62 = tpu.memref_slice %arg4[%arg1, %dma_wait3A, %dma_wait3A_61] : memref<16x96x128xi32, #tpu.memory_space<hbm>> -> memref<1x96x128xi32, #tpu.memory_space<hbm>>
      %dma_wait3A_63 = tpu.memref_squeeze %dma_wait3A_62 : memref<1x96x128xi32, #tpu.memory_space<hbm>> -> memref<96x128xi32, #tpu.memory_space<hbm>>
      %dma_wait3A_64 = arith.constant 0 : i32
      %dma_wait3A_65 = arith.constant 0 : i32
      %dma_wait3A_66 = tpu.memref_slice %arg4[%arg1, %dma_wait3A_64, %dma_wait3A_65] : memref<16x96x128xi32, #tpu.memory_space<hbm>> -> memref<1x96x128xi32, #tpu.memory_space<hbm>>
      %dma_wait3A_67 = tpu.memref_squeeze %dma_wait3A_66 : memref<1x96x128xi32, #tpu.memory_space<hbm>> -> memref<96x128xi32, #tpu.memory_space<hbm>>
      tpu.wait_dma2 semaphore(%run_scoped3A : memref<!tpu.dma_semaphore, #tpu.memory_space<semaphore_mem>>) src(%dma_wait3A_67 : memref<96x128xi32, #tpu.memory_space<hbm>>) dst(%arg12 : memref<96x128xi32, #tpu.memory_space<vmem>>)
      tpu.yield
    }) : () -> ()
    %mul3A = arith.constant 10000 : i32
    %mul3A_0 = arith.muli %arg0, %mul3A : i32
    %scan3A = arith.constant 0 : i32
    %scan3A_1 = arith.constant 0 : i32
    %scan3A_2 = arith.constant 768 : i32
    %scan3A_3 = arith.addi %scan3A_1, %scan3A_2 : i32
    %scan3A_4 = arith.constant 1 : i32
    scf.for %scan3A_54 = %scan3A_1 to %scan3A_3 step %scan3A_4  : i32 {
      %jit3A = arith.constant 8 : i32
      %div3A = arith.divsi %scan3A_54, %jit3A : i32
      %sign3A = arith.constant 0 : i32
      %sign3A_55 = arith.cmpi sgt, %scan3A_54, %sign3A : i32
      %sign3A_56 = arith.extui %sign3A_55 : i1 to i32
      %sign3A_57 = arith.constant 0 : i32
      %sign3A_58 = arith.cmpi slt, %scan3A_54, %sign3A_57 : i32
      %sign3A_59 = arith.extui %sign3A_58 : i1 to i32
      %sign3A_60 = arith.subi %sign3A_56, %sign3A_59 : i32
      %sign3A_61 = arith.constant 0 : i32
      %sign3A_62 = arith.cmpi sgt, %jit3A, %sign3A_61 : i32
      %sign3A_63 = arith.extui %sign3A_62 : i1 to i32
      %sign3A_64 = arith.constant 0 : i32
      %sign3A_65 = arith.cmpi slt, %jit3A, %sign3A_64 : i32
      %sign3A_66 = arith.extui %sign3A_65 : i1 to i32
      %sign3A_67 = arith.subi %sign3A_63, %sign3A_66 : i32
      %ne3A = arith.cmpi ne, %sign3A_60, %sign3A_67 : i32
      %rem3A = arith.remsi %scan3A_54, %jit3A : i32
      %ne3A_68 = arith.constant 0 : i32
      %ne3A_69 = arith.cmpi ne, %rem3A, %ne3A_68 : i32
      %and3A = arith.andi %ne3A, %ne3A_69 : i1
      %sub3A = arith.constant 1 : i32
      %sub3A_70 = arith.subi %div3A, %sub3A : i32
      %select_n3A = arith.select %and3A, %sub3A_70, %div3A : i32
      %jit3A_71 = arith.constant 8 : i32
      %eq3A_72 = arith.constant 0 : i32
      %eq3A_73 = arith.cmpi eq, %jit3A_71, %eq3A_72 : i32
      %jit3A_74 = arith.constant 1 : i32
      %select_n3A_75 = arith.select %eq3A_73, %jit3A_74, %jit3A_71 : i32
      %rem3A_76 = arith.remsi %scan3A_54, %select_n3A_75 : i32
      %ne3A_77 = arith.constant 0 : i32
      %ne3A_78 = arith.cmpi ne, %rem3A_76, %ne3A_77 : i32
      %lt3A = arith.constant 0 : i32
      %lt3A_79 = arith.cmpi slt, %rem3A_76, %lt3A : i32
      %lt3A_80 = arith.constant 0 : i32
      %lt3A_81 = arith.cmpi slt, %select_n3A_75, %lt3A_80 : i32
      %ne3A_82 = arith.xori %lt3A_79, %lt3A_81 : i1
      %and3A_83 = arith.andi %ne3A_82, %ne3A_78 : i1
      %add3A = arith.addi %rem3A_76, %select_n3A_75 : i32
      %select_n3A_84 = arith.select %and3A_83, %add3A, %rem3A_76 : i32
      %mul3A_85 = arith.constant 16 : i32
      %mul3A_86 = arith.muli %select_n3A_84, %mul3A_85 : i32
      %get3A = arith.index_cast %select_n3A : i32 to index
      %get3A_87 = arith.index_cast %mul3A_86 : i32 to index
      %get3A_88 = tpu.vector_load %arg11[%get3A, %get3A_87] {strides = array<i32>} : memref<96x128xi32, #tpu.memory_space<vmem>>, vector<1x16xi32>,
      %get3A_89 = vector.shape_cast %get3A_88 : vector<1x16xi32> to vector<16xi32>
      %add3A_90 = vector.broadcast %mul3A_0 : i32 to vector<16xi32>
      %add3A_91 = arith.addi %get3A_89, %add3A_90 : vector<16xi32>
      %swap3A = arith.index_cast %select_n3A : i32 to index
      %swap3A_92 = arith.index_cast %mul3A_86 : i32 to index
      %swap3A_93 = tpu.vector_load %arg11[%swap3A, %swap3A_92] {strides = array<i32>} : memref<96x128xi32, #tpu.memory_space<vmem>>, vector<1x16xi32>,
      %swap3A_94 = vector.shape_cast %swap3A_93 : vector<1x16xi32> to vector<16xi32>
      %swap3A_95 = vector.shape_cast %add3A_91 : vector<16xi32> to vector<1x16xi32>
      tpu.vector_store %arg11[%swap3A, %swap3A_92], %swap3A_95 {strides = array<i32>} : memref<96x128xi32, #tpu.memory_space<vmem>>, vector<1x16xi32>,
    }
    %scan3A_5 = arith.constant 768 : i32
    %mul3A_6 = arith.constant 640 : i32
    %mul3A_7 = arith.muli %arg1, %mul3A_6 : i32
    %mul3A_8 = arith.constant 640 : i32
    %mul3A_9 = arith.muli %arg1, %mul3A_8 : i32
    "tpu.region"() ({
      %run_scoped3A = tpu.sem_alloc : memref<!tpu.dma_semaphore, #tpu.memory_space<semaphore_mem>>
      %dma_start3A = arith.constant 0 : i32
      %dma_start3A_54 = tpu.memref_slice %arg10[%mul3A_9, %dma_start3A] : memref<10240x128xf32, #tpu.memory_space<vmem_shared>> -> memref<640x128xf32, #tpu.memory_space<vmem_shared>>
      %dma_start3A_55 = arith.constant 0 : i32
      %dma_start3A_56 = tpu.memref_slice %arg5[%mul3A_7, %dma_start3A_55] : memref<10240x128xf32, #tpu.memory_space<hbm>> -> memref<640x128xf32, #tpu.memory_space<hbm>>
      tpu.enqueue_dma source(%dma_start3A_56 : memref<640x128xf32, #tpu.memory_space<hbm>>) target(%dma_start3A_54 : memref<640x128xf32, #tpu.memory_space<vmem_shared>>) target_semaphore(%run_scoped3A : memref<!tpu.dma_semaphore, #tpu.memory_space<semaphore_mem>>)
      %dma_wait3A = arith.constant 0 : i32
      %dma_wait3A_57 = tpu.memref_slice %arg10[%mul3A_9, %dma_wait3A] : memref<10240x128xf32, #tpu.memory_space<vmem_shared>> -> memref<640x128xf32, #tpu.memory_space<vmem_shared>>
      %dma_wait3A_58 = arith.constant 0 : i32
      %dma_wait3A_59 = tpu.memref_slice %arg5[%mul3A_7, %dma_wait3A_58] : memref<10240x128xf32, #tpu.memory_space<hbm>> -> memref<640x128xf32, #tpu.memory_space<hbm>>
      tpu.wait_dma2 semaphore(%run_scoped3A : memref<!tpu.dma_semaphore, #tpu.memory_space<semaphore_mem>>) src(%dma_wait3A_59 : memref<640x128xf32, #tpu.memory_space<hbm>>) dst(%dma_wait3A_57 : memref<640x128xf32, #tpu.memory_space<vmem_shared>>)
      tpu.yield
    }) : () -> ()
    %barrier3A = arith.constant 0 : index
    tpu.barrier barrier_id(%barrier3A)
    %scan3A_10 = arith.constant 0 : i32
    %scan3A_11 = arith.constant 0 : i32
    %scan3A_12 = arith.constant 96 : i32
    %scan3A_13 = arith.addi %scan3A_11, %scan3A_12 : i32
    %scan3A_14 = arith.constant 1 : i32
    scf.for %scan3A_54 = %scan3A_11 to %scan3A_13 step %scan3A_14  : i32 {
      %dma_start3A = arith.constant 0 : i32
      %dma_start3A_55 = tpu.memref_slice %arg11[%scan3A_54, %dma_start3A] : memref<96x128xi32, #tpu.memory_space<vmem>> -> memref<1x128xi32, #tpu.memory_space<vmem>>
      %dma_start3A_56 = tpu.memref_squeeze %dma_start3A_55 : memref<1x128xi32, #tpu.memory_space<vmem>> -> memref<128xi32, #tpu.memory_space<vmem>>
      %dma_start3A_57 = arith.constant 0 : i32
      %dma_start3A_58 = arith.constant 0 : i32
      %dma_start3A_59 = tpu.memref_slice %arg2[%dma_start3A_57, %dma_start3A_58] : memref<40000x128xf32, #tpu.memory_space<hbm>> -> memref<40000x128xf32, #tpu.memory_space<hbm>>
      tpu.enqueue_indirect_dma source(%dma_start3A_59 : memref<40000x128xf32, #tpu.memory_space<hbm>>) target(%arg13 : memref<128x128xf32, #tpu.memory_space<vmem>>) offsets(%dma_start3A_56 : memref<128xi32, #tpu.memory_space<vmem>>) semaphore(%arg14 : memref<!tpu.dma_semaphore, #tpu.memory_space<semaphore_mem>>)
      %dma_wait3A = arith.constant 0 : i32
      %dma_wait3A_60 = tpu.memref_slice %arg11[%scan3A_54, %dma_wait3A] : memref<96x128xi32, #tpu.memory_space<vmem>> -> memref<1x128xi32, #tpu.memory_space<vmem>>
      %dma_wait3A_61 = tpu.memref_squeeze %dma_wait3A_60 : memref<1x128xi32, #tpu.memory_space<vmem>> -> memref<128xi32, #tpu.memory_space<vmem>>
      %dma_wait3A_62 = arith.constant 0 : i32
      %dma_wait3A_63 = arith.constant 0 : i32
      %dma_wait3A_64 = tpu.memref_slice %arg2[%dma_wait3A_62, %dma_wait3A_63] : memref<40000x128xf32, #tpu.memory_space<hbm>> -> memref<40000x128xf32, #tpu.memory_space<hbm>>
      tpu.wait_indirect_dma semaphore(%arg14 : memref<!tpu.dma_semaphore, #tpu.memory_space<semaphore_mem>>) src(%dma_wait3A_64 : memref<40000x128xf32, #tpu.memory_space<hbm>>) dst(%arg13 : memref<128x128xf32, #tpu.memory_space<vmem>>)
      "tpu.region"() ({
        %run_scoped3A = tpu.sem_alloc : memref<!tpu.dma_semaphore, #tpu.memory_space<semaphore_mem>>
        %dma_start3A_65 = arith.constant 0 : i32
        %dma_start3A_66 = tpu.memref_slice %arg12[%scan3A_54, %dma_start3A_65] : memref<96x128xi32, #tpu.memory_space<vmem>> -> memref<1x128xi32, #tpu.memory_space<vmem>>
        %dma_start3A_67 = tpu.memref_squeeze %dma_start3A_66 : memref<1x128xi32, #tpu.memory_space<vmem>> -> memref<128xi32, #tpu.memory_space<vmem>>
        %dma_start3A_68 = arith.constant 0 : i32
        %dma_start3A_69 = arith.constant 0 : i32
        %dma_start3A_70 = tpu.memref_slice %arg10[%dma_start3A_68, %dma_start3A_69] : memref<10240x128xf32, #tpu.memory_space<vmem_shared>> -> memref<10240x128xf32, #tpu.memory_space<vmem_shared>>
        tpu.enqueue_indirect_dma source(%arg13 : memref<128x128xf32, #tpu.memory_space<vmem>>) target(%dma_start3A_70 : memref<10240x128xf32, #tpu.memory_space<vmem_shared>>) offsets(%dma_start3A_67 : memref<128xi32, #tpu.memory_space<vmem>>) semaphore(%run_scoped3A : memref<!tpu.dma_semaphore, #tpu.memory_space<semaphore_mem>>) {add = true}
        %dma_wait3A_71 = arith.constant 0 : i32
        %dma_wait3A_72 = tpu.memref_slice %arg12[%scan3A_54, %dma_wait3A_71] : memref<96x128xi32, #tpu.memory_space<vmem>> -> memref<1x128xi32, #tpu.memory_space<vmem>>
        %dma_wait3A_73 = tpu.memref_squeeze %dma_wait3A_72 : memref<1x128xi32, #tpu.memory_space<vmem>> -> memref<128xi32, #tpu.memory_space<vmem>>
        %dma_wait3A_74 = arith.constant 0 : i32
        %dma_wait3A_75 = arith.constant 0 : i32
        %dma_wait3A_76 = tpu.memref_slice %arg10[%dma_wait3A_74, %dma_wait3A_75] : memref<10240x128xf32, #tpu.memory_space<vmem_shared>> -> memref<10240x128xf32, #tpu.memory_space<vmem_shared>>
        tpu.wait_indirect_dma semaphore(%run_scoped3A : memref<!tpu.dma_semaphore, #tpu.memory_space<semaphore_mem>>) src(%arg13 : memref<128x128xf32, #tpu.memory_space<vmem>>) dst(%dma_wait3A_76 : memref<10240x128xf32, #tpu.memory_space<vmem_shared>>)
        tpu.yield
      }) : () -> ()
    }
    %scan3A_15 = arith.constant 96 : i32
    %barrier3A_16 = arith.constant 0 : index
    tpu.barrier barrier_id(%barrier3A_16)
    %eq3A = arith.constant 0 : i32
    %eq3A_17 = arith.cmpi eq, %arg0, %eq3A : i32
    %convert_element_type3A = arith.extui %eq3A_17 : i1 to i32
    %cond3A = arith.constant 0 : i32
    %cond3A_18 = arith.cmpi ne, %convert_element_type3A, %cond3A : i32
    scf.if %cond3A_18 {
      %mul3A_54 = arith.constant 640 : i32
      %mul3A_55 = arith.muli %arg1, %mul3A_54 : i32
      %mul3A_56 = arith.constant 640 : i32
      %mul3A_57 = arith.muli %arg1, %mul3A_56 : i32
      "tpu.region"() ({
        %run_scoped3A = tpu.sem_alloc : memref<!tpu.dma_semaphore, #tpu.memory_space<semaphore_mem>>
        %dma_start3A = arith.constant 0 : i32
        %dma_start3A_58 = tpu.memref_slice %arg6[%mul3A_57, %dma_start3A] : memref<10240x128xf32, #tpu.memory_space<hbm>> -> memref<640x128xf32, #tpu.memory_space<hbm>>
        %dma_start3A_59 = arith.constant 0 : i32
        %dma_start3A_60 = tpu.memref_slice %arg10[%mul3A_55, %dma_start3A_59] : memref<10240x128xf32, #tpu.memory_space<vmem_shared>> -> memref<640x128xf32, #tpu.memory_space<vmem_shared>>
        tpu.enqueue_dma source(%dma_start3A_60 : memref<640x128xf32, #tpu.memory_space<vmem_shared>>) target(%dma_start3A_58 : memref<640x128xf32, #tpu.memory_space<hbm>>) target_semaphore(%run_scoped3A : memref<!tpu.dma_semaphore, #tpu.memory_space<semaphore_mem>>)
        %dma_wait3A = arith.constant 0 : i32
        %dma_wait3A_61 = tpu.memref_slice %arg6[%mul3A_57, %dma_wait3A] : memref<10240x128xf32, #tpu.memory_space<hbm>> -> memref<640x128xf32, #tpu.memory_space<hbm>>
        %dma_wait3A_62 = arith.constant 0 : i32
        %dma_wait3A_63 = tpu.memref_slice %arg10[%mul3A_55, %dma_wait3A_62] : memref<10240x128xf32, #tpu.memory_space<vmem_shared>> -> memref<640x128xf32, #tpu.memory_space<vmem_shared>>
        tpu.wait_dma2 semaphore(%run_scoped3A : memref<!tpu.dma_semaphore, #tpu.memory_space<semaphore_mem>>) src(%dma_wait3A_63 : memref<640x128xf32, #tpu.memory_space<vmem_shared>>) dst(%dma_wait3A_61 : memref<640x128xf32, #tpu.memory_space<hbm>>)
        tpu.yield
      }) : () -> ()
    } else {
    }
    %eq3A_19 = arith.constant 1 : i32
    %eq3A_20 = arith.cmpi eq, %arg0, %eq3A_19 : i32
    %convert_element_type3A_21 = arith.extui %eq3A_20 : i1 to i32
    %cond3A_22 = arith.constant 0 : i32
    %cond3A_23 = arith.cmpi ne, %convert_element_type3A_21, %cond3A_22 : i32
    scf.if %cond3A_23 {
      %mul3A_54 = arith.constant 640 : i32
      %mul3A_55 = arith.muli %arg1, %mul3A_54 : i32
      %mul3A_56 = arith.constant 640 : i32
      %mul3A_57 = arith.muli %arg1, %mul3A_56 : i32
      "tpu.region"() ({
        %run_scoped3A = tpu.sem_alloc : memref<!tpu.dma_semaphore, #tpu.memory_space<semaphore_mem>>
        %dma_start3A = arith.constant 0 : i32
        %dma_start3A_58 = tpu.memref_slice %arg7[%mul3A_57, %dma_start3A] : memref<10240x128xf32, #tpu.memory_space<hbm>> -> memref<640x128xf32, #tpu.memory_space<hbm>>
        %dma_start3A_59 = arith.constant 0 : i32
        %dma_start3A_60 = tpu.memref_slice %arg10[%mul3A_55, %dma_start3A_59] : memref<10240x128xf32, #tpu.memory_space<vmem_shared>> -> memref<640x128xf32, #tpu.memory_space<vmem_shared>>
        tpu.enqueue_dma source(%dma_start3A_60 : memref<640x128xf32, #tpu.memory_space<vmem_shared>>) target(%dma_start3A_58 : memref<640x128xf32, #tpu.memory_space<hbm>>) target_semaphore(%run_scoped3A : memref<!tpu.dma_semaphore, #tpu.memory_space<semaphore_mem>>)
        %dma_wait3A = arith.constant 0 : i32
        %dma_wait3A_61 = tpu.memref_slice %arg7[%mul3A_57, %dma_wait3A] : memref<10240x128xf32, #tpu.memory_space<hbm>> -> memref<640x128xf32, #tpu.memory_space<hbm>>
        %dma_wait3A_62 = arith.constant 0 : i32
        %dma_wait3A_63 = tpu.memref_slice %arg10[%mul3A_55, %dma_wait3A_62] : memref<10240x128xf32, #tpu.memory_space<vmem_shared>> -> memref<640x128xf32, #tpu.memory_space<vmem_shared>>
        tpu.wait_dma2 semaphore(%run_scoped3A : memref<!tpu.dma_semaphore, #tpu.memory_space<semaphore_mem>>) src(%dma_wait3A_63 : memref<640x128xf32, #tpu.memory_space<vmem_shared>>) dst(%dma_wait3A_61 : memref<640x128xf32, #tpu.memory_space<hbm>>)
        tpu.yield
      }) : () -> ()
    } else {
    }
    %barrier3A_24 = arith.constant 0 : index
    tpu.barrier barrier_id(%barrier3A_24)
    %scan3A_25 = arith.constant 0 : i32
    %scan3A_26 = arith.constant 20000 : i32
    %scan3A_27 = arith.constant 0 : i32
    %scan3A_28 = arith.constant 768 : i32
    %scan3A_29 = arith.addi %scan3A_27, %scan3A_28 : i32
    %scan3A_30 = arith.constant 1 : i32
    scf.for %scan3A_54 = %scan3A_27 to %scan3A_29 step %scan3A_30  : i32 {
      %jit3A = arith.constant 8 : i32
      %div3A = arith.divsi %scan3A_54, %jit3A : i32
      %sign3A = arith.constant 0 : i32
      %sign3A_55 = arith.cmpi sgt, %scan3A_54, %sign3A : i32
      %sign3A_56 = arith.extui %sign3A_55 : i1 to i32
      %sign3A_57 = arith.constant 0 : i32
      %sign3A_58 = arith.cmpi slt, %scan3A_54, %sign3A_57 : i32
      %sign3A_59 = arith.extui %sign3A_58 : i1 to i32
      %sign3A_60 = arith.subi %sign3A_56, %sign3A_59 : i32
      %sign3A_61 = arith.constant 0 : i32
      %sign3A_62 = arith.cmpi sgt, %jit3A, %sign3A_61 : i32
      %sign3A_63 = arith.extui %sign3A_62 : i1 to i32
      %sign3A_64 = arith.constant 0 : i32
      %sign3A_65 = arith.cmpi slt, %jit3A, %sign3A_64 : i32
      %sign3A_66 = arith.extui %sign3A_65 : i1 to i32
      %sign3A_67 = arith.subi %sign3A_63, %sign3A_66 : i32
      %ne3A = arith.cmpi ne, %sign3A_60, %sign3A_67 : i32
      %rem3A = arith.remsi %scan3A_54, %jit3A : i32
      %ne3A_68 = arith.constant 0 : i32
      %ne3A_69 = arith.cmpi ne, %rem3A, %ne3A_68 : i32
      %and3A = arith.andi %ne3A, %ne3A_69 : i1
      %sub3A = arith.constant 1 : i32
      %sub3A_70 = arith.subi %div3A, %sub3A : i32
      %select_n3A = arith.select %and3A, %sub3A_70, %div3A : i32
      %jit3A_71 = arith.constant 8 : i32
      %eq3A_72 = arith.constant 0 : i32
      %eq3A_73 = arith.cmpi eq, %jit3A_71, %eq3A_72 : i32
      %jit3A_74 = arith.constant 1 : i32
      %select_n3A_75 = arith.select %eq3A_73, %jit3A_74, %jit3A_71 : i32
      %rem3A_76 = arith.remsi %scan3A_54, %select_n3A_75 : i32
      %ne3A_77 = arith.constant 0 : i32
      %ne3A_78 = arith.cmpi ne, %rem3A_76, %ne3A_77 : i32
      %lt3A = arith.constant 0 : i32
      %lt3A_79 = arith.cmpi slt, %rem3A_76, %lt3A : i32
      %lt3A_80 = arith.constant 0 : i32
      %lt3A_81 = arith.cmpi slt, %select_n3A_75, %lt3A_80 : i32
      %ne3A_82 = arith.xori %lt3A_79, %lt3A_81 : i1
      %and3A_83 = arith.andi %ne3A_82, %ne3A_78 : i1
      %add3A = arith.addi %rem3A_76, %select_n3A_75 : i32
      %select_n3A_84 = arith.select %and3A_83, %add3A, %rem3A_76 : i32
      %mul3A_85 = arith.constant 16 : i32
      %mul3A_86 = arith.muli %select_n3A_84, %mul3A_85 : i32
      %get3A = arith.index_cast %select_n3A : i32 to index
      %get3A_87 = arith.index_cast %mul3A_86 : i32 to index
      %get3A_88 = tpu.vector_load %arg11[%get3A, %get3A_87] {strides = array<i32>} : memref<96x128xi32, #tpu.memory_space<vmem>>, vector<1x16xi32>,
      %get3A_89 = vector.shape_cast %get3A_88 : vector<1x16xi32> to vector<16xi32>
      %add3A_90 = vector.broadcast %scan3A_26 : i32 to vector<16xi32>
      %add3A_91 = arith.addi %get3A_89, %add3A_90 : vector<16xi32>
      %swap3A = arith.index_cast %select_n3A : i32 to index
      %swap3A_92 = arith.index_cast %mul3A_86 : i32 to index
      %swap3A_93 = tpu.vector_load %arg11[%swap3A, %swap3A_92] {strides = array<i32>} : memref<96x128xi32, #tpu.memory_space<vmem>>, vector<1x16xi32>,
      %swap3A_94 = vector.shape_cast %swap3A_93 : vector<1x16xi32> to vector<16xi32>
      %swap3A_95 = vector.shape_cast %add3A_91 : vector<16xi32> to vector<1x16xi32>
      tpu.vector_store %arg11[%swap3A, %swap3A_92], %swap3A_95 {strides = array<i32>} : memref<96x128xi32, #tpu.memory_space<vmem>>, vector<1x16xi32>,
    }
    %scan3A_31 = arith.constant 768 : i32
    %mul3A_32 = arith.constant 640 : i32
    %mul3A_33 = arith.muli %arg1, %mul3A_32 : i32
    %mul3A_34 = arith.constant 640 : i32
    %mul3A_35 = arith.muli %arg1, %mul3A_34 : i32
    "tpu.region"() ({
      %run_scoped3A = tpu.sem_alloc : memref<!tpu.dma_semaphore, #tpu.memory_space<semaphore_mem>>
      %dma_start3A = arith.constant 0 : i32
      %dma_start3A_54 = tpu.memref_slice %arg10[%mul3A_35, %dma_start3A] : memref<10240x128xf32, #tpu.memory_space<vmem_shared>> -> memref<640x128xf32, #tpu.memory_space<vmem_shared>>
      %dma_start3A_55 = arith.constant 0 : i32
      %dma_start3A_56 = tpu.memref_slice %arg5[%mul3A_33, %dma_start3A_55] : memref<10240x128xf32, #tpu.memory_space<hbm>> -> memref<640x128xf32, #tpu.memory_space<hbm>>
      tpu.enqueue_dma source(%dma_start3A_56 : memref<640x128xf32, #tpu.memory_space<hbm>>) target(%dma_start3A_54 : memref<640x128xf32, #tpu.memory_space<vmem_shared>>) target_semaphore(%run_scoped3A : memref<!tpu.dma_semaphore, #tpu.memory_space<semaphore_mem>>)
      %dma_wait3A = arith.constant 0 : i32
      %dma_wait3A_57 = tpu.memref_slice %arg10[%mul3A_35, %dma_wait3A] : memref<10240x128xf32, #tpu.memory_space<vmem_shared>> -> memref<640x128xf32, #tpu.memory_space<vmem_shared>>
      %dma_wait3A_58 = arith.constant 0 : i32
      %dma_wait3A_59 = tpu.memref_slice %arg5[%mul3A_33, %dma_wait3A_58] : memref<10240x128xf32, #tpu.memory_space<hbm>> -> memref<640x128xf32, #tpu.memory_space<hbm>>
      tpu.wait_dma2 semaphore(%run_scoped3A : memref<!tpu.dma_semaphore, #tpu.memory_space<semaphore_mem>>) src(%dma_wait3A_59 : memref<640x128xf32, #tpu.memory_space<hbm>>) dst(%dma_wait3A_57 : memref<640x128xf32, #tpu.memory_space<vmem_shared>>)
      tpu.yield
    }) : () -> ()
    %barrier3A_36 = arith.constant 0 : index
    tpu.barrier barrier_id(%barrier3A_36)
    %scan3A_37 = arith.constant 0 : i32
    %scan3A_38 = arith.constant 0 : i32
    %scan3A_39 = arith.constant 96 : i32
    %scan3A_40 = arith.addi %scan3A_38, %scan3A_39 : i32
    %scan3A_41 = arith.constant 1 : i32
    scf.for %scan3A_54 = %scan3A_38 to %scan3A_40 step %scan3A_41  : i32 {
      %dma_start3A = arith.constant 0 : i32
      %dma_start3A_55 = tpu.memref_slice %arg11[%scan3A_54, %dma_start3A] : memref<96x128xi32, #tpu.memory_space<vmem>> -> memref<1x128xi32, #tpu.memory_space<vmem>>
      %dma_start3A_56 = tpu.memref_squeeze %dma_start3A_55 : memref<1x128xi32, #tpu.memory_space<vmem>> -> memref<128xi32, #tpu.memory_space<vmem>>
      %dma_start3A_57 = arith.constant 0 : i32
      %dma_start3A_58 = arith.constant 0 : i32
      %dma_start3A_59 = tpu.memref_slice %arg2[%dma_start3A_57, %dma_start3A_58] : memref<40000x128xf32, #tpu.memory_space<hbm>> -> memref<40000x128xf32, #tpu.memory_space<hbm>>
      tpu.enqueue_indirect_dma source(%dma_start3A_59 : memref<40000x128xf32, #tpu.memory_space<hbm>>) target(%arg13 : memref<128x128xf32, #tpu.memory_space<vmem>>) offsets(%dma_start3A_56 : memref<128xi32, #tpu.memory_space<vmem>>) semaphore(%arg14 : memref<!tpu.dma_semaphore, #tpu.memory_space<semaphore_mem>>)
      %dma_wait3A = arith.constant 0 : i32
      %dma_wait3A_60 = tpu.memref_slice %arg11[%scan3A_54, %dma_wait3A] : memref<96x128xi32, #tpu.memory_space<vmem>> -> memref<1x128xi32, #tpu.memory_space<vmem>>
      %dma_wait3A_61 = tpu.memref_squeeze %dma_wait3A_60 : memref<1x128xi32, #tpu.memory_space<vmem>> -> memref<128xi32, #tpu.memory_space<vmem>>
      %dma_wait3A_62 = arith.constant 0 : i32
      %dma_wait3A_63 = arith.constant 0 : i32
      %dma_wait3A_64 = tpu.memref_slice %arg2[%dma_wait3A_62, %dma_wait3A_63] : memref<40000x128xf32, #tpu.memory_space<hbm>> -> memref<40000x128xf32, #tpu.memory_space<hbm>>
      tpu.wait_indirect_dma semaphore(%arg14 : memref<!tpu.dma_semaphore, #tpu.memory_space<semaphore_mem>>) src(%dma_wait3A_64 : memref<40000x128xf32, #tpu.memory_space<hbm>>) dst(%arg13 : memref<128x128xf32, #tpu.memory_space<vmem>>)
      "tpu.region"() ({
        %run_scoped3A = tpu.sem_alloc : memref<!tpu.dma_semaphore, #tpu.memory_space<semaphore_mem>>
        %dma_start3A_65 = arith.constant 0 : i32
        %dma_start3A_66 = tpu.memref_slice %arg12[%scan3A_54, %dma_start3A_65] : memref<96x128xi32, #tpu.memory_space<vmem>> -> memref<1x128xi32, #tpu.memory_space<vmem>>
        %dma_start3A_67 = tpu.memref_squeeze %dma_start3A_66 : memref<1x128xi32, #tpu.memory_space<vmem>> -> memref<128xi32, #tpu.memory_space<vmem>>
        %dma_start3A_68 = arith.constant 0 : i32
        %dma_start3A_69 = arith.constant 0 : i32
        %dma_start3A_70 = tpu.memref_slice %arg10[%dma_start3A_68, %dma_start3A_69] : memref<10240x128xf32, #tpu.memory_space<vmem_shared>> -> memref<10240x128xf32, #tpu.memory_space<vmem_shared>>
        tpu.enqueue_indirect_dma source(%arg13 : memref<128x128xf32, #tpu.memory_space<vmem>>) target(%dma_start3A_70 : memref<10240x128xf32, #tpu.memory_space<vmem_shared>>) offsets(%dma_start3A_67 : memref<128xi32, #tpu.memory_space<vmem>>) semaphore(%run_scoped3A : memref<!tpu.dma_semaphore, #tpu.memory_space<semaphore_mem>>) {add = true}
        %dma_wait3A_71 = arith.constant 0 : i32
        %dma_wait3A_72 = tpu.memref_slice %arg12[%scan3A_54, %dma_wait3A_71] : memref<96x128xi32, #tpu.memory_space<vmem>> -> memref<1x128xi32, #tpu.memory_space<vmem>>
        %dma_wait3A_73 = tpu.memref_squeeze %dma_wait3A_72 : memref<1x128xi32, #tpu.memory_space<vmem>> -> memref<128xi32, #tpu.memory_space<vmem>>
        %dma_wait3A_74 = arith.constant 0 : i32
        %dma_wait3A_75 = arith.constant 0 : i32
        %dma_wait3A_76 = tpu.memref_slice %arg10[%dma_wait3A_74, %dma_wait3A_75] : memref<10240x128xf32, #tpu.memory_space<vmem_shared>> -> memref<10240x128xf32, #tpu.memory_space<vmem_shared>>
        tpu.wait_indirect_dma semaphore(%run_scoped3A : memref<!tpu.dma_semaphore, #tpu.memory_space<semaphore_mem>>) src(%arg13 : memref<128x128xf32, #tpu.memory_space<vmem>>) dst(%dma_wait3A_76 : memref<10240x128xf32, #tpu.memory_space<vmem_shared>>)
        tpu.yield
      }) : () -> ()
    }
    %scan3A_42 = arith.constant 96 : i32
    %barrier3A_43 = arith.constant 0 : index
    tpu.barrier barrier_id(%barrier3A_43)
    %eq3A_44 = arith.constant 0 : i32
    %eq3A_45 = arith.cmpi eq, %arg0, %eq3A_44 : i32
    %convert_element_type3A_46 = arith.extui %eq3A_45 : i1 to i32
    %cond3A_47 = arith.constant 0 : i32
    %cond3A_48 = arith.cmpi ne, %convert_element_type3A_46, %cond3A_47 : i32
    scf.if %cond3A_48 {
      %mul3A_54 = arith.constant 640 : i32
      %mul3A_55 = arith.muli %arg1, %mul3A_54 : i32
      %mul3A_56 = arith.constant 640 : i32
      %mul3A_57 = arith.muli %arg1, %mul3A_56 : i32
      "tpu.region"() ({
        %run_scoped3A = tpu.sem_alloc : memref<!tpu.dma_semaphore, #tpu.memory_space<semaphore_mem>>
        %dma_start3A = arith.constant 0 : i32
        %dma_start3A_58 = tpu.memref_slice %arg8[%mul3A_57, %dma_start3A] : memref<10240x128xf32, #tpu.memory_space<hbm>> -> memref<640x128xf32, #tpu.memory_space<hbm>>
        %dma_start3A_59 = arith.constant 0 : i32
        %dma_start3A_60 = tpu.memref_slice %arg10[%mul3A_55, %dma_start3A_59] : memref<10240x128xf32, #tpu.memory_space<vmem_shared>> -> memref<640x128xf32, #tpu.memory_space<vmem_shared>>
        tpu.enqueue_dma source(%dma_start3A_60 : memref<640x128xf32, #tpu.memory_space<vmem_shared>>) target(%dma_start3A_58 : memref<640x128xf32, #tpu.memory_space<hbm>>) target_semaphore(%run_scoped3A : memref<!tpu.dma_semaphore, #tpu.memory_space<semaphore_mem>>)
        %dma_wait3A = arith.constant 0 : i32
        %dma_wait3A_61 = tpu.memref_slice %arg8[%mul3A_57, %dma_wait3A] : memref<10240x128xf32, #tpu.memory_space<hbm>> -> memref<640x128xf32, #tpu.memory_space<hbm>>
        %dma_wait3A_62 = arith.constant 0 : i32
        %dma_wait3A_63 = tpu.memref_slice %arg10[%mul3A_55, %dma_wait3A_62] : memref<10240x128xf32, #tpu.memory_space<vmem_shared>> -> memref<640x128xf32, #tpu.memory_space<vmem_shared>>
        tpu.wait_dma2 semaphore(%run_scoped3A : memref<!tpu.dma_semaphore, #tpu.memory_space<semaphore_mem>>) src(%dma_wait3A_63 : memref<640x128xf32, #tpu.memory_space<vmem_shared>>) dst(%dma_wait3A_61 : memref<640x128xf32, #tpu.memory_space<hbm>>)
        tpu.yield
      }) : () -> ()
    } else {
    }
    %eq3A_49 = arith.constant 1 : i32
    %eq3A_50 = arith.cmpi eq, %arg0, %eq3A_49 : i32
    %convert_element_type3A_51 = arith.extui %eq3A_50 : i1 to i32
    %cond3A_52 = arith.constant 0 : i32
    %cond3A_53 = arith.cmpi ne, %convert_element_type3A_51, %cond3A_52 : i32
    scf.if %cond3A_53 {
      %mul3A_54 = arith.constant 640 : i32
      %mul3A_55 = arith.muli %arg1, %mul3A_54 : i32
      %mul3A_56 = arith.constant 640 : i32
      %mul3A_57 = arith.muli %arg1, %mul3A_56 : i32
      "tpu.region"() ({
        %run_scoped3A = tpu.sem_alloc : memref<!tpu.dma_semaphore, #tpu.memory_space<semaphore_mem>>
        %dma_start3A = arith.constant 0 : i32
        %dma_start3A_58 = tpu.memref_slice %arg9[%mul3A_57, %dma_start3A] : memref<10240x128xf32, #tpu.memory_space<hbm>> -> memref<640x128xf32, #tpu.memory_space<hbm>>
        %dma_start3A_59 = arith.constant 0 : i32
        %dma_start3A_60 = tpu.memref_slice %arg10[%mul3A_55, %dma_start3A_59] : memref<10240x128xf32, #tpu.memory_space<vmem_shared>> -> memref<640x128xf32, #tpu.memory_space<vmem_shared>>
        tpu.enqueue_dma source(%dma_start3A_60 : memref<640x128xf32, #tpu.memory_space<vmem_shared>>) target(%dma_start3A_58 : memref<640x128xf32, #tpu.memory_space<hbm>>) target_semaphore(%run_scoped3A : memref<!tpu.dma_semaphore, #tpu.memory_space<semaphore_mem>>)
        %dma_wait3A = arith.constant 0 : i32
        %dma_wait3A_61 = tpu.memref_slice %arg9[%mul3A_57, %dma_wait3A] : memref<10240x128xf32, #tpu.memory_space<hbm>> -> memref<640x128xf32, #tpu.memory_space<hbm>>
        %dma_wait3A_62 = arith.constant 0 : i32
        %dma_wait3A_63 = tpu.memref_slice %arg10[%mul3A_55, %dma_wait3A_62] : memref<10240x128xf32, #tpu.memory_space<vmem_shared>> -> memref<640x128xf32, #tpu.memory_space<vmem_shared>>
        tpu.wait_dma2 semaphore(%run_scoped3A : memref<!tpu.dma_semaphore, #tpu.memory_space<semaphore_mem>>) src(%dma_wait3A_63 : memref<640x128xf32, #tpu.memory_space<vmem_shared>>) dst(%dma_wait3A_61 : memref<640x128xf32, #tpu.memory_space<hbm>>)
        tpu.yield
      }) : () -> ()
    } else {
    }
    return
  }
}

#map = affine_map<(d0, d1) -> (0, 0, 0)>
#map1 = affine_map<(d0, d1) -> (0, 0)>
module attributes {stable_mosaic.version = 14 : i64} {
  func.func @k(%arg0: i32, %arg1: i32, %arg2: memref<32x48x128xi32, #tpu.memory_space<hbm>>, %arg3: memref<10240x16xf32, #tpu.memory_space<hbm>>, %arg4: memref<128x16xf32, #tpu.memory_space<hbm>>, %arg5: memref<20480x16xf32, #tpu.memory_space<hbm>>, %arg6: memref<10240x16xf32, #tpu.memory_space<vmem_shared>>, %arg7: memref<48x128xi32, #tpu.memory_space<vmem>>, %arg8: memref<128x16xf32, #tpu.memory_space<vmem>>) attributes {dimension_semantics = [#tpu.dimension_semantics<core_parallel>, #tpu.dimension_semantics<subcore_parallel>], iteration_bounds = array<i64: 2, 16>, scalar_prefetch = 0 : i64, scratch_operands = 3 : i64, tpu.core_type = #tpu.core_type<sc_vector_subcore>, window_params = [{transform_indices = #map}, {transform_indices = #map1}, {transform_indices = #map1}, {transform_indices = #map1}]} {
    %mul3A = arith.constant 16 : i32
    %mul3A_0 = arith.muli %arg0, %mul3A : i32
    %add3A = arith.addi %mul3A_0, %arg1 : i32
    "tpu.region"() ({
      %run_scoped3A = tpu.sem_alloc : memref<!tpu.dma_semaphore, #tpu.memory_space<semaphore_mem>>
      %dma_start3A = arith.constant 0 : i32
      %dma_start3A_18 = arith.constant 0 : i32
      %dma_start3A_19 = tpu.memref_slice %arg2[%add3A, %dma_start3A, %dma_start3A_18] : memref<32x48x128xi32, #tpu.memory_space<hbm>> -> memref<1x48x128xi32, #tpu.memory_space<hbm>>
      %dma_start3A_20 = tpu.memref_squeeze %dma_start3A_19 : memref<1x48x128xi32, #tpu.memory_space<hbm>> -> memref<48x128xi32, #tpu.memory_space<hbm>>
      %dma_start3A_21 = arith.constant 0 : i32
      %dma_start3A_22 = arith.constant 0 : i32
      %dma_start3A_23 = tpu.memref_slice %arg2[%add3A, %dma_start3A_21, %dma_start3A_22] : memref<32x48x128xi32, #tpu.memory_space<hbm>> -> memref<1x48x128xi32, #tpu.memory_space<hbm>>
      %dma_start3A_24 = tpu.memref_squeeze %dma_start3A_23 : memref<1x48x128xi32, #tpu.memory_space<hbm>> -> memref<48x128xi32, #tpu.memory_space<hbm>>
      tpu.enqueue_dma source(%dma_start3A_24 : memref<48x128xi32, #tpu.memory_space<hbm>>) target(%arg7 : memref<48x128xi32, #tpu.memory_space<vmem>>) target_semaphore(%run_scoped3A : memref<!tpu.dma_semaphore, #tpu.memory_space<semaphore_mem>>)
      %dma_wait3A = arith.constant 0 : i32
      %dma_wait3A_25 = arith.constant 0 : i32
      %dma_wait3A_26 = tpu.memref_slice %arg2[%add3A, %dma_wait3A, %dma_wait3A_25] : memref<32x48x128xi32, #tpu.memory_space<hbm>> -> memref<1x48x128xi32, #tpu.memory_space<hbm>>
      %dma_wait3A_27 = tpu.memref_squeeze %dma_wait3A_26 : memref<1x48x128xi32, #tpu.memory_space<hbm>> -> memref<48x128xi32, #tpu.memory_space<hbm>>
      %dma_wait3A_28 = arith.constant 0 : i32
      %dma_wait3A_29 = arith.constant 0 : i32
      %dma_wait3A_30 = tpu.memref_slice %arg2[%add3A, %dma_wait3A_28, %dma_wait3A_29] : memref<32x48x128xi32, #tpu.memory_space<hbm>> -> memref<1x48x128xi32, #tpu.memory_space<hbm>>
      %dma_wait3A_31 = tpu.memref_squeeze %dma_wait3A_30 : memref<1x48x128xi32, #tpu.memory_space<hbm>> -> memref<48x128xi32, #tpu.memory_space<hbm>>
      tpu.wait_dma2 semaphore(%run_scoped3A : memref<!tpu.dma_semaphore, #tpu.memory_space<semaphore_mem>>) src(%dma_wait3A_31 : memref<48x128xi32, #tpu.memory_space<hbm>>) dst(%arg7 : memref<48x128xi32, #tpu.memory_space<vmem>>)
      tpu.yield
    }) : () -> ()
    "tpu.region"() ({
      %run_scoped3A = tpu.sem_alloc : memref<!tpu.dma_semaphore, #tpu.memory_space<semaphore_mem>>
      tpu.enqueue_dma source(%arg4 : memref<128x16xf32, #tpu.memory_space<hbm>>) target(%arg8 : memref<128x16xf32, #tpu.memory_space<vmem>>) target_semaphore(%run_scoped3A : memref<!tpu.dma_semaphore, #tpu.memory_space<semaphore_mem>>)
      tpu.wait_dma2 semaphore(%run_scoped3A : memref<!tpu.dma_semaphore, #tpu.memory_space<semaphore_mem>>) src(%arg4 : memref<128x16xf32, #tpu.memory_space<hbm>>) dst(%arg8 : memref<128x16xf32, #tpu.memory_space<vmem>>)
      tpu.yield
    }) : () -> ()
    %mul3A_1 = arith.constant 640 : i32
    %mul3A_2 = arith.muli %arg1, %mul3A_1 : i32
    %mul3A_3 = arith.constant 640 : i32
    %mul3A_4 = arith.muli %arg1, %mul3A_3 : i32
    "tpu.region"() ({
      %run_scoped3A = tpu.sem_alloc : memref<!tpu.dma_semaphore, #tpu.memory_space<semaphore_mem>>
      %dma_start3A = arith.constant 0 : i32
      %dma_start3A_18 = tpu.memref_slice %arg6[%mul3A_4, %dma_start3A] : memref<10240x16xf32, #tpu.memory_space<vmem_shared>> -> memref<640x16xf32, #tpu.memory_space<vmem_shared>>
      %dma_start3A_19 = arith.constant 0 : i32
      %dma_start3A_20 = tpu.memref_slice %arg3[%mul3A_2, %dma_start3A_19] : memref<10240x16xf32, #tpu.memory_space<hbm>> -> memref<640x16xf32, #tpu.memory_space<hbm>>
      tpu.enqueue_dma source(%dma_start3A_20 : memref<640x16xf32, #tpu.memory_space<hbm>>) target(%dma_start3A_18 : memref<640x16xf32, #tpu.memory_space<vmem_shared>>) target_semaphore(%run_scoped3A : memref<!tpu.dma_semaphore, #tpu.memory_space<semaphore_mem>>)
      %dma_wait3A = arith.constant 0 : i32
      %dma_wait3A_21 = tpu.memref_slice %arg6[%mul3A_4, %dma_wait3A] : memref<10240x16xf32, #tpu.memory_space<vmem_shared>> -> memref<640x16xf32, #tpu.memory_space<vmem_shared>>
      %dma_wait3A_22 = arith.constant 0 : i32
      %dma_wait3A_23 = tpu.memref_slice %arg3[%mul3A_2, %dma_wait3A_22] : memref<10240x16xf32, #tpu.memory_space<hbm>> -> memref<640x16xf32, #tpu.memory_space<hbm>>
      tpu.wait_dma2 semaphore(%run_scoped3A : memref<!tpu.dma_semaphore, #tpu.memory_space<semaphore_mem>>) src(%dma_wait3A_23 : memref<640x16xf32, #tpu.memory_space<hbm>>) dst(%dma_wait3A_21 : memref<640x16xf32, #tpu.memory_space<vmem_shared>>)
      tpu.yield
    }) : () -> ()
    %barrier3A = arith.constant 0 : index
    tpu.barrier barrier_id(%barrier3A)
    %scan3A = arith.constant 0 : i32
    %scan3A_5 = arith.constant 0 : i32
    %scan3A_6 = arith.constant 48 : i32
    %scan3A_7 = arith.addi %scan3A_5, %scan3A_6 : i32
    %scan3A_8 = arith.constant 1 : i32
    scf.for %scan3A_18 = %scan3A_5 to %scan3A_7 step %scan3A_8  : i32 {
      "tpu.region"() ({
        %run_scoped3A = tpu.sem_alloc : memref<!tpu.dma_semaphore, #tpu.memory_space<semaphore_mem>>
        %dma_start3A = arith.constant 0 : i32
        %dma_start3A_19 = tpu.memref_slice %arg7[%scan3A_18, %dma_start3A] : memref<48x128xi32, #tpu.memory_space<vmem>> -> memref<1x128xi32, #tpu.memory_space<vmem>>
        %dma_start3A_20 = tpu.memref_squeeze %dma_start3A_19 : memref<1x128xi32, #tpu.memory_space<vmem>> -> memref<128xi32, #tpu.memory_space<vmem>>
        %dma_start3A_21 = arith.constant 0 : i32
        %dma_start3A_22 = arith.constant 0 : i32
        %dma_start3A_23 = tpu.memref_slice %arg6[%dma_start3A_21, %dma_start3A_22] : memref<10240x16xf32, #tpu.memory_space<vmem_shared>> -> memref<10240x16xf32, #tpu.memory_space<vmem_shared>>
        tpu.enqueue_indirect_dma source(%arg8 : memref<128x16xf32, #tpu.memory_space<vmem>>) target(%dma_start3A_23 : memref<10240x16xf32, #tpu.memory_space<vmem_shared>>) offsets(%dma_start3A_20 : memref<128xi32, #tpu.memory_space<vmem>>) semaphore(%run_scoped3A : memref<!tpu.dma_semaphore, #tpu.memory_space<semaphore_mem>>) {add = true}
        %dma_wait3A = arith.constant 0 : i32
        %dma_wait3A_24 = tpu.memref_slice %arg7[%scan3A_18, %dma_wait3A] : memref<48x128xi32, #tpu.memory_space<vmem>> -> memref<1x128xi32, #tpu.memory_space<vmem>>
        %dma_wait3A_25 = tpu.memref_squeeze %dma_wait3A_24 : memref<1x128xi32, #tpu.memory_space<vmem>> -> memref<128xi32, #tpu.memory_space<vmem>>
        %dma_wait3A_26 = arith.constant 0 : i32
        %dma_wait3A_27 = arith.constant 0 : i32
        %dma_wait3A_28 = tpu.memref_slice %arg6[%dma_wait3A_26, %dma_wait3A_27] : memref<10240x16xf32, #tpu.memory_space<vmem_shared>> -> memref<10240x16xf32, #tpu.memory_space<vmem_shared>>
        tpu.wait_indirect_dma semaphore(%run_scoped3A : memref<!tpu.dma_semaphore, #tpu.memory_space<semaphore_mem>>) src(%arg8 : memref<128x16xf32, #tpu.memory_space<vmem>>) dst(%dma_wait3A_28 : memref<10240x16xf32, #tpu.memory_space<vmem_shared>>)
        tpu.yield
      }) : () -> ()
    }
    %scan3A_9 = arith.constant 48 : i32
    %barrier3A_10 = arith.constant 0 : index
    tpu.barrier barrier_id(%barrier3A_10)
    %mul3A_11 = arith.constant 640 : i32
    %mul3A_12 = arith.muli %arg1, %mul3A_11 : i32
    %mul3A_13 = arith.constant 10240 : i32
    %mul3A_14 = arith.muli %arg0, %mul3A_13 : i32
    %mul3A_15 = arith.constant 640 : i32
    %mul3A_16 = arith.muli %arg1, %mul3A_15 : i32
    %add3A_17 = arith.addi %mul3A_14, %mul3A_16 : i32
    "tpu.region"() ({
      %run_scoped3A = tpu.sem_alloc : memref<!tpu.dma_semaphore, #tpu.memory_space<semaphore_mem>>
      %dma_start3A = arith.constant 0 : i32
      %dma_start3A_18 = tpu.memref_slice %arg5[%add3A_17, %dma_start3A] : memref<20480x16xf32, #tpu.memory_space<hbm>> -> memref<640x16xf32, #tpu.memory_space<hbm>>
      %dma_start3A_19 = arith.constant 0 : i32
      %dma_start3A_20 = tpu.memref_slice %arg6[%mul3A_12, %dma_start3A_19] : memref<10240x16xf32, #tpu.memory_space<vmem_shared>> -> memref<640x16xf32, #tpu.memory_space<vmem_shared>>
      tpu.enqueue_dma source(%dma_start3A_20 : memref<640x16xf32, #tpu.memory_space<vmem_shared>>) target(%dma_start3A_18 : memref<640x16xf32, #tpu.memory_space<hbm>>) target_semaphore(%run_scoped3A : memref<!tpu.dma_semaphore, #tpu.memory_space<semaphore_mem>>)
      %dma_wait3A = arith.constant 0 : i32
      %dma_wait3A_21 = tpu.memref_slice %arg5[%add3A_17, %dma_wait3A] : memref<20480x16xf32, #tpu.memory_space<hbm>> -> memref<640x16xf32, #tpu.memory_space<hbm>>
      %dma_wait3A_22 = arith.constant 0 : i32
      %dma_wait3A_23 = tpu.memref_slice %arg6[%mul3A_12, %dma_wait3A_22] : memref<10240x16xf32, #tpu.memory_space<vmem_shared>> -> memref<640x16xf32, #tpu.memory_space<vmem_shared>>
      tpu.wait_dma2 semaphore(%run_scoped3A : memref<!tpu.dma_semaphore, #tpu.memory_space<semaphore_mem>>) src(%dma_wait3A_23 : memref<640x16xf32, #tpu.memory_space<vmem_shared>>) dst(%dma_wait3A_21 : memref<640x16xf32, #tpu.memory_space<hbm>>)
      tpu.yield
    }) : () -> ()
    return
  }
}

#map = affine_map<(d0, d1) -> (0, 0)>
#map1 = affine_map<(d0, d1) -> (0, 0, 0)>
module attributes {stable_mosaic.version = 14 : i64} {
  func.func @k(%arg0: i32, %arg1: i32, %arg2: memref<20000x128xf32, #tpu.memory_space<hbm>>, %arg3: memref<16x96x128xi32, #tpu.memory_space<hbm>>, %arg4: memref<16x96x128xi32, #tpu.memory_space<hbm>>, %arg5: memref<10240x128xf32, #tpu.memory_space<hbm>>, %arg6: memref<10240x128xf32, #tpu.memory_space<hbm>>, %arg7: memref<10240x128xf32, #tpu.memory_space<hbm>>, %arg8: memref<10240x128xf32, #tpu.memory_space<vmem_shared>>, %arg9: memref<96x128xi32, #tpu.memory_space<vmem>>, %arg10: memref<96x128xi32, #tpu.memory_space<vmem>>, %arg11: memref<128x128xf32, #tpu.memory_space<vmem>>, %arg12: memref<!tpu.dma_semaphore, #tpu.memory_space<semaphore_mem>>) attributes {dimension_semantics = [#tpu.dimension_semantics<core_parallel>, #tpu.dimension_semantics<subcore_parallel>], iteration_bounds = array<i64: 2, 16>, scalar_prefetch = 0 : i64, scratch_operands = 5 : i64, tpu.core_type = #tpu.core_type<sc_vector_subcore>, window_params = [{transform_indices = #map}, {transform_indices = #map1}, {transform_indices = #map1}, {transform_indices = #map}, {transform_indices = #map}, {transform_indices = #map}]} {
    "tpu.region"() ({
      %run_scoped3A = tpu.sem_alloc : memref<!tpu.dma_semaphore, #tpu.memory_space<semaphore_mem>>
      %dma_start3A = arith.constant 0 : i32
      %dma_start3A_24 = arith.constant 0 : i32
      %dma_start3A_25 = tpu.memref_slice %arg3[%arg1, %dma_start3A, %dma_start3A_24] : memref<16x96x128xi32, #tpu.memory_space<hbm>> -> memref<1x96x128xi32, #tpu.memory_space<hbm>>
      %dma_start3A_26 = tpu.memref_squeeze %dma_start3A_25 : memref<1x96x128xi32, #tpu.memory_space<hbm>> -> memref<96x128xi32, #tpu.memory_space<hbm>>
      %dma_start3A_27 = arith.constant 0 : i32
      %dma_start3A_28 = arith.constant 0 : i32
      %dma_start3A_29 = tpu.memref_slice %arg3[%arg1, %dma_start3A_27, %dma_start3A_28] : memref<16x96x128xi32, #tpu.memory_space<hbm>> -> memref<1x96x128xi32, #tpu.memory_space<hbm>>
      %dma_start3A_30 = tpu.memref_squeeze %dma_start3A_29 : memref<1x96x128xi32, #tpu.memory_space<hbm>> -> memref<96x128xi32, #tpu.memory_space<hbm>>
      tpu.enqueue_dma source(%dma_start3A_30 : memref<96x128xi32, #tpu.memory_space<hbm>>) target(%arg9 : memref<96x128xi32, #tpu.memory_space<vmem>>) target_semaphore(%run_scoped3A : memref<!tpu.dma_semaphore, #tpu.memory_space<semaphore_mem>>)
      %dma_wait3A = arith.constant 0 : i32
      %dma_wait3A_31 = arith.constant 0 : i32
      %dma_wait3A_32 = tpu.memref_slice %arg3[%arg1, %dma_wait3A, %dma_wait3A_31] : memref<16x96x128xi32, #tpu.memory_space<hbm>> -> memref<1x96x128xi32, #tpu.memory_space<hbm>>
      %dma_wait3A_33 = tpu.memref_squeeze %dma_wait3A_32 : memref<1x96x128xi32, #tpu.memory_space<hbm>> -> memref<96x128xi32, #tpu.memory_space<hbm>>
      %dma_wait3A_34 = arith.constant 0 : i32
      %dma_wait3A_35 = arith.constant 0 : i32
      %dma_wait3A_36 = tpu.memref_slice %arg3[%arg1, %dma_wait3A_34, %dma_wait3A_35] : memref<16x96x128xi32, #tpu.memory_space<hbm>> -> memref<1x96x128xi32, #tpu.memory_space<hbm>>
      %dma_wait3A_37 = tpu.memref_squeeze %dma_wait3A_36 : memref<1x96x128xi32, #tpu.memory_space<hbm>> -> memref<96x128xi32, #tpu.memory_space<hbm>>
      tpu.wait_dma2 semaphore(%run_scoped3A : memref<!tpu.dma_semaphore, #tpu.memory_space<semaphore_mem>>) src(%dma_wait3A_37 : memref<96x128xi32, #tpu.memory_space<hbm>>) dst(%arg9 : memref<96x128xi32, #tpu.memory_space<vmem>>)
      tpu.yield
    }) : () -> ()
    "tpu.region"() ({
      %run_scoped3A = tpu.sem_alloc : memref<!tpu.dma_semaphore, #tpu.memory_space<semaphore_mem>>
      %dma_start3A = arith.constant 0 : i32
      %dma_start3A_24 = arith.constant 0 : i32
      %dma_start3A_25 = tpu.memref_slice %arg4[%arg1, %dma_start3A, %dma_start3A_24] : memref<16x96x128xi32, #tpu.memory_space<hbm>> -> memref<1x96x128xi32, #tpu.memory_space<hbm>>
      %dma_start3A_26 = tpu.memref_squeeze %dma_start3A_25 : memref<1x96x128xi32, #tpu.memory_space<hbm>> -> memref<96x128xi32, #tpu.memory_space<hbm>>
      %dma_start3A_27 = arith.constant 0 : i32
      %dma_start3A_28 = arith.constant 0 : i32
      %dma_start3A_29 = tpu.memref_slice %arg4[%arg1, %dma_start3A_27, %dma_start3A_28] : memref<16x96x128xi32, #tpu.memory_space<hbm>> -> memref<1x96x128xi32, #tpu.memory_space<hbm>>
      %dma_start3A_30 = tpu.memref_squeeze %dma_start3A_29 : memref<1x96x128xi32, #tpu.memory_space<hbm>> -> memref<96x128xi32, #tpu.memory_space<hbm>>
      tpu.enqueue_dma source(%dma_start3A_30 : memref<96x128xi32, #tpu.memory_space<hbm>>) target(%arg10 : memref<96x128xi32, #tpu.memory_space<vmem>>) target_semaphore(%run_scoped3A : memref<!tpu.dma_semaphore, #tpu.memory_space<semaphore_mem>>)
      %dma_wait3A = arith.constant 0 : i32
      %dma_wait3A_31 = arith.constant 0 : i32
      %dma_wait3A_32 = tpu.memref_slice %arg4[%arg1, %dma_wait3A, %dma_wait3A_31] : memref<16x96x128xi32, #tpu.memory_space<hbm>> -> memref<1x96x128xi32, #tpu.memory_space<hbm>>
      %dma_wait3A_33 = tpu.memref_squeeze %dma_wait3A_32 : memref<1x96x128xi32, #tpu.memory_space<hbm>> -> memref<96x128xi32, #tpu.memory_space<hbm>>
      %dma_wait3A_34 = arith.constant 0 : i32
      %dma_wait3A_35 = arith.constant 0 : i32
      %dma_wait3A_36 = tpu.memref_slice %arg4[%arg1, %dma_wait3A_34, %dma_wait3A_35] : memref<16x96x128xi32, #tpu.memory_space<hbm>> -> memref<1x96x128xi32, #tpu.memory_space<hbm>>
      %dma_wait3A_37 = tpu.memref_squeeze %dma_wait3A_36 : memref<1x96x128xi32, #tpu.memory_space<hbm>> -> memref<96x128xi32, #tpu.memory_space<hbm>>
      tpu.wait_dma2 semaphore(%run_scoped3A : memref<!tpu.dma_semaphore, #tpu.memory_space<semaphore_mem>>) src(%dma_wait3A_37 : memref<96x128xi32, #tpu.memory_space<hbm>>) dst(%arg10 : memref<96x128xi32, #tpu.memory_space<vmem>>)
      tpu.yield
    }) : () -> ()
    %mul3A = arith.constant 10000 : i32
    %mul3A_0 = arith.muli %arg0, %mul3A : i32
    %scan3A = arith.constant 0 : i32
    %scan3A_1 = arith.constant 0 : i32
    %scan3A_2 = arith.constant 768 : i32
    %scan3A_3 = arith.addi %scan3A_1, %scan3A_2 : i32
    %scan3A_4 = arith.constant 1 : i32
    scf.for %scan3A_24 = %scan3A_1 to %scan3A_3 step %scan3A_4  : i32 {
      %jit3A = arith.constant 8 : i32
      %div3A = arith.divsi %scan3A_24, %jit3A : i32
      %sign3A = arith.constant 0 : i32
      %sign3A_25 = arith.cmpi sgt, %scan3A_24, %sign3A : i32
      %sign3A_26 = arith.extui %sign3A_25 : i1 to i32
      %sign3A_27 = arith.constant 0 : i32
      %sign3A_28 = arith.cmpi slt, %scan3A_24, %sign3A_27 : i32
      %sign3A_29 = arith.extui %sign3A_28 : i1 to i32
      %sign3A_30 = arith.subi %sign3A_26, %sign3A_29 : i32
      %sign3A_31 = arith.constant 0 : i32
      %sign3A_32 = arith.cmpi sgt, %jit3A, %sign3A_31 : i32
      %sign3A_33 = arith.extui %sign3A_32 : i1 to i32
      %sign3A_34 = arith.constant 0 : i32
      %sign3A_35 = arith.cmpi slt, %jit3A, %sign3A_34 : i32
      %sign3A_36 = arith.extui %sign3A_35 : i1 to i32
      %sign3A_37 = arith.subi %sign3A_33, %sign3A_36 : i32
      %ne3A = arith.cmpi ne, %sign3A_30, %sign3A_37 : i32
      %rem3A = arith.remsi %scan3A_24, %jit3A : i32
      %ne3A_38 = arith.constant 0 : i32
      %ne3A_39 = arith.cmpi ne, %rem3A, %ne3A_38 : i32
      %and3A = arith.andi %ne3A, %ne3A_39 : i1
      %sub3A = arith.constant 1 : i32
      %sub3A_40 = arith.subi %div3A, %sub3A : i32
      %select_n3A = arith.select %and3A, %sub3A_40, %div3A : i32
      %jit3A_41 = arith.constant 8 : i32
      %eq3A_42 = arith.constant 0 : i32
      %eq3A_43 = arith.cmpi eq, %jit3A_41, %eq3A_42 : i32
      %jit3A_44 = arith.constant 1 : i32
      %select_n3A_45 = arith.select %eq3A_43, %jit3A_44, %jit3A_41 : i32
      %rem3A_46 = arith.remsi %scan3A_24, %select_n3A_45 : i32
      %ne3A_47 = arith.constant 0 : i32
      %ne3A_48 = arith.cmpi ne, %rem3A_46, %ne3A_47 : i32
      %lt3A = arith.constant 0 : i32
      %lt3A_49 = arith.cmpi slt, %rem3A_46, %lt3A : i32
      %lt3A_50 = arith.constant 0 : i32
      %lt3A_51 = arith.cmpi slt, %select_n3A_45, %lt3A_50 : i32
      %ne3A_52 = arith.xori %lt3A_49, %lt3A_51 : i1
      %and3A_53 = arith.andi %ne3A_52, %ne3A_48 : i1
      %add3A = arith.addi %rem3A_46, %select_n3A_45 : i32
      %select_n3A_54 = arith.select %and3A_53, %add3A, %rem3A_46 : i32
      %mul3A_55 = arith.constant 16 : i32
      %mul3A_56 = arith.muli %select_n3A_54, %mul3A_55 : i32
      %get3A = arith.index_cast %select_n3A : i32 to index
      %get3A_57 = arith.index_cast %mul3A_56 : i32 to index
      %get3A_58 = tpu.vector_load %arg9[%get3A, %get3A_57] {strides = array<i32>} : memref<96x128xi32, #tpu.memory_space<vmem>>, vector<1x16xi32>,
      %get3A_59 = vector.shape_cast %get3A_58 : vector<1x16xi32> to vector<16xi32>
      %add3A_60 = vector.broadcast %mul3A_0 : i32 to vector<16xi32>
      %add3A_61 = arith.addi %get3A_59, %add3A_60 : vector<16xi32>
      %swap3A = arith.index_cast %select_n3A : i32 to index
      %swap3A_62 = arith.index_cast %mul3A_56 : i32 to index
      %swap3A_63 = tpu.vector_load %arg9[%swap3A, %swap3A_62] {strides = array<i32>} : memref<96x128xi32, #tpu.memory_space<vmem>>, vector<1x16xi32>,
      %swap3A_64 = vector.shape_cast %swap3A_63 : vector<1x16xi32> to vector<16xi32>
      %swap3A_65 = vector.shape_cast %add3A_61 : vector<16xi32> to vector<1x16xi32>
      tpu.vector_store %arg9[%swap3A, %swap3A_62], %swap3A_65 {strides = array<i32>} : memref<96x128xi32, #tpu.memory_space<vmem>>, vector<1x16xi32>,
    }
    %scan3A_5 = arith.constant 768 : i32
    %mul3A_6 = arith.constant 640 : i32
    %mul3A_7 = arith.muli %arg1, %mul3A_6 : i32
    %mul3A_8 = arith.constant 640 : i32
    %mul3A_9 = arith.muli %arg1, %mul3A_8 : i32
    "tpu.region"() ({
      %run_scoped3A = tpu.sem_alloc : memref<!tpu.dma_semaphore, #tpu.memory_space<semaphore_mem>>
      %dma_start3A = arith.constant 0 : i32
      %dma_start3A_24 = tpu.memref_slice %arg8[%mul3A_9, %dma_start3A] : memref<10240x128xf32, #tpu.memory_space<vmem_shared>> -> memref<640x128xf32, #tpu.memory_space<vmem_shared>>
      %dma_start3A_25 = arith.constant 0 : i32
      %dma_start3A_26 = tpu.memref_slice %arg5[%mul3A_7, %dma_start3A_25] : memref<10240x128xf32, #tpu.memory_space<hbm>> -> memref<640x128xf32, #tpu.memory_space<hbm>>
      tpu.enqueue_dma source(%dma_start3A_26 : memref<640x128xf32, #tpu.memory_space<hbm>>) target(%dma_start3A_24 : memref<640x128xf32, #tpu.memory_space<vmem_shared>>) target_semaphore(%run_scoped3A : memref<!tpu.dma_semaphore, #tpu.memory_space<semaphore_mem>>)
      %dma_wait3A = arith.constant 0 : i32
      %dma_wait3A_27 = tpu.memref_slice %arg8[%mul3A_9, %dma_wait3A] : memref<10240x128xf32, #tpu.memory_space<vmem_shared>> -> memref<640x128xf32, #tpu.memory_space<vmem_shared>>
      %dma_wait3A_28 = arith.constant 0 : i32
      %dma_wait3A_29 = tpu.memref_slice %arg5[%mul3A_7, %dma_wait3A_28] : memref<10240x128xf32, #tpu.memory_space<hbm>> -> memref<640x128xf32, #tpu.memory_space<hbm>>
      tpu.wait_dma2 semaphore(%run_scoped3A : memref<!tpu.dma_semaphore, #tpu.memory_space<semaphore_mem>>) src(%dma_wait3A_29 : memref<640x128xf32, #tpu.memory_space<hbm>>) dst(%dma_wait3A_27 : memref<640x128xf32, #tpu.memory_space<vmem_shared>>)
      tpu.yield
    }) : () -> ()
    %barrier3A = arith.constant 0 : index
    tpu.barrier barrier_id(%barrier3A)
    %scan3A_10 = arith.constant 0 : i32
    %scan3A_11 = arith.constant 0 : i32
    %scan3A_12 = arith.constant 96 : i32
    %scan3A_13 = arith.addi %scan3A_11, %scan3A_12 : i32
    %scan3A_14 = arith.constant 1 : i32
    scf.for %scan3A_24 = %scan3A_11 to %scan3A_13 step %scan3A_14  : i32 {
      %dma_start3A = arith.constant 0 : i32
      %dma_start3A_25 = tpu.memref_slice %arg9[%scan3A_24, %dma_start3A] : memref<96x128xi32, #tpu.memory_space<vmem>> -> memref<1x128xi32, #tpu.memory_space<vmem>>
      %dma_start3A_26 = tpu.memref_squeeze %dma_start3A_25 : memref<1x128xi32, #tpu.memory_space<vmem>> -> memref<128xi32, #tpu.memory_space<vmem>>
      %dma_start3A_27 = arith.constant 0 : i32
      %dma_start3A_28 = arith.constant 0 : i32
      %dma_start3A_29 = tpu.memref_slice %arg2[%dma_start3A_27, %dma_start3A_28] : memref<20000x128xf32, #tpu.memory_space<hbm>> -> memref<20000x128xf32, #tpu.memory_space<hbm>>
      tpu.enqueue_indirect_dma source(%dma_start3A_29 : memref<20000x128xf32, #tpu.memory_space<hbm>>) target(%arg11 : memref<128x128xf32, #tpu.memory_space<vmem>>) offsets(%dma_start3A_26 : memref<128xi32, #tpu.memory_space<vmem>>) semaphore(%arg12 : memref<!tpu.dma_semaphore, #tpu.memory_space<semaphore_mem>>)
      %dma_wait3A = arith.constant 0 : i32
      %dma_wait3A_30 = tpu.memref_slice %arg9[%scan3A_24, %dma_wait3A] : memref<96x128xi32, #tpu.memory_space<vmem>> -> memref<1x128xi32, #tpu.memory_space<vmem>>
      %dma_wait3A_31 = tpu.memref_squeeze %dma_wait3A_30 : memref<1x128xi32, #tpu.memory_space<vmem>> -> memref<128xi32, #tpu.memory_space<vmem>>
      %dma_wait3A_32 = arith.constant 0 : i32
      %dma_wait3A_33 = arith.constant 0 : i32
      %dma_wait3A_34 = tpu.memref_slice %arg2[%dma_wait3A_32, %dma_wait3A_33] : memref<20000x128xf32, #tpu.memory_space<hbm>> -> memref<20000x128xf32, #tpu.memory_space<hbm>>
      tpu.wait_indirect_dma semaphore(%arg12 : memref<!tpu.dma_semaphore, #tpu.memory_space<semaphore_mem>>) src(%dma_wait3A_34 : memref<20000x128xf32, #tpu.memory_space<hbm>>) dst(%arg11 : memref<128x128xf32, #tpu.memory_space<vmem>>)
      "tpu.region"() ({
        %run_scoped3A = tpu.sem_alloc : memref<!tpu.dma_semaphore, #tpu.memory_space<semaphore_mem>>
        %dma_start3A_35 = arith.constant 0 : i32
        %dma_start3A_36 = tpu.memref_slice %arg10[%scan3A_24, %dma_start3A_35] : memref<96x128xi32, #tpu.memory_space<vmem>> -> memref<1x128xi32, #tpu.memory_space<vmem>>
        %dma_start3A_37 = tpu.memref_squeeze %dma_start3A_36 : memref<1x128xi32, #tpu.memory_space<vmem>> -> memref<128xi32, #tpu.memory_space<vmem>>
        %dma_start3A_38 = arith.constant 0 : i32
        %dma_start3A_39 = arith.constant 0 : i32
        %dma_start3A_40 = tpu.memref_slice %arg8[%dma_start3A_38, %dma_start3A_39] : memref<10240x128xf32, #tpu.memory_space<vmem_shared>> -> memref<10240x128xf32, #tpu.memory_space<vmem_shared>>
        tpu.enqueue_indirect_dma source(%arg11 : memref<128x128xf32, #tpu.memory_space<vmem>>) target(%dma_start3A_40 : memref<10240x128xf32, #tpu.memory_space<vmem_shared>>) offsets(%dma_start3A_37 : memref<128xi32, #tpu.memory_space<vmem>>) semaphore(%run_scoped3A : memref<!tpu.dma_semaphore, #tpu.memory_space<semaphore_mem>>) {add = true}
        %dma_wait3A_41 = arith.constant 0 : i32
        %dma_wait3A_42 = tpu.memref_slice %arg10[%scan3A_24, %dma_wait3A_41] : memref<96x128xi32, #tpu.memory_space<vmem>> -> memref<1x128xi32, #tpu.memory_space<vmem>>
        %dma_wait3A_43 = tpu.memref_squeeze %dma_wait3A_42 : memref<1x128xi32, #tpu.memory_space<vmem>> -> memref<128xi32, #tpu.memory_space<vmem>>
        %dma_wait3A_44 = arith.constant 0 : i32
        %dma_wait3A_45 = arith.constant 0 : i32
        %dma_wait3A_46 = tpu.memref_slice %arg8[%dma_wait3A_44, %dma_wait3A_45] : memref<10240x128xf32, #tpu.memory_space<vmem_shared>> -> memref<10240x128xf32, #tpu.memory_space<vmem_shared>>
        tpu.wait_indirect_dma semaphore(%run_scoped3A : memref<!tpu.dma_semaphore, #tpu.memory_space<semaphore_mem>>) src(%arg11 : memref<128x128xf32, #tpu.memory_space<vmem>>) dst(%dma_wait3A_46 : memref<10240x128xf32, #tpu.memory_space<vmem_shared>>)
        tpu.yield
      }) : () -> ()
    }
    %scan3A_15 = arith.constant 96 : i32
    %barrier3A_16 = arith.constant 0 : index
    tpu.barrier barrier_id(%barrier3A_16)
    %eq3A = arith.constant 0 : i32
    %eq3A_17 = arith.cmpi eq, %arg0, %eq3A : i32
    %convert_element_type3A = arith.extui %eq3A_17 : i1 to i32
    %cond3A = arith.constant 0 : i32
    %cond3A_18 = arith.cmpi ne, %convert_element_type3A, %cond3A : i32
    scf.if %cond3A_18 {
      %mul3A_24 = arith.constant 640 : i32
      %mul3A_25 = arith.muli %arg1, %mul3A_24 : i32
      %mul3A_26 = arith.constant 640 : i32
      %mul3A_27 = arith.muli %arg1, %mul3A_26 : i32
      "tpu.region"() ({
        %run_scoped3A = tpu.sem_alloc : memref<!tpu.dma_semaphore, #tpu.memory_space<semaphore_mem>>
        %dma_start3A = arith.constant 0 : i32
        %dma_start3A_28 = tpu.memref_slice %arg6[%mul3A_27, %dma_start3A] : memref<10240x128xf32, #tpu.memory_space<hbm>> -> memref<640x128xf32, #tpu.memory_space<hbm>>
        %dma_start3A_29 = arith.constant 0 : i32
        %dma_start3A_30 = tpu.memref_slice %arg8[%mul3A_25, %dma_start3A_29] : memref<10240x128xf32, #tpu.memory_space<vmem_shared>> -> memref<640x128xf32, #tpu.memory_space<vmem_shared>>
        tpu.enqueue_dma source(%dma_start3A_30 : memref<640x128xf32, #tpu.memory_space<vmem_shared>>) target(%dma_start3A_28 : memref<640x128xf32, #tpu.memory_space<hbm>>) target_semaphore(%run_scoped3A : memref<!tpu.dma_semaphore, #tpu.memory_space<semaphore_mem>>)
        %dma_wait3A = arith.constant 0 : i32
        %dma_wait3A_31 = tpu.memref_slice %arg6[%mul3A_27, %dma_wait3A] : memref<10240x128xf32, #tpu.memory_space<hbm>> -> memref<640x128xf32, #tpu.memory_space<hbm>>
        %dma_wait3A_32 = arith.constant 0 : i32
        %dma_wait3A_33 = tpu.memref_slice %arg8[%mul3A_25, %dma_wait3A_32] : memref<10240x128xf32, #tpu.memory_space<vmem_shared>> -> memref<640x128xf32, #tpu.memory_space<vmem_shared>>
        tpu.wait_dma2 semaphore(%run_scoped3A : memref<!tpu.dma_semaphore, #tpu.memory_space<semaphore_mem>>) src(%dma_wait3A_33 : memref<640x128xf32, #tpu.memory_space<vmem_shared>>) dst(%dma_wait3A_31 : memref<640x128xf32, #tpu.memory_space<hbm>>)
        tpu.yield
      }) : () -> ()
    } else {
    }
    %eq3A_19 = arith.constant 1 : i32
    %eq3A_20 = arith.cmpi eq, %arg0, %eq3A_19 : i32
    %convert_element_type3A_21 = arith.extui %eq3A_20 : i1 to i32
    %cond3A_22 = arith.constant 0 : i32
    %cond3A_23 = arith.cmpi ne, %convert_element_type3A_21, %cond3A_22 : i32
    scf.if %cond3A_23 {
      %mul3A_24 = arith.constant 640 : i32
      %mul3A_25 = arith.muli %arg1, %mul3A_24 : i32
      %mul3A_26 = arith.constant 640 : i32
      %mul3A_27 = arith.muli %arg1, %mul3A_26 : i32
      "tpu.region"() ({
        %run_scoped3A = tpu.sem_alloc : memref<!tpu.dma_semaphore, #tpu.memory_space<semaphore_mem>>
        %dma_start3A = arith.constant 0 : i32
        %dma_start3A_28 = tpu.memref_slice %arg7[%mul3A_27, %dma_start3A] : memref<10240x128xf32, #tpu.memory_space<hbm>> -> memref<640x128xf32, #tpu.memory_space<hbm>>
        %dma_start3A_29 = arith.constant 0 : i32
        %dma_start3A_30 = tpu.memref_slice %arg8[%mul3A_25, %dma_start3A_29] : memref<10240x128xf32, #tpu.memory_space<vmem_shared>> -> memref<640x128xf32, #tpu.memory_space<vmem_shared>>
        tpu.enqueue_dma source(%dma_start3A_30 : memref<640x128xf32, #tpu.memory_space<vmem_shared>>) target(%dma_start3A_28 : memref<640x128xf32, #tpu.memory_space<hbm>>) target_semaphore(%run_scoped3A : memref<!tpu.dma_semaphore, #tpu.memory_space<semaphore_mem>>)
        %dma_wait3A = arith.constant 0 : i32
        %dma_wait3A_31 = tpu.memref_slice %arg7[%mul3A_27, %dma_wait3A] : memref<10240x128xf32, #tpu.memory_space<hbm>> -> memref<640x128xf32, #tpu.memory_space<hbm>>
        %dma_wait3A_32 = arith.constant 0 : i32
        %dma_wait3A_33 = tpu.memref_slice %arg8[%mul3A_25, %dma_wait3A_32] : memref<10240x128xf32, #tpu.memory_space<vmem_shared>> -> memref<640x128xf32, #tpu.memory_space<vmem_shared>>
        tpu.wait_dma2 semaphore(%run_scoped3A : memref<!tpu.dma_semaphore, #tpu.memory_space<semaphore_mem>>) src(%dma_wait3A_33 : memref<640x128xf32, #tpu.memory_space<vmem_shared>>) dst(%dma_wait3A_31 : memref<640x128xf32, #tpu.memory_space<hbm>>)
        tpu.yield
      }) : () -> ()
    } else {
    }
    return
  }
}

module attributes {stable_mosaic.version = 14 : i64} {
  func.func @body(%arg0: memref<20480x16xf32, #tpu.memory_space<vmem>>, %arg1: memref<10000x128xf32, #tpu.memory_space<vmem>>) attributes {dimension_semantics = [], scalar_prefetch = 0 : i64, scratch_operands = 0 : i64, tpu.core_type = #tpu.core_type<tc>} {
    %get3A = arith.constant 0 : index
    %get3A_0 = arith.constant 0 : index
    %get3A_1 = vector.load %arg0[%get3A, %get3A_0] : memref<20480x16xf32, #tpu.memory_space<vmem>>, vector<10000x16xf32>
    %get3A_2 = arith.constant 10240 : index
    %get3A_3 = arith.constant 0 : index
    %get3A_4 = vector.load %arg0[%get3A_2, %get3A_3] : memref<20480x16xf32, #tpu.memory_space<vmem>>, vector<10000x16xf32>
    %add3A = arith.addf %get3A_1, %get3A_4 : vector<10000x16xf32>
    %sqrt3A = math.sqrt %add3A : vector<10000x16xf32>
    %div3A = arith.constant 1.000000e+00 : f32
    %div3A_5 = vector.broadcast %div3A : f32 to vector<10000x16xf32>
    %div3A_6 = arith.divf %div3A_5, %sqrt3A : vector<10000x16xf32>
    %slice3A = vector.extract_strided_slice %div3A_6 {offsets = [0, 0], sizes = [10000, 1], strides = [1, 1]} : vector<10000x16xf32> to vector<10000x1xf32>
    %broadcast_in_dim3A = vector.shape_cast %slice3A : vector<10000x1xf32> to vector<10000x1xf32>
    %broadcast_in_dim3A_7 = vector.broadcast %broadcast_in_dim3A : vector<10000x1xf32> to vector<10000x128xf32>
    %swap3A = arith.constant 0 : index
    %swap3A_8 = arith.constant 0 : index
    %swap3A_9 = vector.load %arg1[%swap3A, %swap3A_8] : memref<10000x128xf32, #tpu.memory_space<vmem>>, vector<10000x128xf32>
    tpu.vector_store %arg1[%swap3A, %swap3A_8], %broadcast_in_dim3A_7 {strides = array<i32>} : memref<10000x128xf32, #tpu.memory_space<vmem>>, vector<10000x128xf32>,
    return
  }
}

module attributes {stable_mosaic.version = 14 : i64} {
  func.func @body(%arg0: i32, %arg1: i32, %arg2: memref<1000x128xf32, #tpu.memory_space<vmem>>, %arg3: memref<1000x128xf32, #tpu.memory_space<vmem>>, %arg4: memref<1000x128xf32, #tpu.memory_space<vmem>>) attributes {dimension_semantics = [#tpu.dimension_semantics<arbitrary>, #tpu.dimension_semantics<arbitrary>], iteration_bounds = array<i64: 10, 2>, scalar_prefetch = 0 : i64, scratch_operands = 0 : i64, tpu.core_type = #tpu.core_type<tc>, window_params = [{transform_indices = @transform_0, window_bounds = array<i64: 1000, 128>}, {transform_indices = @transform_1, window_bounds = array<i64: 1000, 128>}, {transform_indices = @transform_2, window_bounds = array<i64: 1000, 128>}]} {
    %get3A = arith.constant 0 : index
    %get3A_0 = arith.constant 0 : index
    %get3A_1 = vector.load %arg2[%get3A, %get3A_0] : memref<1000x128xf32, #tpu.memory_space<vmem>>, vector<1000x128xf32>
    %get3A_2 = arith.constant 0 : index
    %get3A_3 = arith.constant 0 : index
    %get3A_4 = vector.load %arg3[%get3A_2, %get3A_3] : memref<1000x128xf32, #tpu.memory_space<vmem>>, vector<1000x1xf32>
    %mul3A = vector.broadcast %get3A_4 : vector<1000x1xf32> to vector<1000x128xf32>
    %mul3A_5 = arith.mulf %get3A_1, %mul3A : vector<1000x128xf32>
    %swap3A = arith.constant 0 : index
    %swap3A_6 = arith.constant 0 : index
    %swap3A_7 = vector.load %arg4[%swap3A, %swap3A_6] : memref<1000x128xf32, #tpu.memory_space<vmem>>, vector<1000x128xf32>
    tpu.vector_store %arg4[%swap3A, %swap3A_6], %mul3A_5 {strides = array<i32>} : memref<1000x128xf32, #tpu.memory_space<vmem>>, vector<1000x128xf32>,
    return
  }
  func.func @transform_0(%arg0: i32, %arg1: i32) -> (i32, i32) {
    %c0_i32 = arith.constant 0 : i32
    return %arg0, %arg1 : i32, i32
  }
  func.func @transform_1(%arg0: i32, %arg1: i32) -> (i32, i32) {
    %c0_i32 = arith.constant 0 : i32
    %c0_i32_0 = arith.constant 0 : i32
    return %arg0, %c0_i32 : i32, i32
  }
  func.func @transform_2(%arg0: i32, %arg1: i32) -> (i32, i32) {
    %mul3A = arith.constant 10 : i32
    %mul3A_0 = arith.muli %arg1, %mul3A : i32
    %add3A = arith.addi %mul3A_0, %arg0 : i32
    %c0_i32 = arith.constant 0 : i32
    %c0_i32_1 = arith.constant 0 : i32
    return %add3A, %c0_i32 : i32, i32
  }
}

module attributes {stable_mosaic.version = 14 : i64} {
  func.func @body(%arg0: i32, %arg1: memref<1000x128xf32, #tpu.memory_space<vmem>>, %arg2: memref<1000x128xf32, #tpu.memory_space<vmem>>, %arg3: memref<1000x128xf32, #tpu.memory_space<vmem>>, %arg4: memref<256x512xf32, #tpu.memory_space<vmem>>, %arg5: memref<1x512xf32, #tpu.memory_space<vmem>>, %arg6: memref<1000x512xf32, #tpu.memory_space<vmem>>, %arg7: memref<1x8x512xf32, #tpu.memory_space<vmem>>) attributes {dimension_semantics = [#tpu.dimension_semantics<arbitrary>], iteration_bounds = array<i64: 10>, scalar_prefetch = 0 : i64, scratch_operands = 0 : i64, tpu.core_type = #tpu.core_type<tc>, window_params = [{transform_indices = @transform_0, window_bounds = array<i64: 1000, 128>}, {transform_indices = @transform_1, window_bounds = array<i64: 1000, 128>}, {transform_indices = @transform_2, window_bounds = array<i64: 1000, 128>}, {pipeline_mode = #tpu.pipeline_mode<synchronous>, transform_indices = @transform_3, window_bounds = array<i64: 256, 512>}, {pipeline_mode = #tpu.pipeline_mode<synchronous>, transform_indices = @transform_4, window_bounds = array<i64: 1, 512>}, {transform_indices = @transform_5, window_bounds = array<i64: 1000, 512>}, {transform_indices = @transform_6, window_bounds = array<i64: 1, 8, 512>}]} {
    %get3A = arith.constant 0 : index
    %get3A_0 = arith.constant 0 : index
    %get3A_1 = vector.load %arg1[%get3A, %get3A_0] : memref<1000x128xf32, #tpu.memory_space<vmem>>, vector<1000x128xf32>
    %get3A_2 = arith.constant 0 : index
    %get3A_3 = arith.constant 0 : index
    %get3A_4 = vector.load %arg2[%get3A_2, %get3A_3] : memref<1000x128xf32, #tpu.memory_space<vmem>>, vector<1000x128xf32>
    %concatenate3A = tpu.concatenate %get3A_1, %get3A_4 in 1 : vector<1000x128xf32>, vector<1000x128xf32> -> vector<1000x256xf32>
    %get3A_5 = arith.constant 0 : index
    %get3A_6 = arith.constant 0 : index
    %get3A_7 = vector.load %arg3[%get3A_5, %get3A_6] : memref<1000x128xf32, #tpu.memory_space<vmem>>, vector<1000x1xf32>
    %mul3A = vector.broadcast %get3A_7 : vector<1000x1xf32> to vector<1000x256xf32>
    %mul3A_8 = arith.mulf %concatenate3A, %mul3A : vector<1000x256xf32>
    %get3A_9 = arith.constant 0 : index
    %get3A_10 = arith.constant 0 : index
    %get3A_11 = vector.load %arg4[%get3A_9, %get3A_10] : memref<256x512xf32, #tpu.memory_space<vmem>>, vector<256x512xf32>
    %dot_general3A = arith.constant dense<0.000000e+00> : vector<1000x512xf32>
    %dot_general3A_12 = tpu.matmul %mul3A_8, %get3A_11, %dot_general3A {dimension_numbers = #tpu.dot_dimension_numbers<[1], [0], [0], [1], [0, 0, 1, 1], [], []>, precision = #tpu.contract_precision<fp32>, transpose_lhs_hint = false} : vector<1000x256xf32>, vector<256x512xf32>, vector<1000x512xf32> -> vector<1000x512xf32>
    %get3A_13 = arith.constant 0 : index
    %get3A_14 = arith.constant 0 : index
    %get3A_15 = vector.load %arg5[%get3A_13, %get3A_14] : memref<1x512xf32, #tpu.memory_space<vmem>>, vector<1x512xf32>
    %add3A = vector.broadcast %get3A_15 : vector<1x512xf32> to vector<1000x512xf32>
    %add3A_16 = arith.addf %dot_general3A_12, %add3A : vector<1000x512xf32>
    %swap3A = arith.constant 0 : index
    %swap3A_17 = arith.constant 0 : index
    %swap3A_18 = vector.load %arg6[%swap3A, %swap3A_17] : memref<1000x512xf32, #tpu.memory_space<vmem>>, vector<1000x512xf32>
    tpu.vector_store %arg6[%swap3A, %swap3A_17], %add3A_16 {strides = array<i32>} : memref<1000x512xf32, #tpu.memory_space<vmem>>, vector<1000x512xf32>,
    %reduce_sum3A = arith.constant dense<0.000000e+00> : vector<512xf32>
    %reduce_sum3A_19 = vector.multi_reduction <add>, %add3A_16, %reduce_sum3A [0] : vector<1000x512xf32> to vector<512xf32>
    %broadcast_in_dim3A = vector.shape_cast %reduce_sum3A_19 : vector<512xf32> to vector<1x512xf32>
    %mul3A_20 = arith.mulf %add3A_16, %add3A_16 : vector<1000x512xf32>
    %reduce_sum3A_21 = arith.constant dense<0.000000e+00> : vector<512xf32>
    %reduce_sum3A_22 = vector.multi_reduction <add>, %mul3A_20, %reduce_sum3A_21 [0] : vector<1000x512xf32> to vector<512xf32>
    %broadcast_in_dim3A_23 = vector.shape_cast %reduce_sum3A_22 : vector<512xf32> to vector<1x512xf32>
    %broadcast_in_dim3A_24 = arith.constant 0.000000e+00 : f32
    %broadcast_in_dim3A_25 = vector.broadcast %broadcast_in_dim3A_24 : f32 to vector<6x512xf32>
    %concatenate3A_26 = tpu.concatenate %broadcast_in_dim3A, %broadcast_in_dim3A_23, %broadcast_in_dim3A_25 in 0 : vector<1x512xf32>, vector<1x512xf32>, vector<6x512xf32> -> vector<8x512xf32>
    %broadcast_in_dim3A_27 = vector.shape_cast %concatenate3A_26 : vector<8x512xf32> to vector<1x8x512xf32>
    %swap3A_28 = arith.constant 0 : index
    %swap3A_29 = arith.constant 0 : index
    %swap3A_30 = arith.constant 0 : index
    %swap3A_31 = vector.load %arg7[%swap3A_28, %swap3A_29, %swap3A_30] : memref<1x8x512xf32, #tpu.memory_space<vmem>>, vector<1x8x512xf32>
    tpu.vector_store %arg7[%swap3A_28, %swap3A_29, %swap3A_30], %broadcast_in_dim3A_27 {strides = array<i32>} : memref<1x8x512xf32, #tpu.memory_space<vmem>>, vector<1x8x512xf32>,
    return
  }
  func.func @transform_0(%arg0: i32) -> (i32, i32) {
    %c0_i32 = arith.constant 0 : i32
    %c0_i32_0 = arith.constant 0 : i32
    return %arg0, %c0_i32 : i32, i32
  }
  func.func @transform_1(%arg0: i32) -> (i32, i32) {
    %c0_i32 = arith.constant 0 : i32
    %c0_i32_0 = arith.constant 0 : i32
    return %arg0, %c0_i32 : i32, i32
  }
  func.func @transform_2(%arg0: i32) -> (i32, i32) {
    %c0_i32 = arith.constant 0 : i32
    %c0_i32_0 = arith.constant 0 : i32
    return %arg0, %c0_i32 : i32, i32
  }
  func.func @transform_3(%arg0: i32) -> (i32, i32) {
    %c0_i32 = arith.constant 0 : i32
    %c0_i32_0 = arith.constant 0 : i32
    %c0_i32_1 = arith.constant 0 : i32
    return %c0_i32, %c0_i32_0 : i32, i32
  }
  func.func @transform_4(%arg0: i32) -> (i32, i32) {
    %c0_i32 = arith.constant 0 : i32
    %c0_i32_0 = arith.constant 0 : i32
    %c0_i32_1 = arith.constant 0 : i32
    return %c0_i32, %c0_i32_0 : i32, i32
  }
  func.func @transform_5(%arg0: i32) -> (i32, i32) {
    %c0_i32 = arith.constant 0 : i32
    %c0_i32_0 = arith.constant 0 : i32
    return %arg0, %c0_i32 : i32, i32
  }
  func.func @transform_6(%arg0: i32) -> (i32, i32, i32) {
    %c0_i32 = arith.constant 0 : i32
    %c0_i32_0 = arith.constant 0 : i32
    %c0_i32_1 = arith.constant 0 : i32
    return %arg0, %c0_i32, %c0_i32_0 : i32, i32, i32
  }
}

module attributes {stable_mosaic.version = 14 : i64} {
  func.func @body(%arg0: i32, %arg1: i32, %arg2: memref<1000x128xf32, #tpu.memory_space<vmem>>, %arg3: memref<10x8x128xf32, #tpu.memory_space<vmem>>, %arg4: memref<1x128xf32, #tpu.memory_space<vmem>>, %arg5: memref<1x128xf32, #tpu.memory_space<vmem>>, %arg6: memref<1x128xf32, #tpu.memory_space<vmem>>, %arg7: memref<1000x128xf32, #tpu.memory_space<vmem>>, %arg8: memref<1000x128xf32, #tpu.memory_space<vmem>>) attributes {dimension_semantics = [#tpu.dimension_semantics<arbitrary>, #tpu.dimension_semantics<arbitrary>], iteration_bounds = array<i64: 10, 4>, scalar_prefetch = 0 : i64, scratch_operands = 0 : i64, tpu.core_type = #tpu.core_type<tc>, window_params = [{transform_indices = @transform_0, window_bounds = array<i64: 1000, 128>}, {transform_indices = @transform_1, window_bounds = array<i64: 10, 8, 128>}, {transform_indices = @transform_2, window_bounds = array<i64: 1, 128>}, {transform_indices = @transform_3, window_bounds = array<i64: 1, 128>}, {transform_indices = @transform_4, window_bounds = array<i64: 1, 128>}, {transform_indices = @transform_5, window_bounds = array<i64: 1000, 128>}, {transform_indices = @transform_6, window_bounds = array<i64: 1000, 128>}]} {
    %get3A = arith.constant 0 : index
    %get3A_0 = arith.constant 0 : index
    %get3A_1 = vector.load %arg2[%get3A, %get3A_0] : memref<1000x128xf32, #tpu.memory_space<vmem>>, vector<1000x128xf32>
    %get3A_2 = arith.constant 0 : index
    %get3A_3 = arith.constant 0 : index
    %get3A_4 = arith.constant 0 : index
    %get3A_5 = vector.load %arg3[%get3A_2, %get3A_3, %get3A_4] : memref<10x8x128xf32, #tpu.memory_space<vmem>>, vector<10x1x128xf32>
    %get3A_6 = vector.shape_cast %get3A_5 : vector<10x1x128xf32> to vector<10x128xf32>
    %reduce_sum3A = arith.constant dense<0.000000e+00> : vector<128xf32>
    %reduce_sum3A_7 = vector.multi_reduction <add>, %get3A_6, %reduce_sum3A [0] : vector<10x128xf32> to vector<128xf32>
    %mul3A = arith.constant 9.99999974E-5 : f32
    %mul3A_8 = vector.broadcast %mul3A : f32 to vector<128xf32>
    %mul3A_9 = arith.mulf %reduce_sum3A_7, %mul3A_8 : vector<128xf32>
    %get3A_10 = arith.constant 0 : index
    %get3A_11 = arith.constant 1 : index
    %get3A_12 = arith.constant 0 : index
    %get3A_13 = vector.load %arg3[%get3A_10, %get3A_11, %get3A_12] : memref<10x8x128xf32, #tpu.memory_space<vmem>>, vector<10x1x128xf32>
    %get3A_14 = vector.shape_cast %get3A_13 : vector<10x1x128xf32> to vector<10x128xf32>
    %reduce_sum3A_15 = arith.constant dense<0.000000e+00> : vector<128xf32>
    %reduce_sum3A_16 = vector.multi_reduction <add>, %get3A_14, %reduce_sum3A_15 [0] : vector<10x128xf32> to vector<128xf32>
    %mul3A_17 = arith.constant 9.99999974E-5 : f32
    %mul3A_18 = vector.broadcast %mul3A_17 : f32 to vector<128xf32>
    %mul3A_19 = arith.mulf %reduce_sum3A_16, %mul3A_18 : vector<128xf32>
    %get3A_20 = arith.constant 0 : index
    %get3A_21 = arith.constant 0 : index
    %get3A_22 = vector.load %arg6[%get3A_20, %get3A_21] : memref<1x128xf32, #tpu.memory_space<vmem>>, vector<1x128xf32>
    %get3A_23 = vector.shape_cast %get3A_22 : vector<1x128xf32> to vector<128xf32>
    %mul3A_24 = arith.constant 2.000000e+00 : f32
    %mul3A_25 = vector.broadcast %mul3A_24 : f32 to vector<128xf32>
    %mul3A_26 = arith.mulf %mul3A_25, %get3A_23 : vector<128xf32>
    %mul3A_27 = arith.mulf %mul3A_26, %mul3A_9 : vector<128xf32>
    %mul3A_28 = arith.mulf %mul3A_27, %mul3A_9 : vector<128xf32>
    %sub3A = arith.subf %mul3A_19, %mul3A_28 : vector<128xf32>
    %mul3A_29 = arith.mulf %get3A_23, %get3A_23 : vector<128xf32>
    %mul3A_30 = arith.mulf %mul3A_29, %mul3A_9 : vector<128xf32>
    %mul3A_31 = arith.mulf %mul3A_30, %mul3A_9 : vector<128xf32>
    %add3A = arith.addf %sub3A, %mul3A_31 : vector<128xf32>
    %mul3A_32 = arith.mulf %get3A_23, %mul3A_9 : vector<128xf32>
    %broadcast_in_dim3A = vector.shape_cast %mul3A_32 : vector<128xf32> to vector<1x128xf32>
    %sub3A_33 = vector.broadcast %broadcast_in_dim3A : vector<1x128xf32> to vector<1000x128xf32>
    %sub3A_34 = arith.subf %get3A_1, %sub3A_33 : vector<1000x128xf32>
    %get3A_35 = arith.constant 0 : index
    %get3A_36 = arith.constant 0 : index
    %get3A_37 = vector.load %arg4[%get3A_35, %get3A_36] : memref<1x128xf32, #tpu.memory_space<vmem>>, vector<1x128xf32>
    %get3A_38 = vector.shape_cast %get3A_37 : vector<1x128xf32> to vector<128xf32>
    %broadcast_in_dim3A_39 = vector.shape_cast %get3A_38 : vector<128xf32> to vector<1x128xf32>
    %mul3A_40 = vector.broadcast %broadcast_in_dim3A_39 : vector<1x128xf32> to vector<1000x128xf32>
    %mul3A_41 = arith.mulf %mul3A_40, %sub3A_34 : vector<1000x128xf32>
    %add3A_42 = arith.constant 9.99999974E-6 : f32
    %add3A_43 = vector.broadcast %add3A_42 : f32 to vector<128xf32>
    %add3A_44 = arith.addf %add3A, %add3A_43 : vector<128xf32>
    %sqrt3A = math.sqrt %add3A_44 : vector<128xf32>
    %broadcast_in_dim3A_45 = vector.shape_cast %sqrt3A : vector<128xf32> to vector<1x128xf32>
    %div3A = vector.broadcast %broadcast_in_dim3A_45 : vector<1x128xf32> to vector<1000x128xf32>
    %div3A_46 = arith.divf %mul3A_41, %div3A : vector<1000x128xf32>
    %get3A_47 = arith.constant 0 : index
    %get3A_48 = arith.constant 0 : index
    %get3A_49 = vector.load %arg5[%get3A_47, %get3A_48] : memref<1x128xf32, #tpu.memory_space<vmem>>, vector<1x128xf32>
    %get3A_50 = vector.shape_cast %get3A_49 : vector<1x128xf32> to vector<128xf32>
    %broadcast_in_dim3A_51 = vector.shape_cast %get3A_50 : vector<128xf32> to vector<1x128xf32>
    %add3A_52 = vector.broadcast %broadcast_in_dim3A_51 : vector<1x128xf32> to vector<1000x128xf32>
    %add3A_53 = arith.addf %div3A_46, %add3A_52 : vector<1000x128xf32>
    %max3A = arith.constant 0.000000e+00 : f32
    %max3A_54 = vector.broadcast %max3A : f32 to vector<1000x128xf32>
    %max3A_55 = arith.maximumf %add3A_53, %max3A_54 : vector<1000x128xf32>
    %get3A_56 = arith.constant 0 : index
    %get3A_57 = arith.constant 0 : index
    %get3A_58 = vector.load %arg7[%get3A_56, %get3A_57] : memref<1000x128xf32, #tpu.memory_space<vmem>>, vector<1000x1xf32>
    %mul3A_59 = vector.broadcast %get3A_58 : vector<1000x1xf32> to vector<1000x128xf32>
    %mul3A_60 = arith.mulf %max3A_55, %mul3A_59 : vector<1000x128xf32>
    %swap3A = arith.constant 0 : index
    %swap3A_61 = arith.constant 0 : index
    %swap3A_62 = vector.load %arg8[%swap3A, %swap3A_61] : memref<1000x128xf32, #tpu.memory_space<vmem>>, vector<1000x128xf32>
    tpu.vector_store %arg8[%swap3A, %swap3A_61], %mul3A_60 {strides = array<i32>} : memref<1000x128xf32, #tpu.memory_space<vmem>>, vector<1000x128xf32>,
    return
  }
  func.func @transform_0(%arg0: i32, %arg1: i32) -> (i32, i32) {
    %c0_i32 = arith.constant 0 : i32
    return %arg0, %arg1 : i32, i32
  }
  func.func @transform_1(%arg0: i32, %arg1: i32) -> (i32, i32, i32) {
    %c0_i32 = arith.constant 0 : i32
    %c0_i32_0 = arith.constant 0 : i32
    %c0_i32_1 = arith.constant 0 : i32
    return %c0_i32, %c0_i32_0, %arg1 : i32, i32, i32
  }
  func.func @transform_2(%arg0: i32, %arg1: i32) -> (i32, i32) {
    %c0_i32 = arith.constant 0 : i32
    %c0_i32_0 = arith.constant 0 : i32
    return %c0_i32, %arg1 : i32, i32
  }
  func.func @transform_3(%arg0: i32, %arg1: i32) -> (i32, i32) {
    %c0_i32 = arith.constant 0 : i32
    %c0_i32_0 = arith.constant 0 : i32
    return %c0_i32, %arg1 : i32, i32
  }
  func.func @transform_4(%arg0: i32, %arg1: i32) -> (i32, i32) {
    %c0_i32 = arith.constant 0 : i32
    %c0_i32_0 = arith.constant 0 : i32
    return %c0_i32, %arg1 : i32, i32
  }
  func.func @transform_5(%arg0: i32, %arg1: i32) -> (i32, i32) {
    %c0_i32 = arith.constant 0 : i32
    %c0_i32_0 = arith.constant 0 : i32
    return %arg0, %c0_i32 : i32, i32
  }
  func.func @transform_6(%arg0: i32, %arg1: i32) -> (i32, i32) {
    %mul3A = arith.constant 10 : i32
    %mul3A_0 = arith.muli %arg1, %mul3A : i32
    %add3A = arith.addi %mul3A_0, %arg0 : i32
    %c0_i32 = arith.constant 0 : i32
    %c0_i32_1 = arith.constant 0 : i32
    return %add3A, %c0_i32 : i32, i32
  }
}

module attributes {stable_mosaic.version = 14 : i64} {
  func.func @body(%arg0: i32, %arg1: memref<1000x128xf32, #tpu.memory_space<vmem>>, %arg2: memref<1000x128xf32, #tpu.memory_space<vmem>>, %arg3: memref<1000x128xf32, #tpu.memory_space<vmem>>, %arg4: memref<1000x128xf32, #tpu.memory_space<vmem>>, %arg5: memref<1000x128xf32, #tpu.memory_space<vmem>>, %arg6: memref<512x512xf32, #tpu.memory_space<vmem>>, %arg7: memref<1x512xf32, #tpu.memory_space<vmem>>, %arg8: memref<1000x512xf32, #tpu.memory_space<vmem>>, %arg9: memref<1x8x512xf32, #tpu.memory_space<vmem>>) attributes {dimension_semantics = [#tpu.dimension_semantics<arbitrary>], iteration_bounds = array<i64: 10>, scalar_prefetch = 0 : i64, scratch_operands = 0 : i64, tpu.core_type = #tpu.core_type<tc>, window_params = [{transform_indices = @transform_0, window_bounds = array<i64: 1000, 128>}, {transform_indices = @transform_1, window_bounds = array<i64: 1000, 128>}, {transform_indices = @transform_2, window_bounds = array<i64: 1000, 128>}, {transform_indices = @transform_3, window_bounds = array<i64: 1000, 128>}, {transform_indices = @transform_4, window_bounds = array<i64: 1000, 128>}, {pipeline_mode = #tpu.pipeline_mode<synchronous>, transform_indices = @transform_5, window_bounds = array<i64: 512, 512>}, {pipeline_mode = #tpu.pipeline_mode<synchronous>, transform_indices = @transform_6, window_bounds = array<i64: 1, 512>}, {transform_indices = @transform_7, window_bounds = array<i64: 1000, 512>}, {transform_indices = @transform_8, window_bounds = array<i64: 1, 8, 512>}]} {
    %get3A = arith.constant 0 : index
    %get3A_0 = arith.constant 0 : index
    %get3A_1 = vector.load %arg1[%get3A, %get3A_0] : memref<1000x128xf32, #tpu.memory_space<vmem>>, vector<1000x128xf32>
    %get3A_2 = arith.constant 0 : index
    %get3A_3 = arith.constant 0 : index
    %get3A_4 = vector.load %arg2[%get3A_2, %get3A_3] : memref<1000x128xf32, #tpu.memory_space<vmem>>, vector<1000x128xf32>
    %get3A_5 = arith.constant 0 : index
    %get3A_6 = arith.constant 0 : index
    %get3A_7 = vector.load %arg3[%get3A_5, %get3A_6] : memref<1000x128xf32, #tpu.memory_space<vmem>>, vector<1000x128xf32>
    %get3A_8 = arith.constant 0 : index
    %get3A_9 = arith.constant 0 : index
    %get3A_10 = vector.load %arg4[%get3A_8, %get3A_9] : memref<1000x128xf32, #tpu.memory_space<vmem>>, vector<1000x128xf32>
    %concatenate3A = tpu.concatenate %get3A_1, %get3A_4, %get3A_7, %get3A_10 in 1 : vector<1000x128xf32>, vector<1000x128xf32>, vector<1000x128xf32>, vector<1000x128xf32> -> vector<1000x512xf32>
    %get3A_11 = arith.constant 0 : index
    %get3A_12 = arith.constant 0 : index
    %get3A_13 = vector.load %arg5[%get3A_11, %get3A_12] : memref<1000x128xf32, #tpu.memory_space<vmem>>, vector<1000x1xf32>
    %mul3A = vector.broadcast %get3A_13 : vector<1000x1xf32> to vector<1000x512xf32>
    %mul3A_14 = arith.mulf %concatenate3A, %mul3A : vector<1000x512xf32>
    %get3A_15 = arith.constant 0 : index
    %get3A_16 = arith.constant 0 : index
    %get3A_17 = vector.load %arg6[%get3A_15, %get3A_16] : memref<512x512xf32, #tpu.memory_space<vmem>>, vector<512x512xf32>
    %dot_general3A = arith.constant dense<0.000000e+00> : vector<1000x512xf32>
    %dot_general3A_18 = tpu.matmul %mul3A_14, %get3A_17, %dot_general3A {dimension_numbers = #tpu.dot_dimension_numbers<[1], [0], [0], [1], [0, 0, 1, 1], [], []>, precision = #tpu.contract_precision<fp32>, transpose_lhs_hint = false} : vector<1000x512xf32>, vector<512x512xf32>, vector<1000x512xf32> -> vector<1000x512xf32>
    %get3A_19 = arith.constant 0 : index
    %get3A_20 = arith.constant 0 : index
    %get3A_21 = vector.load %arg7[%get3A_19, %get3A_20] : memref<1x512xf32, #tpu.memory_space<vmem>>, vector<1x512xf32>
    %add3A = vector.broadcast %get3A_21 : vector<1x512xf32> to vector<1000x512xf32>
    %add3A_22 = arith.addf %dot_general3A_18, %add3A : vector<1000x512xf32>
    %swap3A = arith.constant 0 : index
    %swap3A_23 = arith.constant 0 : index
    %swap3A_24 = vector.load %arg8[%swap3A, %swap3A_23] : memref<1000x512xf32, #tpu.memory_space<vmem>>, vector<1000x512xf32>
    tpu.vector_store %arg8[%swap3A, %swap3A_23], %add3A_22 {strides = array<i32>} : memref<1000x512xf32, #tpu.memory_space<vmem>>, vector<1000x512xf32>,
    %reduce_sum3A = arith.constant dense<0.000000e+00> : vector<512xf32>
    %reduce_sum3A_25 = vector.multi_reduction <add>, %add3A_22, %reduce_sum3A [0] : vector<1000x512xf32> to vector<512xf32>
    %broadcast_in_dim3A = vector.shape_cast %reduce_sum3A_25 : vector<512xf32> to vector<1x512xf32>
    %mul3A_26 = arith.mulf %add3A_22, %add3A_22 : vector<1000x512xf32>
    %reduce_sum3A_27 = arith.constant dense<0.000000e+00> : vector<512xf32>
    %reduce_sum3A_28 = vector.multi_reduction <add>, %mul3A_26, %reduce_sum3A_27 [0] : vector<1000x512xf32> to vector<512xf32>
    %broadcast_in_dim3A_29 = vector.shape_cast %reduce_sum3A_28 : vector<512xf32> to vector<1x512xf32>
    %broadcast_in_dim3A_30 = arith.constant 0.000000e+00 : f32
    %broadcast_in_dim3A_31 = vector.broadcast %broadcast_in_dim3A_30 : f32 to vector<6x512xf32>
    %concatenate3A_32 = tpu.concatenate %broadcast_in_dim3A, %broadcast_in_dim3A_29, %broadcast_in_dim3A_31 in 0 : vector<1x512xf32>, vector<1x512xf32>, vector<6x512xf32> -> vector<8x512xf32>
    %broadcast_in_dim3A_33 = vector.shape_cast %concatenate3A_32 : vector<8x512xf32> to vector<1x8x512xf32>
    %swap3A_34 = arith.constant 0 : index
    %swap3A_35 = arith.constant 0 : index
    %swap3A_36 = arith.constant 0 : index
    %swap3A_37 = vector.load %arg9[%swap3A_34, %swap3A_35, %swap3A_36] : memref<1x8x512xf32, #tpu.memory_space<vmem>>, vector<1x8x512xf32>
    tpu.vector_store %arg9[%swap3A_34, %swap3A_35, %swap3A_36], %broadcast_in_dim3A_33 {strides = array<i32>} : memref<1x8x512xf32, #tpu.memory_space<vmem>>, vector<1x8x512xf32>,
    return
  }
  func.func @transform_0(%arg0: i32) -> (i32, i32) {
    %c0_i32 = arith.constant 0 : i32
    %c0_i32_0 = arith.constant 0 : i32
    return %arg0, %c0_i32 : i32, i32
  }
  func.func @transform_1(%arg0: i32) -> (i32, i32) {
    %c0_i32 = arith.constant 0 : i32
    %c0_i32_0 = arith.constant 0 : i32
    return %arg0, %c0_i32 : i32, i32
  }
  func.func @transform_2(%arg0: i32) -> (i32, i32) {
    %c0_i32 = arith.constant 0 : i32
    %c0_i32_0 = arith.constant 0 : i32
    return %arg0, %c0_i32 : i32, i32
  }
  func.func @transform_3(%arg0: i32) -> (i32, i32) {
    %c0_i32 = arith.constant 0 : i32
    %c0_i32_0 = arith.constant 0 : i32
    return %arg0, %c0_i32 : i32, i32
  }
  func.func @transform_4(%arg0: i32) -> (i32, i32) {
    %c0_i32 = arith.constant 0 : i32
    %c0_i32_0 = arith.constant 0 : i32
    return %arg0, %c0_i32 : i32, i32
  }
  func.func @transform_5(%arg0: i32) -> (i32, i32) {
    %c0_i32 = arith.constant 0 : i32
    %c0_i32_0 = arith.constant 0 : i32
    %c0_i32_1 = arith.constant 0 : i32
    return %c0_i32, %c0_i32_0 : i32, i32
  }
  func.func @transform_6(%arg0: i32) -> (i32, i32) {
    %c0_i32 = arith.constant 0 : i32
    %c0_i32_0 = arith.constant 0 : i32
    %c0_i32_1 = arith.constant 0 : i32
    return %c0_i32, %c0_i32_0 : i32, i32
  }
  func.func @transform_7(%arg0: i32) -> (i32, i32) {
    %c0_i32 = arith.constant 0 : i32
    %c0_i32_0 = arith.constant 0 : i32
    return %arg0, %c0_i32 : i32, i32
  }
  func.func @transform_8(%arg0: i32) -> (i32, i32, i32) {
    %c0_i32 = arith.constant 0 : i32
    %c0_i32_0 = arith.constant 0 : i32
    %c0_i32_1 = arith.constant 0 : i32
    return %arg0, %c0_i32, %c0_i32_0 : i32, i32, i32
  }
}

module attributes {stable_mosaic.version = 14 : i64} {
  func.func @body(%arg0: i32, %arg1: i32, %arg2: memref<1000x512xf32, #tpu.memory_space<vmem>>, %arg3: memref<10x8x512xf32, #tpu.memory_space<vmem>>, %arg4: memref<1x512xf32, #tpu.memory_space<vmem>>, %arg5: memref<1x512xf32, #tpu.memory_space<vmem>>, %arg6: memref<1x512xf32, #tpu.memory_space<vmem>>, %arg7: memref<512x128xf32, #tpu.memory_space<vmem>>, %arg8: memref<1000x128xf32, #tpu.memory_space<vmem>>, %arg9: memref<1000x128xf32, #tpu.memory_space<vmem>>) attributes {dimension_semantics = [#tpu.dimension_semantics<arbitrary>, #tpu.dimension_semantics<arbitrary>], iteration_bounds = array<i64: 10, 2>, scalar_prefetch = 0 : i64, scratch_operands = 0 : i64, tpu.core_type = #tpu.core_type<tc>, window_params = [{transform_indices = @transform_0, window_bounds = array<i64: 1000, 512>}, {pipeline_mode = #tpu.pipeline_mode<synchronous>, transform_indices = @transform_1, window_bounds = array<i64: 10, 8, 512>}, {pipeline_mode = #tpu.pipeline_mode<synchronous>, transform_indices = @transform_2, window_bounds = array<i64: 1, 512>}, {pipeline_mode = #tpu.pipeline_mode<synchronous>, transform_indices = @transform_3, window_bounds = array<i64: 1, 512>}, {pipeline_mode = #tpu.pipeline_mode<synchronous>, transform_indices = @transform_4, window_bounds = array<i64: 1, 512>}, {transform_indices = @transform_5, window_bounds = array<i64: 512, 128>}, {transform_indices = @transform_6, window_bounds = array<i64: 1000, 128>}, {transform_indices = @transform_7, window_bounds = array<i64: 1000, 128>}]} {
    %get3A = arith.constant 0 : index
    %get3A_0 = arith.constant 0 : index
    %get3A_1 = vector.load %arg2[%get3A, %get3A_0] : memref<1000x512xf32, #tpu.memory_space<vmem>>, vector<1000x512xf32>
    %get3A_2 = arith.constant 0 : index
    %get3A_3 = arith.constant 0 : index
    %get3A_4 = arith.constant 0 : index
    %get3A_5 = vector.load %arg3[%get3A_2, %get3A_3, %get3A_4] : memref<10x8x512xf32, #tpu.memory_space<vmem>>, vector<10x1x512xf32>
    %get3A_6 = vector.shape_cast %get3A_5 : vector<10x1x512xf32> to vector<10x512xf32>
    %reduce_sum3A = arith.constant dense<0.000000e+00> : vector<512xf32>
    %reduce_sum3A_7 = vector.multi_reduction <add>, %get3A_6, %reduce_sum3A [0] : vector<10x512xf32> to vector<512xf32>
    %mul3A = arith.constant 9.99999974E-5 : f32
    %mul3A_8 = vector.broadcast %mul3A : f32 to vector<512xf32>
    %mul3A_9 = arith.mulf %reduce_sum3A_7, %mul3A_8 : vector<512xf32>
    %get3A_10 = arith.constant 0 : index
    %get3A_11 = arith.constant 1 : index
    %get3A_12 = arith.constant 0 : index
    %get3A_13 = vector.load %arg3[%get3A_10, %get3A_11, %get3A_12] : memref<10x8x512xf32, #tpu.memory_space<vmem>>, vector<10x1x512xf32>
    %get3A_14 = vector.shape_cast %get3A_13 : vector<10x1x512xf32> to vector<10x512xf32>
    %reduce_sum3A_15 = arith.constant dense<0.000000e+00> : vector<512xf32>
    %reduce_sum3A_16 = vector.multi_reduction <add>, %get3A_14, %reduce_sum3A_15 [0] : vector<10x512xf32> to vector<512xf32>
    %mul3A_17 = arith.constant 9.99999974E-5 : f32
    %mul3A_18 = vector.broadcast %mul3A_17 : f32 to vector<512xf32>
    %mul3A_19 = arith.mulf %reduce_sum3A_16, %mul3A_18 : vector<512xf32>
    %get3A_20 = arith.constant 0 : index
    %get3A_21 = arith.constant 0 : index
    %get3A_22 = vector.load %arg6[%get3A_20, %get3A_21] : memref<1x512xf32, #tpu.memory_space<vmem>>, vector<1x512xf32>
    %get3A_23 = vector.shape_cast %get3A_22 : vector<1x512xf32> to vector<512xf32>
    %mul3A_24 = arith.constant 2.000000e+00 : f32
    %mul3A_25 = vector.broadcast %mul3A_24 : f32 to vector<512xf32>
    %mul3A_26 = arith.mulf %mul3A_25, %get3A_23 : vector<512xf32>
    %mul3A_27 = arith.mulf %mul3A_26, %mul3A_9 : vector<512xf32>
    %mul3A_28 = arith.mulf %mul3A_27, %mul3A_9 : vector<512xf32>
    %sub3A = arith.subf %mul3A_19, %mul3A_28 : vector<512xf32>
    %mul3A_29 = arith.mulf %get3A_23, %get3A_23 : vector<512xf32>
    %mul3A_30 = arith.mulf %mul3A_29, %mul3A_9 : vector<512xf32>
    %mul3A_31 = arith.mulf %mul3A_30, %mul3A_9 : vector<512xf32>
    %add3A = arith.addf %sub3A, %mul3A_31 : vector<512xf32>
    %mul3A_32 = arith.mulf %get3A_23, %mul3A_9 : vector<512xf32>
    %broadcast_in_dim3A = vector.shape_cast %mul3A_32 : vector<512xf32> to vector<1x512xf32>
    %sub3A_33 = vector.broadcast %broadcast_in_dim3A : vector<1x512xf32> to vector<1000x512xf32>
    %sub3A_34 = arith.subf %get3A_1, %sub3A_33 : vector<1000x512xf32>
    %get3A_35 = arith.constant 0 : index
    %get3A_36 = arith.constant 0 : index
    %get3A_37 = vector.load %arg4[%get3A_35, %get3A_36] : memref<1x512xf32, #tpu.memory_space<vmem>>, vector<1x512xf32>
    %get3A_38 = vector.shape_cast %get3A_37 : vector<1x512xf32> to vector<512xf32>
    %broadcast_in_dim3A_39 = vector.shape_cast %get3A_38 : vector<512xf32> to vector<1x512xf32>
    %mul3A_40 = vector.broadcast %broadcast_in_dim3A_39 : vector<1x512xf32> to vector<1000x512xf32>
    %mul3A_41 = arith.mulf %mul3A_40, %sub3A_34 : vector<1000x512xf32>
    %add3A_42 = arith.constant 9.99999974E-6 : f32
    %add3A_43 = vector.broadcast %add3A_42 : f32 to vector<512xf32>
    %add3A_44 = arith.addf %add3A, %add3A_43 : vector<512xf32>
    %sqrt3A = math.sqrt %add3A_44 : vector<512xf32>
    %broadcast_in_dim3A_45 = vector.shape_cast %sqrt3A : vector<512xf32> to vector<1x512xf32>
    %div3A = vector.broadcast %broadcast_in_dim3A_45 : vector<1x512xf32> to vector<1000x512xf32>
    %div3A_46 = arith.divf %mul3A_41, %div3A : vector<1000x512xf32>
    %get3A_47 = arith.constant 0 : index
    %get3A_48 = arith.constant 0 : index
    %get3A_49 = vector.load %arg5[%get3A_47, %get3A_48] : memref<1x512xf32, #tpu.memory_space<vmem>>, vector<1x512xf32>
    %get3A_50 = vector.shape_cast %get3A_49 : vector<1x512xf32> to vector<512xf32>
    %broadcast_in_dim3A_51 = vector.shape_cast %get3A_50 : vector<512xf32> to vector<1x512xf32>
    %add3A_52 = vector.broadcast %broadcast_in_dim3A_51 : vector<1x512xf32> to vector<1000x512xf32>
    %add3A_53 = arith.addf %div3A_46, %add3A_52 : vector<1000x512xf32>
    %max3A = arith.constant 0.000000e+00 : f32
    %max3A_54 = vector.broadcast %max3A : f32 to vector<1000x512xf32>
    %max3A_55 = arith.maximumf %add3A_53, %max3A_54 : vector<1000x512xf32>
    %get3A_56 = arith.constant 0 : index
    %get3A_57 = arith.constant 0 : index
    %get3A_58 = vector.load %arg7[%get3A_56, %get3A_57] : memref<512x128xf32, #tpu.memory_space<vmem>>, vector<512x128xf32>
    %dot_general3A = arith.constant dense<0.000000e+00> : vector<1000x128xf32>
    %dot_general3A_59 = tpu.matmul %max3A_55, %get3A_58, %dot_general3A {dimension_numbers = #tpu.dot_dimension_numbers<[1], [0], [0], [1], [0, 0, 1, 1], [], []>, precision = #tpu.contract_precision<fp32>, transpose_lhs_hint = false} : vector<1000x512xf32>, vector<512x128xf32>, vector<1000x128xf32> -> vector<1000x128xf32>
    %get3A_60 = arith.constant 0 : index
    %get3A_61 = arith.constant 0 : index
    %get3A_62 = vector.load %arg8[%get3A_60, %get3A_61] : memref<1000x128xf32, #tpu.memory_space<vmem>>, vector<1000x1xf32>
    %mul3A_63 = vector.broadcast %get3A_62 : vector<1000x1xf32> to vector<1000x128xf32>
    %mul3A_64 = arith.mulf %dot_general3A_59, %mul3A_63 : vector<1000x128xf32>
    %swap3A = arith.constant 0 : index
    %swap3A_65 = arith.constant 0 : index
    %swap3A_66 = vector.load %arg9[%swap3A, %swap3A_65] : memref<1000x128xf32, #tpu.memory_space<vmem>>, vector<1000x128xf32>
    tpu.vector_store %arg9[%swap3A, %swap3A_65], %mul3A_64 {strides = array<i32>} : memref<1000x128xf32, #tpu.memory_space<vmem>>, vector<1000x128xf32>,
    return
  }
  func.func @transform_0(%arg0: i32, %arg1: i32) -> (i32, i32) {
    %c0_i32 = arith.constant 0 : i32
    %c0_i32_0 = arith.constant 0 : i32
    return %arg0, %c0_i32 : i32, i32
  }
  func.func @transform_1(%arg0: i32, %arg1: i32) -> (i32, i32, i32) {
    %c0_i32 = arith.constant 0 : i32
    %c0_i32_0 = arith.constant 0 : i32
    %c0_i32_1 = arith.constant 0 : i32
    %c0_i32_2 = arith.constant 0 : i32
    return %c0_i32, %c0_i32_0, %c0_i32_1 : i32, i32, i32
  }
  func.func @transform_2(%arg0: i32, %arg1: i32) -> (i32, i32) {
    %c0_i32 = arith.constant 0 : i32
    %c0_i32_0 = arith.constant 0 : i32
    %c0_i32_1 = arith.constant 0 : i32
    return %c0_i32, %c0_i32_0 : i32, i32
  }
  func.func @transform_3(%arg0: i32, %arg1: i32) -> (i32, i32) {
    %c0_i32 = arith.constant 0 : i32
    %c0_i32_0 = arith.constant 0 : i32
    %c0_i32_1 = arith.constant 0 : i32
    return %c0_i32, %c0_i32_0 : i32, i32
  }
  func.func @transform_4(%arg0: i32, %arg1: i32) -> (i32, i32) {
    %c0_i32 = arith.constant 0 : i32
    %c0_i32_0 = arith.constant 0 : i32
    %c0_i32_1 = arith.constant 0 : i32
    return %c0_i32, %c0_i32_0 : i32, i32
  }
  func.func @transform_5(%arg0: i32, %arg1: i32) -> (i32, i32) {
    %c0_i32 = arith.constant 0 : i32
    %c0_i32_0 = arith.constant 0 : i32
    return %c0_i32, %arg1 : i32, i32
  }
  func.func @transform_6(%arg0: i32, %arg1: i32) -> (i32, i32) {
    %c0_i32 = arith.constant 0 : i32
    %c0_i32_0 = arith.constant 0 : i32
    return %arg0, %c0_i32 : i32, i32
  }
  func.func @transform_7(%arg0: i32, %arg1: i32) -> (i32, i32) {
    %mul3A = arith.constant 10 : i32
    %mul3A_0 = arith.muli %arg1, %mul3A : i32
    %add3A = arith.addi %mul3A_0, %arg0 : i32
    %c0_i32 = arith.constant 0 : i32
    %c0_i32_1 = arith.constant 0 : i32
    return %add3A, %c0_i32 : i32, i32
  }
}

module attributes {stable_mosaic.version = 14 : i64} {
  func.func @body(%arg0: i32, %arg1: memref<1000x128xf32, #tpu.memory_space<vmem>>, %arg2: memref<1000x128xf32, #tpu.memory_space<vmem>>, %arg3: memref<1000x128xf32, #tpu.memory_space<vmem>>, %arg4: memref<1x256xf32, #tpu.memory_space<vmem>>, %arg5: memref<1000x256xf32, #tpu.memory_space<vmem>>) attributes {dimension_semantics = [#tpu.dimension_semantics<arbitrary>], iteration_bounds = array<i64: 10>, scalar_prefetch = 0 : i64, scratch_operands = 0 : i64, tpu.core_type = #tpu.core_type<tc>, window_params = [{transform_indices = @transform_0, window_bounds = array<i64: 1000, 128>}, {transform_indices = @transform_1, window_bounds = array<i64: 1000, 128>}, {transform_indices = @transform_2, window_bounds = array<i64: 1000, 128>}, {pipeline_mode = #tpu.pipeline_mode<synchronous>, transform_indices = @transform_3, window_bounds = array<i64: 1, 256>}, {transform_indices = @transform_4, window_bounds = array<i64: 1000, 256>}]} {
    %get3A = arith.constant 0 : index
    %get3A_0 = arith.constant 0 : index
    %get3A_1 = vector.load %arg1[%get3A, %get3A_0] : memref<1000x128xf32, #tpu.memory_space<vmem>>, vector<1000x128xf32>
    %get3A_2 = arith.constant 0 : index
    %get3A_3 = arith.constant 0 : index
    %get3A_4 = vector.load %arg3[%get3A_2, %get3A_3] : memref<1000x128xf32, #tpu.memory_space<vmem>>, vector<1000x1xf32>
    %mul3A = vector.broadcast %get3A_4 : vector<1000x1xf32> to vector<1000x128xf32>
    %mul3A_5 = arith.mulf %get3A_1, %mul3A : vector<1000x128xf32>
    %get3A_6 = arith.constant 0 : index
    %get3A_7 = arith.constant 0 : index
    %get3A_8 = vector.load %arg4[%get3A_6, %get3A_7] : memref<1x256xf32, #tpu.memory_space<vmem>>, vector<1x128xf32>
    %add3A = vector.broadcast %get3A_8 : vector<1x128xf32> to vector<1000x128xf32>
    %add3A_9 = arith.addf %mul3A_5, %add3A : vector<1000x128xf32>
    %get3A_10 = arith.constant 0 : index
    %get3A_11 = arith.constant 0 : index
    %get3A_12 = vector.load %arg2[%get3A_10, %get3A_11] : memref<1000x128xf32, #tpu.memory_space<vmem>>, vector<1000x128xf32>
    %get3A_13 = arith.constant 0 : index
    %get3A_14 = arith.constant 0 : index
    %get3A_15 = vector.load %arg3[%get3A_13, %get3A_14] : memref<1000x128xf32, #tpu.memory_space<vmem>>, vector<1000x1xf32>
    %mul3A_16 = vector.broadcast %get3A_15 : vector<1000x1xf32> to vector<1000x128xf32>
    %mul3A_17 = arith.mulf %get3A_12, %mul3A_16 : vector<1000x128xf32>
    %get3A_18 = arith.constant 0 : index
    %get3A_19 = arith.constant 128 : index
    %get3A_20 = vector.load %arg4[%get3A_18, %get3A_19] : memref<1x256xf32, #tpu.memory_space<vmem>>, vector<1x128xf32>
    %add3A_21 = vector.broadcast %get3A_20 : vector<1x128xf32> to vector<1000x128xf32>
    %add3A_22 = arith.addf %mul3A_17, %add3A_21 : vector<1000x128xf32>
    %concatenate3A = tpu.concatenate %add3A_9, %add3A_22 in 1 : vector<1000x128xf32>, vector<1000x128xf32> -> vector<1000x256xf32>
    %swap3A = arith.constant 0 : index
    %swap3A_23 = arith.constant 0 : index
    %swap3A_24 = vector.load %arg5[%swap3A, %swap3A_23] : memref<1000x256xf32, #tpu.memory_space<vmem>>, vector<1000x256xf32>
    tpu.vector_store %arg5[%swap3A, %swap3A_23], %concatenate3A {strides = array<i32>} : memref<1000x256xf32, #tpu.memory_space<vmem>>, vector<1000x256xf32>,
    return
  }
  func.func @transform_0(%arg0: i32) -> (i32, i32) {
    %c0_i32 = arith.constant 0 : i32
    %c0_i32_0 = arith.constant 0 : i32
    return %arg0, %c0_i32 : i32, i32
  }
  func.func @transform_1(%arg0: i32) -> (i32, i32) {
    %c0_i32 = arith.constant 0 : i32
    %c0_i32_0 = arith.constant 0 : i32
    return %arg0, %c0_i32 : i32, i32
  }
  func.func @transform_2(%arg0: i32) -> (i32, i32) {
    %c0_i32 = arith.constant 0 : i32
    %c0_i32_0 = arith.constant 0 : i32
    return %arg0, %c0_i32 : i32, i32
  }
  func.func @transform_3(%arg0: i32) -> (i32, i32) {
    %c0_i32 = arith.constant 0 : i32
    %c0_i32_0 = arith.constant 0 : i32
    %c0_i32_1 = arith.constant 0 : i32
    return %c0_i32, %c0_i32_0 : i32, i32
  }
  func.func @transform_4(%arg0: i32) -> (i32, i32) {
    %c0_i32 = arith.constant 0 : i32
    %c0_i32_0 = arith.constant 0 : i32
    return %arg0, %c0_i32 : i32, i32
  }
}

</mosaic_0001>

<sc_bundles>
// kernel: kernel.13.cloned.1.call-start
scs
__scs_entry_jumppad:
0x0: {  	(pc) =	sbr.rel $0x88, $3  }
0x1: {  	(tag) =	ssettag $0x0;
	lr =	simm.s32 $0x1  }
0x2: {  	[smem:$0x3F93] =	sst lr;
	_ =	strace $0xD0000000  }
0x3: {  	_ = 	snop  }
0x4: {  	_ = 	snop  }
0x5: {  	_ = 	snop  }
0x6: {  	_ = 	snop  }
0x7: {  	_ = 	snop  }
__scs_overlays_trampoline_lowered:
0x8: {  	[smem:$0x3FA2] =	sst s0  }
0x9: {  	[smem:$0x3FA3] =	sst s1  }
0xa: {  	[smem:$0x3FA4] =	sst s2  }
0xb: {  	[smem:$0x3FA5] =	sst s3  }
0xc: {  	[smem:$0x3FA6] =	sst s4  }
0xd: {  	[smem:$0x3FA7] =	sst s5  }
0xe: {  	[smem:$0x3FA8] =	sst s6  }
0xf: {  	[smem:$0x3FA9] =	sst s7  }
0x10: {  	[smem:$0x3FAA] =	sst s8  }
0x11: {  	[smem:$0x3FAB] =	sst s9;
	s0 =	simm.s32 @!p0 $0x0  }
0x12: {  	s1 =	sld [smem:$0x3F91];
	s0 =	simm.s32 @p0 $0x1  }
0x13: {  	[smem:$0x3FAC] =	sst s0;
	s0 =	simm.s32 @!p1 $0x0  }
0x14: {  	s2 =	sld [smem:$0x3F90];
	s0 =	simm.s32 @p1 $0x1  }
0x15: {  	[smem:$0x3FAD] =	sst s0;
	s0 =	simm.s32 @!p2 $0x0  }
0x16: {  	s3 =	sld [smem:$0x3FDB];
	s0 =	simm.s32 @p2 $0x1  }
0x17: {  	s4 =	simm.s32 $0x1BF5;
	[smem:$0x3FAF] =	sst s0  }
0x18: {  	s0 =	sld [smem:$0x3F92];
	_ =	swait.ge [sflag:s4], $0x0  }
0x19: {  	s7 =	sld [smem:$0x3F93]  }
0x1a: {  	s8 =	sadd.s32 $0xFFFFE003, lr  }
0x1b: {  	s9 =	sadd.s32 $0xFFFFFEF7, lr;
	s5 =	simm.s32 $0xFFFFFFFF;
	p2 =	slt.u32 s8, $0xFFFFF086  }
0x1c: {  	p1 =	slt.u32 s9, $0xF7A;
	s5 =	simm.s32 @!p2 $0x0  }
0x1d: {  	s5 =	simm.s32 @p1 $0x1;
	p0 =	seq.s32 s7, s2  }
0x1e: {  	s7 =	smul.u32 @!p0 $0xF7A, s2;
	p2 =	seq.s32 @!p0 s5, $0x0  }
0x1f: {  	s9 =	smul.u32 $0xF7A, s1;
	s8 =	simm.s32 @!p0 $0x1BF5;
	p2 =	por !p2, p0  }
0x20: {  	[sflag:s8] =	ssyncset.s32 @!p0 $0xFFFFF086;
	s6 =	sadd.s32 @!p0 s3, s7;
	s7 =	simm.s32 @!p0 $0x108  }
0x21: {  	s3 =	sadd.s32 s3, s9;
	s6 =	sadd.s32 @!p0 $0x88, s6;
	s7 =	simm.s32 @p2 $0x1082  }
0x22: {  	[simem:s7], [sflag:s8] =	dma.local @!p0 [hbm:s6], $0xF7A  }
0x23: {  	s9 =	sor.u32 $0xD0000000, s2;
	s6 =	simm.s32 $0x108;
	_ =	swait.ge @!p0 [sflag:s8], $0x0  }
0x24: {  	s3 =	sadd.s32 $0x88, s3;
	s6 =	simm.s32 @!p1 $0x1082;
	[sflag:s4] =	ssyncset.s32 $0xFFFFF086  }
0x25: {  	[simem:s6], [sflag:s4] =	dma.local [hbm:s3], $0xF7A  }
0x26: {  	[smem:$0x3F93] =	sst s1;
	(tag) =	ssettag s2;
	_ =	strace s9  }
0x27: {  	s1 =	sld [smem:$0x3FA3]  }
0x28: {  	s2 =	sld [smem:$0x3FA4]  }
0x29: {  	s4 =	sld [smem:$0x3FA6]  }
0x2a: {  	p0 =	seq.s32 s5, $0x0;
	s5 =	sld [smem:$0x3FA7]  }
0x2b: {  	s6 =	sld [smem:$0x3FA8]  }
0x2c: {  	s7 =	sld [smem:$0x3FA9]  }
0x2d: {  	s3 =	simm.s32 $0x108;
	s8 =	sld [smem:$0x3FAA]  }
0x2e: {  	s3 =	simm.s32 @!p0 $0x1082;
	s9 =	sld [smem:$0x3FAB]  }
0x2f: {  	lr =	sadd.s32 s0, s3;
	s0 =	sld [smem:$0x3FA2]  }
0x30: {  	s3 =	sld [smem:$0x3FA5]  }
0x31: {  	[smem:$0x3FAE] =	sst s10  }
0x32: {  	s10 =	sld [smem:$0x3FAC];
	_ =	sdelay $0x3  }
0x33: {  	p0 =	seq.s32 s10, $0x1;
	s10 =	sld [smem:$0x3FAE];
	_ =	sdelay $0x3  }
0x34: {  	[smem:$0x3FAE] =	sst s10  }
0x35: {  	s10 =	sld [smem:$0x3FAD];
	_ =	sdelay $0x3  }
0x36: {  	p1 =	seq.s32 s10, $0x1;
	s10 =	sld [smem:$0x3FAE];
	_ =	sdelay $0x3  }
0x37: {  	[smem:$0x3FAE] =	sst s10  }
0x38: {  	s10 =	sld [smem:$0x3FAF]  }
0x39: {  	_ = 	snop;
	(pc) =	sbr.ind lr, $3  }
0x3a: {  	_ = 	snop  }
0x3b: {  	_ = 	snop  }
0x3c: {  	p2 =	seq.s32 s10, $0x1;
	s10 =	sld [smem:$0x3FAE]  }
0x3d: {  	_ =	shalt  }
0x3e: {  	_ =	shalt  }
0x3f: {  	_ =	shalt  }
0x40: {  	_ =	shalt  }
0x41: {  	_ =	shalt  }
0x42: {  	_ =	shalt  }
0x43: {  	_ =	shalt  }
0x44: {  	_ =	shalt  }
0x45: {  	_ =	shalt  }
0x46: {  	_ =	shalt  }
0x47: {  	_ =	shalt  }
0x48: {  	_ =	shalt  }
0x49: {  	_ =	shalt  }
0x4a: {  	_ =	shalt  }
0x4b: {  	_ =	shalt  }
0x4c: {  	_ =	shalt  }
0x4d: {  	_ =	shalt  }
0x4e: {  	_ =	shalt  }
0x4f: {  	_ =	shalt  }
0x50: {  	_ =	shalt  }
0x51: {  	_ =	shalt  }
0x52: {  	_ =	shalt  }
0x53: {  	_ =	shalt  }
0x54: {  	_ =	shalt  }
0x55: {  	_ =	shalt  }
0x56: {  	_ =	shalt  }
0x57: {  	_ =	shalt  }
0x58: {  	_ =	shalt  }
0x59: {  	_ =	shalt  }
0x5a: {  	_ =	shalt  }
0x5b: {  	_ =	shalt  }
0x5c: {  	_ =	shalt  }
0x5d: {  	_ =	shalt  }
0x5e: {  	_ =	shalt  }
0x5f: {  	_ =	shalt  }
0x60: {  	_ =	shalt  }
0x61: {  	_ =	shalt  }
0x62: {  	_ =	shalt  }
0x63: {  	_ =	shalt  }
0x64: {  	_ =	shalt  }
0x65: {  	_ =	shalt  }
0x66: {  	_ =	shalt  }
0x67: {  	_ =	shalt  }
0x68: {  	_ =	shalt  }
0x69: {  	_ =	shalt  }
0x6a: {  	_ =	shalt  }
0x6b: {  	_ =	shalt  }
0x6c: {  	_ =	shalt  }
0x6d: {  	_ =	shalt  }
0x6e: {  	_ =	shalt  }
0x6f: {  	_ =	shalt  }
0x70: {  	_ =	shalt  }
0x71: {  	_ =	shalt  }
0x72: {  	_ =	shalt  }
0x73: {  	_ =	shalt  }
0x74: {  	_ =	shalt  }
0x75: {  	_ =	shalt  }
0x76: {  	_ =	shalt  }
0x77: {  	_ =	shalt  }
0x78: {  	_ =	shalt  }
0x79: {  	_ =	shalt  }
0x7a: {  	_ =	shalt  }
0x7b: {  	_ =	shalt  }
0x7c: {  	_ =	shalt  }
0x7d: {  	_ =	shalt  }
0x7e: {  	_ =	shalt  }
0x7f: {  	_ =	shalt  }
0x80: {  	_ =	shalt  }
0x81: {  	_ =	shalt  }
0x82: {  	_ =	shalt  }
0x83: {  	_ =	shalt  }
0x84: {  	_ =	shalt  }
0x85: {  	_ =	shalt  }
0x86: {  	_ =	shalt  }
0x87: {  	_ =	shalt  }
.Lfunc_end0:
.L_simem_size_0:
called_computation_lowered:
.L_overlay_start_0:
0x88: {  	s2 =	sld [smem:$0x3FD9]  }
0x89: {  	s3 =	sld [smem:$0x3FFE];
	_ =	sdelay $0x1  }
0x8a: {  	s1 =	srdreg.scid  }
0x8b: {  	s0 =	sand.u32 $0x1, s1  }
0x8c: {  	s17 =	sshll.u32 s0, $0xA;
	s2 =	sadd.s32 s3, s2  }
0x8d: {  	s2 =	sadd.s32 s2, s17  }
0x8e: {  	[smem:$0x3FBA] =	sst s2  }
0x8f: {  	_ = 	snop  }
0x90: {  	s2 =	sld [smem:$0x3FD0];
	(tm) =	ssettm $0x1  }
0x91: {  	s18 =	sld [smem:$0x3FFB];
	_ =	sdelay $0x3  }
0x92: {  	_ =	strace s18  }
0x93: {  	s3 =	sld [smem:$0x3FFC];
	_ =	sdelay $0x3  }
0x94: {  	_ =	strace s3  }
0x95: {  	s3 =	sld [smem:$0x3FFD];
	_ =	sdelay $0x3  }
0x96: {  	_ =	strace s3  }
0x97: {  	_ =	strace $0x8FFFFFFF  }
0x98: {  	s19 =	sld [smem:$0x3FDB];
	_ =	sdelay $0x1  }
0x99: {  	s4 =	simm.s32 $_scs_section_size  }
0x9a: {  	s5 =	simm.s32 $_size__tile_overlayer_lowered;
	s6 =	simm.s32 $_tile_overlayer_lowered  }
0x9b: {  	s22 =	simm.s32 $0x1BFF;
	s21 =	sshll.u32 s6, $0x1;
	s3 =	sadd.s32 s4, s19  }
0x9c: {  	s7 =	simm.s32 $0x0;
	s20 =	sshll.u32 s5, $0x1;
	s5 =	sadd.s32 s21, s3  }
0x9d: {  	[timem:s7], [sflag:s22] =	dma.local [hbm:s5], s20  }
0x9e: {  	_ =	swait.ge [sflag:s22], s20  }
0x9f: {  	s4 =	ssub.s32 $0x0, s20;
	[sflag:s22] =	ssyncset.done $0x0  }
0xa0: {  	[sflag:s22] =	ssyncadd.s32 s4;
	_ =	sdelay $0x1  }
0xa1: {  	s23 =	simm.s32 $0x1B8B  }
0xa2: {  	_ =	swait.ge [sflag:s23], $0x1  }
0xa3: {  	[sflag:s23] =	ssyncset.done $0x0  }
0xa4: {  	s25 =	simm.s32 $0x1B8E;
	s24 =	sld [smem:$0x3FFE];
	[sflag:s23] =	ssyncadd.s32 $0xFFFFFFFF  }
0xa5: {  	s26 =	simm.s32 $execute0_lowered;
	[smem:$0x3FD2] =	sst s25  }
0xa6: {  	s5 =	sshll.u32 s26, $0x1;
	_ =	strace $0x80000046;
	[dreg:$0x1] =	wrdreg $0xFFFFFFFF  }
0xa7: {  	s28 =	simm.s32 $_size_execute0_lowered;
	s3 =	sadd.s32 s3, s5;
	[dreg:$0x0] =	wrdreg $0x0  }
0xa8: {  	s5 =	sshll.u32 s28, $0x1;
	[dreg:$0x2] =	wrdreg s3  }
0xa9: {  	[dreg:$0x3] =	wrdreg s5  }
0xaa: {  	[dreg:$0x4] =	wrdreg $0xC0  }
0xab: {  	_ =	task [dreg:s7], $0x5FFFF  }
0xac: {  	[dreg:$0x1] =	wrdreg $0xFFFFFFFF  }
0xad: {  	[dreg:$0x0] =	wrdreg $0x60  }
0xae: {  	[dreg:$0x2] =	wrdreg s24  }
0xaf: {  	[dreg:$0x3] =	wrdreg s2  }
0xb0: {  	[dreg:$0x4] =	wrdreg $0x0  }
0xb1: {  	[dreg:$0x5] =	wrdreg $0x9  }
0xb2: {  	_ =	task.clear_ibuf [dreg:s7], $0x6FFFF;
	_ =	strace $0x90000046  }
0xb3: {  	s29 =	simm.s32 $0x9;
	_ =	strace $0x80000048  }
0xb4: {  	_ =	swait.ge [sflag:s29], $0x1  }
0xb5: {  	[sflag:s29] =	ssyncadd.s32 $0xFFFFFFFF  }
0xb6: {  	_ =	strace $0x90000048  }
0xb7: {  	_ =	sfence  }
0xb8: {  	s30 =	sld [smem:$0x0];
	_ =	sdelay $0x2  }
0xb9: {  	s31 =	sshll.u32 s1, $0xD;
	s1 =	sshrl.u32 s1, $0x2  }
0xba: {  	s3 =	sand.u32 $0x4000, s31;
	s1 =	sadd.s32 s1, s30  }
0xbb: {  	s0 =	sor.u32 s3, s0;
	s1 =	sshll.u32 s1, $0x11  }
0xbc: {  	s0 =	sor.u32 s1, s0  }
0xbd: {  	s0 =	sadd.s32 $0x8F2B, s0  }
0xbe: {  	[sflag:s0] =	ssyncadd.remote.s32 $0x1  }
0xbf: {  	_ =	sfence.sel $0xFFFF  }
0xc0: {  	[dreg:$0x0] =	wrdreg $0xFFFFFFFF;
	(pc) =	sbr.abs _section_cstart, $3  }
0xc1: {  	[dreg:$0x1] =	wrdreg $0xFFFFFFFF  }
0xc2: {  	_ =	task.clear_ibuf [dreg:s7], $0x2FFFF;
	_ =	strace $0x9FFFFFFF  }
0xc3: {  	(tm) =	ssettm $0x7FFFFFFF  }
tec
execute0_lowered:
.L_overlay_start_1:
0x0: {  	(tag) =	ssettag $0x1  }
0x1: {  	s5 =	rddreg [dreg:$0x0]  }
0x2: {  	s6 =	rddreg [dreg:$0x1]  }
0x3: {  	s0 =	srdreg.scid;
	s2 =	rddreg [dreg:$0x2]  }
0x4: {  	s3 =	simm.s32 $0x0;
	s4 =	sand.u32 $0x1, s0;
	s0 =	stileid.u32  }
0x5: {  	s14 =	simm.s32 $0x80;
	s15 =	simm.s32 $0x0;
	s8 =	smul.u32 $0x2800, s0  }
0x6: {  	[smem:$0x7FF] =	sst s3;
	s1 =	sshll.u32 s4, $0x4;
	s9 =	smul.u32 $0x28000, s4  }
0x7: {  	s10 =	ssub.s32 $0x2, s4;
	s11 =	smul.u32 $0x50000, s0;
	s4 =	sadd.s32 $0xA400, s5  }
0x8: {  	s12 =	sshll.u32 s0, $0x6;
	s1 =	sor.u32 s0, s1;
	s30 =	sshrl.u32 s10, $0x1  }
0x9: {  	s12 =	sor.u32 $0x1C01, s12;
	s7 =	smul.u32 $0x300, s1;
	s1 =	rddreg [dreg:$0x3]  }
0xa: {  	_ =	strace $0x80000047;
	s9 =	sadd.s32 s8, s9;
	s10 =	ssub.s32 s10, s30  }
0xb: {  	s31 =	sshrl.u32 s11, $0x2;
	s6 =	sadd.s32 s6, s8;
	s11 =	simm.s32 $0x4000  }
0xc: {  	s9 =	sadd.s32 s9, s5;
	s13 =	sadd.s32 s31, s2;
	s8 =	smax.u32 s10, $0x1  }
0xd: {  	s10 =	simm.s32 $0x1;
	s7 =	sadd.s32 s7, s5;
	s13 =	sshrl.u32 s13, $0x3  }
0xe: {  	s5 =	sadd.s32 $0x4400, s7;
	s7 =	sadd.s32 $0xAC00, s9;
	s9 =	simm.s32 $0x2800  }
.LBB2_1:
0xf: {  	[tilespmem:s9], [sflag:$0x1] =	stream.linear.gather [hbm4b:s5+s3], $0x1800, $0x38;
	[tilespmem:$0x8000] =	vst v63  }
0x10: {  	_ =	swait.ge [sflag:s10], $0x1800  }
0x11: {  	[sflag:s10] =	ssyncset.done $0x0  }
0x12: {  	[sflag:s10] =	ssyncadd.s32 $0xFFFFE800  }
0x13: {  	[tilespmem:s11], [sflag:$0x1] =	stream.linear.gather [hbm4b:s4+s3], $0x4000, $0x38;
	[tilespmem:$0x8000] =	vst v63  }
0x14: {  	_ =	swait.ge [sflag:s10], $0x4000  }
0x15: {  	[sflag:s10] =	ssyncset.done $0x0  }
0x16: {  	[sflag:s10] =	ssyncadd.s32 $0xFFFFC000  }
0x17: {  	[spmem:s13], [sflag:s12] =	dma.local [hbm:s6], $0x2800  }
0x18: {  	_ =	swait.ge [sflag:s10], $0x2800  }
0x19: {  	[sflag:s10] =	ssyncset.done $0x0  }
0x1a: {  	[sflag:s10] =	ssyncadd.s32 $0xFFFFD800  }
0x1b: {  	s16 =	simm.s32 $0x2800;
	[bflag:$0x0] =	sbarrier.arrive $0xFFFF  }
0x1c: {  	[spmem:s2] =	stream.indirect.scatter.add.f32 [tilespmem:s11], [sflag:$0x1], $0x10, s16, s14, $0xb8;
	[tilespmem:$0x8000] =	vst v63  }
0x1d: {  	s16 =	simm.s32 $0x200;
	_ =	swait.ge [sflag:s10], $0x800  }
.LBB2_2:
0x1e: {  	s17 =	sshra.s32 s16, $0x2;
	[sflag:s10] =	ssyncset.done $0x0;
	p0 =	sne.s32 s16, $0x5E00  }
.Ltmp0:
0x1f: {  	s17 =	sadd.s32 $0x2800, s17;
	[sflag:s10] =	ssyncadd.s32 $0xFFFFF800;
	(pc) =	sbr.rel @p0 .LBB2_2-.Ltmp0, $3  }
0x20: {  	[spmem:s2] =	stream.indirect.scatter.add.f32 [tilespmem:s11], [sflag:$0x1], $0x10, s17, s14, $0xb8;
	[tilespmem:$0x8000] =	vst v63  }
0x21: {  	s16 =	sadd.s32 $0x200, s16;
	_ =	sdelay $0x1  }
0x22: {  	_ =	swait.ge [sflag:s10], $0x800  }
0x23: {  	[sflag:s10] =	ssyncset.done $0x0;
	s15 =	sadd.s32 $0x1, s15  }
0x24: {  	[sflag:s10] =	ssyncadd.s32 $0xFFFFF800;
	p0 =	sne.s32 s15, s8  }
.Ltmp1:
0x25: {  	[bflag:$0x0] =	sbarrier.arrive $0xFFFF;
	(pc) =	sbr.rel @p0 .LBB2_1-.Ltmp1, $4  }
0x26: {  	[hbm:s7], [sflag:s12] =	dma.local [spmem:s13], $0x2800  }
0x27: {  	_ =	swait.ge [sflag:s10], $0x2800  }
0x28: {  	[sflag:s10] =	ssyncset.done $0x0  }
0x29: {  	[sflag:s10] =	ssyncadd.s32 $0xFFFFD800  }
0x2a: {  	_ =	sfence.sel $0x180000  }
0x2b: {  	[bflag:$0x0] =	sbarrier.arrive $0xFFFF  }
0x2c: {  	p0 =	sne.s32 s0, $0x0;
	_ =	strace $0x90000047  }
0x2d: {  	s0 =	sadd.s32 @!p0 $0x100000, s1;
	[bflag:$0x2] =	sbarrier.arrive $0xFFFF  }
0x2e: {  	[sflag:s0] =	ssyncadd.tile.s32 @!p0 $0x1;
	_ =	shalt  }
.Lfunc_end2:
_tile_overlayer_lowered:
.L_overlay_start_2:
0x2f: {  	(tag) =	ssettag $0x2  }
0x30: {  	s0 =	rddreg [dreg:$0x0];
	s2 =	stileid.u32  }
0x31: {  	s1 =	rddreg [dreg:$0x1];
	p0 =	sne.s32 s2, $0x0  }
0x32: {  	s3 =	rddreg [dreg:$0x2];
	[bflag:$0x3] =	sbarrier.arrive $0xFFFF;
	s2 =	simm.s32 @!p0 $0x1C01  }
0x33: {  	[timem:s3], [sflag:s2] =	dma.local @!p0 [hbm:s0], s1  }
0x34: {  	s0 =	simm.s32 @!p0 $0x1  }
0x35: {  	_ =	swait.ge @!p0 [sflag:s0], s1  }
0x36: {  	s1 =	ssub.s32 @!p0 $0x0, s1;
	[sflag:s0] =	ssyncset.done @!p0 $0x0  }
0x37: {  	[sflag:s0] =	ssyncadd.s32 @!p0 s1  }
0x38: {  	[bflag:$0x3] =	sbarrier.arrive $0xFFFF  }
0x39: {  	_ =	shalt  }

// kernel: kernel.16.cloned.1.call-start
scs
__scs_entry_jumppad:
0x0: {  	(pc) =	sbr.rel $0x88, $3  }
0x1: {  	(tag) =	ssettag $0x0;
	lr =	simm.s32 $0x1  }
0x2: {  	[smem:$0x3F93] =	sst lr;
	_ =	strace $0xD0000000  }
0x3: {  	_ = 	snop  }
0x4: {  	_ = 	snop  }
0x5: {  	_ = 	snop  }
0x6: {  	_ = 	snop  }
0x7: {  	_ = 	snop  }
__scs_overlays_trampoline_lowered:
0x8: {  	[smem:$0x3FA2] =	sst s0  }
0x9: {  	[smem:$0x3FA3] =	sst s1  }
0xa: {  	[smem:$0x3FA4] =	sst s2  }
0xb: {  	[smem:$0x3FA5] =	sst s3  }
0xc: {  	[smem:$0x3FA6] =	sst s4  }
0xd: {  	[smem:$0x3FA7] =	sst s5  }
0xe: {  	[smem:$0x3FA8] =	sst s6  }
0xf: {  	[smem:$0x3FA9] =	sst s7  }
0x10: {  	[smem:$0x3FAA] =	sst s8  }
0x11: {  	[smem:$0x3FAB] =	sst s9;
	s0 =	simm.s32 @!p0 $0x0  }
0x12: {  	s1 =	sld [smem:$0x3F91];
	s0 =	simm.s32 @p0 $0x1  }
0x13: {  	[smem:$0x3FAC] =	sst s0;
	s0 =	simm.s32 @!p1 $0x0  }
0x14: {  	s2 =	sld [smem:$0x3F90];
	s0 =	simm.s32 @p1 $0x1  }
0x15: {  	[smem:$0x3FAD] =	sst s0;
	s0 =	simm.s32 @!p2 $0x0  }
0x16: {  	s3 =	sld [smem:$0x3FDB];
	s0 =	simm.s32 @p2 $0x1  }
0x17: {  	s4 =	simm.s32 $0x1BF5;
	[smem:$0x3FAF] =	sst s0  }
0x18: {  	s0 =	sld [smem:$0x3F92];
	_ =	swait.ge [sflag:s4], $0x0  }
0x19: {  	s7 =	sld [smem:$0x3F93]  }
0x1a: {  	s8 =	sadd.s32 $0xFFFFE003, lr  }
0x1b: {  	s9 =	sadd.s32 $0xFFFFFEF7, lr;
	s5 =	simm.s32 $0xFFFFFFFF;
	p2 =	slt.u32 s8, $0xFFFFF086  }
0x1c: {  	p1 =	slt.u32 s9, $0xF7A;
	s5 =	simm.s32 @!p2 $0x0  }
0x1d: {  	s5 =	simm.s32 @p1 $0x1;
	p0 =	seq.s32 s7, s2  }
0x1e: {  	s7 =	smul.u32 @!p0 $0xF7A, s2;
	p2 =	seq.s32 @!p0 s5, $0x0  }
0x1f: {  	s9 =	smul.u32 $0xF7A, s1;
	s8 =	simm.s32 @!p0 $0x1BF5;
	p2 =	por !p2, p0  }
0x20: {  	[sflag:s8] =	ssyncset.s32 @!p0 $0xFFFFF086;
	s6 =	sadd.s32 @!p0 s3, s7;
	s7 =	simm.s32 @!p0 $0x108  }
0x21: {  	s3 =	sadd.s32 s3, s9;
	s6 =	sadd.s32 @!p0 $0x88, s6;
	s7 =	simm.s32 @p2 $0x1082  }
0x22: {  	[simem:s7], [sflag:s8] =	dma.local @!p0 [hbm:s6], $0xF7A  }
0x23: {  	s9 =	sor.u32 $0xD0000000, s2;
	s6 =	simm.s32 $0x108;
	_ =	swait.ge @!p0 [sflag:s8], $0x0  }
0x24: {  	s3 =	sadd.s32 $0x88, s3;
	s6 =	simm.s32 @!p1 $0x1082;
	[sflag:s4] =	ssyncset.s32 $0xFFFFF086  }
0x25: {  	[simem:s6], [sflag:s4] =	dma.local [hbm:s3], $0xF7A  }
0x26: {  	[smem:$0x3F93] =	sst s1;
	(tag) =	ssettag s2;
	_ =	strace s9  }
0x27: {  	s1 =	sld [smem:$0x3FA3]  }
0x28: {  	s2 =	sld [smem:$0x3FA4]  }
0x29: {  	s4 =	sld [smem:$0x3FA6]  }
0x2a: {  	p0 =	seq.s32 s5, $0x0;
	s5 =	sld [smem:$0x3FA7]  }
0x2b: {  	s6 =	sld [smem:$0x3FA8]  }
0x2c: {  	s7 =	sld [smem:$0x3FA9]  }
0x2d: {  	s3 =	simm.s32 $0x108;
	s8 =	sld [smem:$0x3FAA]  }
0x2e: {  	s3 =	simm.s32 @!p0 $0x1082;
	s9 =	sld [smem:$0x3FAB]  }
0x2f: {  	lr =	sadd.s32 s0, s3;
	s0 =	sld [smem:$0x3FA2]  }
0x30: {  	s3 =	sld [smem:$0x3FA5]  }
0x31: {  	[smem:$0x3FAE] =	sst s10  }
0x32: {  	s10 =	sld [smem:$0x3FAC];
	_ =	sdelay $0x3  }
0x33: {  	p0 =	seq.s32 s10, $0x1;
	s10 =	sld [smem:$0x3FAE];
	_ =	sdelay $0x3  }
0x34: {  	[smem:$0x3FAE] =	sst s10  }
0x35: {  	s10 =	sld [smem:$0x3FAD];
	_ =	sdelay $0x3  }
0x36: {  	p1 =	seq.s32 s10, $0x1;
	s10 =	sld [smem:$0x3FAE];
	_ =	sdelay $0x3  }
0x37: {  	[smem:$0x3FAE] =	sst s10  }
0x38: {  	s10 =	sld [smem:$0x3FAF]  }
0x39: {  	_ = 	snop;
	(pc) =	sbr.ind lr, $3  }
0x3a: {  	_ = 	snop  }
0x3b: {  	_ = 	snop  }
0x3c: {  	p2 =	seq.s32 s10, $0x1;
	s10 =	sld [smem:$0x3FAE]  }
0x3d: {  	_ =	shalt  }
0x3e: {  	_ =	shalt  }
0x3f: {  	_ =	shalt  }
0x40: {  	_ =	shalt  }
0x41: {  	_ =	shalt  }
0x42: {  	_ =	shalt  }
0x43: {  	_ =	shalt  }
0x44: {  	_ =	shalt  }
0x45: {  	_ =	shalt  }
0x46: {  	_ =	shalt  }
0x47: {  	_ =	shalt  }
0x48: {  	_ =	shalt  }
0x49: {  	_ =	shalt  }
0x4a: {  	_ =	shalt  }
0x4b: {  	_ =	shalt  }
0x4c: {  	_ =	shalt  }
0x4d: {  	_ =	shalt  }
0x4e: {  	_ =	shalt  }
0x4f: {  	_ =	shalt  }
0x50: {  	_ =	shalt  }
0x51: {  	_ =	shalt  }
0x52: {  	_ =	shalt  }
0x53: {  	_ =	shalt  }
0x54: {  	_ =	shalt  }
0x55: {  	_ =	shalt  }
0x56: {  	_ =	shalt  }
0x57: {  	_ =	shalt  }
0x58: {  	_ =	shalt  }
0x59: {  	_ =	shalt  }
0x5a: {  	_ =	shalt  }
0x5b: {  	_ =	shalt  }
0x5c: {  	_ =	shalt  }
0x5d: {  	_ =	shalt  }
0x5e: {  	_ =	shalt  }
0x5f: {  	_ =	shalt  }
0x60: {  	_ =	shalt  }
0x61: {  	_ =	shalt  }
0x62: {  	_ =	shalt  }
0x63: {  	_ =	shalt  }
0x64: {  	_ =	shalt  }
0x65: {  	_ =	shalt  }
0x66: {  	_ =	shalt  }
0x67: {  	_ =	shalt  }
0x68: {  	_ =	shalt  }
0x69: {  	_ =	shalt  }
0x6a: {  	_ =	shalt  }
0x6b: {  	_ =	shalt  }
0x6c: {  	_ =	shalt  }
0x6d: {  	_ =	shalt  }
0x6e: {  	_ =	shalt  }
0x6f: {  	_ =	shalt  }
0x70: {  	_ =	shalt  }
0x71: {  	_ =	shalt  }
0x72: {  	_ =	shalt  }
0x73: {  	_ =	shalt  }
0x74: {  	_ =	shalt  }
0x75: {  	_ =	shalt  }
0x76: {  	_ =	shalt  }
0x77: {  	_ =	shalt  }
0x78: {  	_ =	shalt  }
0x79: {  	_ =	shalt  }
0x7a: {  	_ =	shalt  }
0x7b: {  	_ =	shalt  }
0x7c: {  	_ =	shalt  }
0x7d: {  	_ =	shalt  }
0x7e: {  	_ =	shalt  }
0x7f: {  	_ =	shalt  }
0x80: {  	_ =	shalt  }
0x81: {  	_ =	shalt  }
0x82: {  	_ =	shalt  }
0x83: {  	_ =	shalt  }
0x84: {  	_ =	shalt  }
0x85: {  	_ =	shalt  }
0x86: {  	_ =	shalt  }
0x87: {  	_ =	shalt  }
.Lfunc_end0:
.L_simem_size_0:
called_computation.1_lowered:
.L_overlay_start_0:
0x88: {  	s2 =	sld [smem:$0x3FD9]  }
0x89: {  	s3 =	sld [smem:$0x3FFE];
	_ =	sdelay $0x1  }
0x8a: {  	s1 =	srdreg.scid  }
0x8b: {  	s0 =	sand.u32 $0x1, s1  }
0x8c: {  	s17 =	sshll.u32 s0, $0xA;
	s2 =	sadd.s32 s3, s2  }
0x8d: {  	s2 =	sadd.s32 s2, s17  }
0x8e: {  	[smem:$0x3FBA] =	sst s2  }
0x8f: {  	_ = 	snop  }
0x90: {  	s2 =	sld [smem:$0x3FD0];
	(tm) =	ssettm $0x1  }
0x91: {  	s18 =	sld [smem:$0x3FFB];
	_ =	sdelay $0x3  }
0x92: {  	_ =	strace s18  }
0x93: {  	s3 =	sld [smem:$0x3FFC];
	_ =	sdelay $0x3  }
0x94: {  	_ =	strace s3  }
0x95: {  	s3 =	sld [smem:$0x3FFD];
	_ =	sdelay $0x3  }
0x96: {  	_ =	strace s3  }
0x97: {  	_ =	strace $0x8FFFFFFF  }
0x98: {  	s19 =	sld [smem:$0x3FDB];
	_ =	sdelay $0x1  }
0x99: {  	s4 =	simm.s32 $_scs_section_size  }
0x9a: {  	s5 =	simm.s32 $_size__tile_overlayer_lowered;
	s6 =	simm.s32 $_tile_overlayer_lowered  }
0x9b: {  	s22 =	simm.s32 $0x1BFF;
	s21 =	sshll.u32 s6, $0x1;
	s3 =	sadd.s32 s4, s19  }
0x9c: {  	s7 =	simm.s32 $0x0;
	s20 =	sshll.u32 s5, $0x1;
	s5 =	sadd.s32 s21, s3  }
0x9d: {  	[timem:s7], [sflag:s22] =	dma.local [hbm:s5], s20  }
0x9e: {  	_ =	swait.ge [sflag:s22], s20  }
0x9f: {  	s4 =	ssub.s32 $0x0, s20;
	[sflag:s22] =	ssyncset.done $0x0  }
0xa0: {  	[sflag:s22] =	ssyncadd.s32 s4;
	_ =	sdelay $0x1  }
0xa1: {  	s23 =	simm.s32 $0x1B8B  }
0xa2: {  	_ =	swait.ge [sflag:s23], $0x1  }
0xa3: {  	[sflag:s23] =	ssyncset.done $0x0  }
0xa4: {  	s25 =	simm.s32 $0x1B8E;
	s24 =	sld [smem:$0x3FFE];
	[sflag:s23] =	ssyncadd.s32 $0xFFFFFFFF  }
0xa5: {  	s26 =	simm.s32 $execute0_lowered;
	[smem:$0x3FD2] =	sst s25  }
0xa6: {  	s5 =	sshll.u32 s26, $0x1;
	_ =	strace $0x80000049;
	[dreg:$0x1] =	wrdreg $0xFFFFFFFF  }
0xa7: {  	s28 =	simm.s32 $_size_execute0_lowered;
	s3 =	sadd.s32 s3, s5;
	[dreg:$0x0] =	wrdreg $0x0  }
0xa8: {  	s5 =	sshll.u32 s28, $0x1;
	[dreg:$0x2] =	wrdreg s3  }
0xa9: {  	[dreg:$0x3] =	wrdreg s5  }
0xaa: {  	[dreg:$0x4] =	wrdreg $0xC0  }
0xab: {  	_ =	task [dreg:s7], $0x5FFFF  }
0xac: {  	[dreg:$0x1] =	wrdreg $0xFFFFFFFF  }
0xad: {  	[dreg:$0x0] =	wrdreg $0x60  }
0xae: {  	[dreg:$0x2] =	wrdreg s2  }
0xaf: {  	[dreg:$0x3] =	wrdreg s24  }
0xb0: {  	[dreg:$0x4] =	wrdreg $0x0  }
0xb1: {  	[dreg:$0x5] =	wrdreg $0x9  }
0xb2: {  	_ =	task.clear_ibuf [dreg:s7], $0x6FFFF;
	_ =	strace $0x90000049  }
0xb3: {  	s29 =	simm.s32 $0x9;
	_ =	strace $0x8000004B  }
0xb4: {  	_ =	swait.ge [sflag:s29], $0x1  }
0xb5: {  	[sflag:s29] =	ssyncadd.s32 $0xFFFFFFFF  }
0xb6: {  	_ =	strace $0x9000004B  }
0xb7: {  	_ =	sfence  }
0xb8: {  	s30 =	sld [smem:$0x0];
	_ =	sdelay $0x2  }
0xb9: {  	s31 =	sshll.u32 s1, $0xD;
	s1 =	sshrl.u32 s1, $0x2  }
0xba: {  	s3 =	sand.u32 $0x4000, s31;
	s1 =	sadd.s32 s1, s30  }
0xbb: {  	s0 =	sor.u32 s3, s0;
	s1 =	sshll.u32 s1, $0x11  }
0xbc: {  	s0 =	sor.u32 s1, s0  }
0xbd: {  	s0 =	sadd.s32 $0x8F2B, s0  }
0xbe: {  	[sflag:s0] =	ssyncadd.remote.s32 $0x1  }
0xbf: {  	_ =	sfence.sel $0xFFFF  }
0xc0: {  	[dreg:$0x0] =	wrdreg $0xFFFFFFFF;
	(pc) =	sbr.abs _section_cstart, $3  }
0xc1: {  	[dreg:$0x1] =	wrdreg $0xFFFFFFFF  }
0xc2: {  	_ =	task.clear_ibuf [dreg:s7], $0x2FFFF;
	_ =	strace $0x9FFFFFFF  }
0xc3: {  	(tm) =	ssettm $0x7FFFFFFF  }
tec
execute0_lowered:
.L_overlay_start_1:
0x0: {  	(tag) =	ssettag $0x1  }
0x1: {  	s2 =	rddreg [dreg:$0x0]  }
0x2: {  	s5 =	rddreg [dreg:$0x1]  }
0x3: {  	s3 =	rddreg [dreg:$0x2]  }
0x4: {  	s0 =	rddreg [dreg:$0x3]  }
0x5: {  	s1 =	stileid.u32;
	s6 =	srdreg.scid  }
0x6: {  	s4 =	simm.s32 $0x0;
	s12 =	simm.s32 $0x17000;
	s15 =	simm.s32 $0x80  }
0x7: {  	s17 =	simm.s32 $0x1;
	s18 =	simm.s32 $0x0;
	s7 =	smul.u32 $0x600, s1  }
0x8: {  	s8 =	sand.u32 $0x1, s6;
	[smem:$0x7FF] =	sst s4;
	s29 =	smul.u32 $0x2800, s1  }
0x9: {  	s30 =	smul.u32 $0x50000, s1;
	s13 =	sshll.u32 s1, $0x6;
	s9 =	ssub.s32 $0x2, s8  }
0xa: {  	_ =	strace $0x8000004A;
	s16 =	smul.u32 $0x2710, s8;
	p0 =	seq.s32 s8, $0x1  }
0xb: {  	s13 =	sor.u32 $0x1C02, s13;
	s7 =	sadd.s32 s7, s5;
	s10 =	sshrl.u32 s9, $0x1  }
0xc: {  	s11 =	sadd.s32 s29, s5;
	s31 =	sshrl.u32 s30, $0x2;
	s9 =	ssub.s32 s9, s10  }
0xd: {  	s5 =	sadd.s32 $0x5AC00, s7;
	s6 =	sadd.s32 $0x4400, s7;
	s10 =	simm.s32 $0x60C00  }
0xe: {  	s14 =	sadd.s32 s31, s3;
	s7 =	sadd.s32 $0xA400, s11;
	v0 =	vmov s16;
	s16 =	simm.s32 $0x1A000  }
0xf: {  	s10 =	simm.s32 @!p0 $0x32400;
	s8 =	smax.u32 s9, $0x1;
	s14 =	sshrl.u32 s14, $0x3  }
0x10: {  	s9 =	sadd.s32 s10, s11;
	s10 =	simm.s32 $0x14000;
	s11 =	simm.s32 $0x2  }
.LBB2_1:
0x11: {  	[tilespmem:s10], [sflag:$0x2] =	stream.linear.gather [hbm4b:s5+s4], $0x3000, $0x38;
	[tilespmem:$0x1E000] =	vst v63  }
0x12: {  	_ =	swait.ge [sflag:s11], $0x3000  }
0x13: {  	[sflag:s11] =	ssyncset.done $0x0  }
0x14: {  	[sflag:s11] =	ssyncadd.s32 $0xFFFFD000  }
0x15: {  	[tilespmem:s12], [sflag:$0x2] =	stream.linear.gather [hbm4b:s6+s4], $0x3000, $0x38;
	[tilespmem:$0x1E000] =	vst v63  }
0x16: {  	s19 =	sand.u32 $0xFE00, s4;
	_ =	swait.ge [sflag:s11], $0x3000  }
0x17: {  	s20 =	sand.u32 $0x70, s4;
	s19 =	sshrl.u32 s19, $0x2;
	[sflag:s11] =	ssyncset.done $0x0  }
0x18: {  	s19 =	sor.u32 s20, s19;
	[sflag:s11] =	ssyncadd.s32 $0xFFFFD000  }
0x19: {  	v1 =	vld [tilespmem:s19+$0x14000];
	_ =	sdelay $0x2  }
0x1a: {  	s21 =	simm.s32 $0x40  }
0x1b: {  	s22 =	sand.u32 $0xFE00, s21;
	s21 =	simm.s32 $0x80;
	s20 =	simm.s32 $0x10  }
.LBB2_2:
0x1c: {  	p0 =	sne.s32 s21, $0xBFC0;
	s23 =	sand.u32 $0x70, s20;
	s22 =	sshrl.u32 s22, $0x2;
	v1 =	vadd.s32 v0, v1  }
0x1d: {  	[tilespmem:s19+$0x14000] =	vst v1;
	s19 =	sor.u32 s23, s22  }
.Ltmp0:
0x1e: {  	v1 =	vld [tilespmem:s19+$0x14000];
	(pc) =	sbr.rel @p0 .LBB2_2-.Ltmp0, $2  }
0x1f: {  	_ =	sdelay $0x2  }
0x20: {  	s20 =	sadd.s32 $0x10, s20;
	s22 =	sand.u32 $0xFE00, s21;
	s21 =	sadd.s32 $0x40, s21  }
0x21: {  	s20 =	sand.u32 $0x70, s20;
	s21 =	sshrl.u32 s22, $0x2;
	v1 =	vadd.s32 v0, v1  }
0x22: {  	s20 =	sor.u32 s20, s21;
	[tilespmem:s19+$0x14000] =	vst v1  }
0x23: {  	v1 =	vld [tilespmem:s20+$0x14000];
	_ =	sdelay $0x4  }
0x24: {  	v1 =	vadd.s32 v0, v1  }
0x25: {  	[tilespmem:s20+$0x14000] =	vst v1  }
0x26: {  	[spmem:s14], [sflag:s13] =	dma.local [hbm:s7], $0x2800  }
0x27: {  	_ =	swait.ge [sflag:s11], $0x2800  }
0x28: {  	[sflag:s11] =	ssyncset.done $0x0  }
0x29: {  	[sflag:s11] =	ssyncadd.s32 $0xFFFFD800  }
0x2a: {  	s30 =	simm.s32 $0x14000;
	[bflag:$0x0] =	sbarrier.arrive $0xFFFF  }
0x2b: {  	[tilespmem:s16], [sflag:$0x1] =	stream.indirect.gather [hbm4b:s2+s15], $0x80, s30, s15, $0xb8;
	[tilespmem:$0x1E000] =	vst v63  }
0x2c: {  	_ =	swait.ge [sflag:s17], $0x4000  }
0x2d: {  	[sflag:s17] =	ssyncset.done $0x0  }
0x2e: {  	s31 =	simm.s32 $0x17000;
	[sflag:s17] =	ssyncadd.s32 $0xFFFFC000  }
0x2f: {  	[spmem:s3] =	stream.indirect.scatter.add.f32 [tilespmem:s16], [sflag:$0x2], $0x80, s31, s15, $0xb8;
	[tilespmem:$0x1E000] =	vst v63  }
0x30: {  	_ =	swait.ge [sflag:s11], $0x4000  }
0x31: {  	s19 =	simm.s32 $0x80;
	s20 =	simm.s32 $0x400;
	[sflag:s11] =	ssyncset.done $0x0  }
.LBB2_4:
0x32: {  	s21 =	sadd.s32 $0x14000, s19  }
0x33: {  	[sflag:s11] =	ssyncadd.s32 $0xFFFFC000;
	s22 =	smov.u32 s20;
	s23 =	sadd.s32 $0x200, s20  }
0x34: {  	[tilespmem:s16], [sflag:$0x1] =	stream.indirect.gather [hbm4b:s2+s15], $0x80, s21, s15, $0xb8;
	[tilespmem:$0x1E000] =	vst v63  }
0x35: {  	p0 =	sne.s32 s20, $0xBE00;
	_ =	swait.ge [sflag:s17], $0x4000  }
.Ltmp1:
0x36: {  	[sflag:s17] =	ssyncset.done $0x0;
	(pc) =	sbr.rel @p0 .LBB2_4-.Ltmp1, $4  }
0x37: {  	s19 =	sadd.s32 $0x17000, s19;
	[sflag:s17] =	ssyncadd.s32 $0xFFFFC000  }
0x38: {  	[spmem:s3] =	stream.indirect.scatter.add.f32 [tilespmem:s16], [sflag:$0x2], $0x80, s19, s15, $0xb8;
	[tilespmem:$0x1E000] =	vst v63  }
0x39: {  	_ =	swait.ge [sflag:s11], $0x4000  }
0x3a: {  	s20 =	smov.u32 s23;
	s19 =	sshra.s32 s22, $0x2;
	[sflag:s11] =	ssyncset.done $0x0  }
0x3b: {  	s20 =	sadd.s32 $0x14000, s19;
	[sflag:s11] =	ssyncadd.s32 $0xFFFFC000  }
0x3c: {  	[tilespmem:s16], [sflag:$0x1] =	stream.indirect.gather [hbm4b:s2+s15], $0x80, s20, s15, $0xb8;
	[tilespmem:$0x1E000] =	vst v63  }
0x3d: {  	_ =	swait.ge [sflag:s17], $0x4000  }
0x3e: {  	[sflag:s17] =	ssyncset.done $0x0  }
0x3f: {  	s31 =	sadd.s32 $0x17000, s19;
	[sflag:s17] =	ssyncadd.s32 $0xFFFFC000  }
0x40: {  	[spmem:s3] =	stream.indirect.scatter.add.f32 [tilespmem:s16], [sflag:$0x2], $0x80, s31, s15, $0xb8;
	[tilespmem:$0x1E000] =	vst v63  }
0x41: {  	_ =	swait.ge [sflag:s11], $0x4000  }
0x42: {  	s18 =	sadd.s32 $0x1, s18;
	[sflag:s11] =	ssyncset.done $0x0  }
0x43: {  	p0 =	sne.s32 s18, s8;
	[sflag:s11] =	ssyncadd.s32 $0xFFFFC000  }
.Ltmp2:
0x44: {  	[bflag:$0x0] =	sbarrier.arrive $0xFFFF;
	(pc) =	sbr.rel @p0 .LBB2_1-.Ltmp2, $4  }
0x45: {  	[hbm:s9], [sflag:s13] =	dma.local [spmem:s14], $0x2800  }
0x46: {  	_ =	swait.ge [sflag:s11], $0x2800  }
0x47: {  	[sflag:s11] =	ssyncset.done $0x0  }
0x48: {  	[sflag:s11] =	ssyncadd.s32 $0xFFFFD800  }
0x49: {  	_ =	sfence.sel $0x180000  }
0x4a: {  	[bflag:$0x0] =	sbarrier.arrive $0xFFFF  }
0x4b: {  	p0 =	sne.s32 s1, $0x0;
	_ =	strace $0x9000004A  }
0x4c: {  	s0 =	sadd.s32 @!p0 $0x100000, s0;
	[bflag:$0x2] =	sbarrier.arrive $0xFFFF  }
0x4d: {  	[sflag:s0] =	ssyncadd.tile.s32 @!p0 $0x1;
	_ =	shalt  }
.Lfunc_end2:
_tile_overlayer_lowered:
.L_overlay_start_2:
0x4e: {  	(tag) =	ssettag $0x2  }
0x4f: {  	s0 =	rddreg [dreg:$0x0];
	s2 =	stileid.u32  }
0x50: {  	s1 =	rddreg [dreg:$0x1];
	p0 =	sne.s32 s2, $0x0  }
0x51: {  	s3 =	rddreg [dreg:$0x2];
	[bflag:$0x3] =	sbarrier.arrive $0xFFFF;
	s2 =	simm.s32 @!p0 $0x1C02  }
0x52: {  	[timem:s3], [sflag:s2] =	dma.local @!p0 [hbm:s0], s1  }
0x53: {  	s0 =	simm.s32 @!p0 $0x2  }
0x54: {  	_ =	swait.ge @!p0 [sflag:s0], s1  }
0x55: {  	s1 =	ssub.s32 @!p0 $0x0, s1;
	[sflag:s0] =	ssyncset.done @!p0 $0x0  }
0x56: {  	[sflag:s0] =	ssyncadd.s32 @!p0 s1  }
0x57: {  	[bflag:$0x3] =	sbarrier.arrive $0xFFFF  }
0x58: {  	_ =	shalt  }

// kernel: kernel.19.cloned.1.call-start
scs
__scs_entry_jumppad:
0x0: {  	(pc) =	sbr.rel $0x88, $3  }
0x1: {  	(tag) =	ssettag $0x0;
	lr =	simm.s32 $0x1  }
0x2: {  	[smem:$0x3F93] =	sst lr;
	_ =	strace $0xD0000000  }
0x3: {  	_ = 	snop  }
0x4: {  	_ = 	snop  }
0x5: {  	_ = 	snop  }
0x6: {  	_ = 	snop  }
0x7: {  	_ = 	snop  }
__scs_overlays_trampoline_lowered:
0x8: {  	[smem:$0x3FA2] =	sst s0  }
0x9: {  	[smem:$0x3FA3] =	sst s1  }
0xa: {  	[smem:$0x3FA4] =	sst s2  }
0xb: {  	[smem:$0x3FA5] =	sst s3  }
0xc: {  	[smem:$0x3FA6] =	sst s4  }
0xd: {  	[smem:$0x3FA7] =	sst s5  }
0xe: {  	[smem:$0x3FA8] =	sst s6  }
0xf: {  	[smem:$0x3FA9] =	sst s7  }
0x10: {  	[smem:$0x3FAA] =	sst s8  }
0x11: {  	[smem:$0x3FAB] =	sst s9;
	s0 =	simm.s32 @!p0 $0x0  }
0x12: {  	s1 =	sld [smem:$0x3F91];
	s0 =	simm.s32 @p0 $0x1  }
0x13: {  	[smem:$0x3FAC] =	sst s0;
	s0 =	simm.s32 @!p1 $0x0  }
0x14: {  	s2 =	sld [smem:$0x3F90];
	s0 =	simm.s32 @p1 $0x1  }
0x15: {  	[smem:$0x3FAD] =	sst s0;
	s0 =	simm.s32 @!p2 $0x0  }
0x16: {  	s3 =	sld [smem:$0x3FDB];
	s0 =	simm.s32 @p2 $0x1  }
0x17: {  	s4 =	simm.s32 $0x1BF5;
	[smem:$0x3FAF] =	sst s0  }
0x18: {  	s0 =	sld [smem:$0x3F92];
	_ =	swait.ge [sflag:s4], $0x0  }
0x19: {  	s7 =	sld [smem:$0x3F93]  }
0x1a: {  	s8 =	sadd.s32 $0xFFFFE003, lr  }
0x1b: {  	s9 =	sadd.s32 $0xFFFFFEF7, lr;
	s5 =	simm.s32 $0xFFFFFFFF;
	p2 =	slt.u32 s8, $0xFFFFF086  }
0x1c: {  	p1 =	slt.u32 s9, $0xF7A;
	s5 =	simm.s32 @!p2 $0x0  }
0x1d: {  	s5 =	simm.s32 @p1 $0x1;
	p0 =	seq.s32 s7, s2  }
0x1e: {  	s7 =	smul.u32 @!p0 $0xF7A, s2;
	p2 =	seq.s32 @!p0 s5, $0x0  }
0x1f: {  	s9 =	smul.u32 $0xF7A, s1;
	s8 =	simm.s32 @!p0 $0x1BF5;
	p2 =	por !p2, p0  }
0x20: {  	[sflag:s8] =	ssyncset.s32 @!p0 $0xFFFFF086;
	s6 =	sadd.s32 @!p0 s3, s7;
	s7 =	simm.s32 @!p0 $0x108  }
0x21: {  	s3 =	sadd.s32 s3, s9;
	s6 =	sadd.s32 @!p0 $0x88, s6;
	s7 =	simm.s32 @p2 $0x1082  }
0x22: {  	[simem:s7], [sflag:s8] =	dma.local @!p0 [hbm:s6], $0xF7A  }
0x23: {  	s9 =	sor.u32 $0xD0000000, s2;
	s6 =	simm.s32 $0x108;
	_ =	swait.ge @!p0 [sflag:s8], $0x0  }
0x24: {  	s3 =	sadd.s32 $0x88, s3;
	s6 =	simm.s32 @!p1 $0x1082;
	[sflag:s4] =	ssyncset.s32 $0xFFFFF086  }
0x25: {  	[simem:s6], [sflag:s4] =	dma.local [hbm:s3], $0xF7A  }
0x26: {  	[smem:$0x3F93] =	sst s1;
	(tag) =	ssettag s2;
	_ =	strace s9  }
0x27: {  	s1 =	sld [smem:$0x3FA3]  }
0x28: {  	s2 =	sld [smem:$0x3FA4]  }
0x29: {  	s4 =	sld [smem:$0x3FA6]  }
0x2a: {  	p0 =	seq.s32 s5, $0x0;
	s5 =	sld [smem:$0x3FA7]  }
0x2b: {  	s6 =	sld [smem:$0x3FA8]  }
0x2c: {  	s7 =	sld [smem:$0x3FA9]  }
0x2d: {  	s3 =	simm.s32 $0x108;
	s8 =	sld [smem:$0x3FAA]  }
0x2e: {  	s3 =	simm.s32 @!p0 $0x1082;
	s9 =	sld [smem:$0x3FAB]  }
0x2f: {  	lr =	sadd.s32 s0, s3;
	s0 =	sld [smem:$0x3FA2]  }
0x30: {  	s3 =	sld [smem:$0x3FA5]  }
0x31: {  	[smem:$0x3FAE] =	sst s10  }
0x32: {  	s10 =	sld [smem:$0x3FAC];
	_ =	sdelay $0x3  }
0x33: {  	p0 =	seq.s32 s10, $0x1;
	s10 =	sld [smem:$0x3FAE];
	_ =	sdelay $0x3  }
0x34: {  	[smem:$0x3FAE] =	sst s10  }
0x35: {  	s10 =	sld [smem:$0x3FAD];
	_ =	sdelay $0x3  }
0x36: {  	p1 =	seq.s32 s10, $0x1;
	s10 =	sld [smem:$0x3FAE];
	_ =	sdelay $0x3  }
0x37: {  	[smem:$0x3FAE] =	sst s10  }
0x38: {  	s10 =	sld [smem:$0x3FAF]  }
0x39: {  	_ = 	snop;
	(pc) =	sbr.ind lr, $3  }
0x3a: {  	_ = 	snop  }
0x3b: {  	_ = 	snop  }
0x3c: {  	p2 =	seq.s32 s10, $0x1;
	s10 =	sld [smem:$0x3FAE]  }
0x3d: {  	_ =	shalt  }
0x3e: {  	_ =	shalt  }
0x3f: {  	_ =	shalt  }
0x40: {  	_ =	shalt  }
0x41: {  	_ =	shalt  }
0x42: {  	_ =	shalt  }
0x43: {  	_ =	shalt  }
0x44: {  	_ =	shalt  }
0x45: {  	_ =	shalt  }
0x46: {  	_ =	shalt  }
0x47: {  	_ =	shalt  }
0x48: {  	_ =	shalt  }
0x49: {  	_ =	shalt  }
0x4a: {  	_ =	shalt  }
0x4b: {  	_ =	shalt  }
0x4c: {  	_ =	shalt  }
0x4d: {  	_ =	shalt  }
0x4e: {  	_ =	shalt  }
0x4f: {  	_ =	shalt  }
0x50: {  	_ =	shalt  }
0x51: {  	_ =	shalt  }
0x52: {  	_ =	shalt  }
0x53: {  	_ =	shalt  }
0x54: {  	_ =	shalt  }
0x55: {  	_ =	shalt  }
0x56: {  	_ =	shalt  }
0x57: {  	_ =	shalt  }
0x58: {  	_ =	shalt  }
0x59: {  	_ =	shalt  }
0x5a: {  	_ =	shalt  }
0x5b: {  	_ =	shalt  }
0x5c: {  	_ =	shalt  }
0x5d: {  	_ =	shalt  }
0x5e: {  	_ =	shalt  }
0x5f: {  	_ =	shalt  }
0x60: {  	_ =	shalt  }
0x61: {  	_ =	shalt  }
0x62: {  	_ =	shalt  }
0x63: {  	_ =	shalt  }
0x64: {  	_ =	shalt  }
0x65: {  	_ =	shalt  }
0x66: {  	_ =	shalt  }
0x67: {  	_ =	shalt  }
0x68: {  	_ =	shalt  }
0x69: {  	_ =	shalt  }
0x6a: {  	_ =	shalt  }
0x6b: {  	_ =	shalt  }
0x6c: {  	_ =	shalt  }
0x6d: {  	_ =	shalt  }
0x6e: {  	_ =	shalt  }
0x6f: {  	_ =	shalt  }
0x70: {  	_ =	shalt  }
0x71: {  	_ =	shalt  }
0x72: {  	_ =	shalt  }
0x73: {  	_ =	shalt  }
0x74: {  	_ =	shalt  }
0x75: {  	_ =	shalt  }
0x76: {  	_ =	shalt  }
0x77: {  	_ =	shalt  }
0x78: {  	_ =	shalt  }
0x79: {  	_ =	shalt  }
0x7a: {  	_ =	shalt  }
0x7b: {  	_ =	shalt  }
0x7c: {  	_ =	shalt  }
0x7d: {  	_ =	shalt  }
0x7e: {  	_ =	shalt  }
0x7f: {  	_ =	shalt  }
0x80: {  	_ =	shalt  }
0x81: {  	_ =	shalt  }
0x82: {  	_ =	shalt  }
0x83: {  	_ =	shalt  }
0x84: {  	_ =	shalt  }
0x85: {  	_ =	shalt  }
0x86: {  	_ =	shalt  }
0x87: {  	_ =	shalt  }
.Lfunc_end0:
.L_simem_size_0:
called_computation.2_lowered:
.L_overlay_start_0:
0x88: {  	s2 =	sld [smem:$0x3FD9]  }
0x89: {  	s3 =	sld [smem:$0x3FFE];
	_ =	sdelay $0x1  }
0x8a: {  	s1 =	srdreg.scid  }
0x8b: {  	s0 =	sand.u32 $0x1, s1  }
0x8c: {  	s17 =	sshll.u32 s0, $0xA;
	s2 =	sadd.s32 s3, s2  }
0x8d: {  	s2 =	sadd.s32 s2, s17  }
0x8e: {  	[smem:$0x3FBA] =	sst s2  }
0x8f: {  	_ = 	snop  }
0x90: {  	s2 =	sld [smem:$0x3FD0];
	(tm) =	ssettm $0x1  }
0x91: {  	s18 =	sld [smem:$0x3FFB];
	_ =	sdelay $0x3  }
0x92: {  	_ =	strace s18  }
0x93: {  	s3 =	sld [smem:$0x3FFC];
	_ =	sdelay $0x3  }
0x94: {  	_ =	strace s3  }
0x95: {  	s3 =	sld [smem:$0x3FFD];
	_ =	sdelay $0x3  }
0x96: {  	_ =	strace s3  }
0x97: {  	_ =	strace $0x8FFFFFFF  }
0x98: {  	s19 =	sld [smem:$0x3FDB];
	_ =	sdelay $0x1  }
0x99: {  	s4 =	simm.s32 $_scs_section_size  }
0x9a: {  	s5 =	simm.s32 $_size__tile_overlayer_lowered;
	s6 =	simm.s32 $_tile_overlayer_lowered  }
0x9b: {  	s22 =	simm.s32 $0x1BFF;
	s21 =	sshll.u32 s6, $0x1;
	s3 =	sadd.s32 s4, s19  }
0x9c: {  	s7 =	simm.s32 $0x0;
	s20 =	sshll.u32 s5, $0x1;
	s5 =	sadd.s32 s21, s3  }
0x9d: {  	[timem:s7], [sflag:s22] =	dma.local [hbm:s5], s20  }
0x9e: {  	_ =	swait.ge [sflag:s22], s20  }
0x9f: {  	s4 =	ssub.s32 $0x0, s20;
	[sflag:s22] =	ssyncset.done $0x0  }
0xa0: {  	[sflag:s22] =	ssyncadd.s32 s4;
	_ =	sdelay $0x1  }
0xa1: {  	s23 =	simm.s32 $0x1B8B  }
0xa2: {  	_ =	swait.ge [sflag:s23], $0x1  }
0xa3: {  	[sflag:s23] =	ssyncset.done $0x0  }
0xa4: {  	s25 =	simm.s32 $0x1B8E;
	s24 =	sld [smem:$0x3FFE];
	[sflag:s23] =	ssyncadd.s32 $0xFFFFFFFF  }
0xa5: {  	s26 =	simm.s32 $execute0_lowered;
	[smem:$0x3FD2] =	sst s25  }
0xa6: {  	s5 =	sshll.u32 s26, $0x1;
	_ =	strace $0x8000004C;
	[dreg:$0x1] =	wrdreg $0xFFFFFFFF  }
0xa7: {  	s28 =	simm.s32 $_size_execute0_lowered;
	s3 =	sadd.s32 s3, s5;
	[dreg:$0x0] =	wrdreg $0x0  }
0xa8: {  	s5 =	sshll.u32 s28, $0x1;
	[dreg:$0x2] =	wrdreg s3  }
0xa9: {  	[dreg:$0x3] =	wrdreg s5  }
0xaa: {  	[dreg:$0x4] =	wrdreg $0xC0  }
0xab: {  	_ =	task [dreg:s7], $0x5FFFF  }
0xac: {  	[dreg:$0x1] =	wrdreg $0xFFFFFFFF  }
0xad: {  	[dreg:$0x0] =	wrdreg $0x60  }
0xae: {  	[dreg:$0x2] =	wrdreg s24  }
0xaf: {  	[dreg:$0x3] =	wrdreg s2  }
0xb0: {  	[dreg:$0x4] =	wrdreg $0x0  }
0xb1: {  	[dreg:$0x5] =	wrdreg $0x9  }
0xb2: {  	_ =	task.clear_ibuf [dreg:s7], $0x6FFFF;
	_ =	strace $0x9000004C  }
0xb3: {  	s29 =	simm.s32 $0x9;
	_ =	strace $0x8000004E  }
0xb4: {  	_ =	swait.ge [sflag:s29], $0x1  }
0xb5: {  	[sflag:s29] =	ssyncadd.s32 $0xFFFFFFFF  }
0xb6: {  	_ =	strace $0x9000004E  }
0xb7: {  	_ =	sfence  }
0xb8: {  	s30 =	sld [smem:$0x0];
	_ =	sdelay $0x2  }
0xb9: {  	s31 =	sshll.u32 s1, $0xD;
	s1 =	sshrl.u32 s1, $0x2  }
0xba: {  	s3 =	sand.u32 $0x4000, s31;
	s1 =	sadd.s32 s1, s30  }
0xbb: {  	s0 =	sor.u32 s3, s0;
	s1 =	sshll.u32 s1, $0x11  }
0xbc: {  	s0 =	sor.u32 s1, s0  }
0xbd: {  	s0 =	sadd.s32 $0x8F2B, s0  }
0xbe: {  	[sflag:s0] =	ssyncadd.remote.s32 $0x1  }
0xbf: {  	_ =	sfence.sel $0xFFFF  }
0xc0: {  	[dreg:$0x0] =	wrdreg $0xFFFFFFFF;
	(pc) =	sbr.abs _section_cstart, $3  }
0xc1: {  	[dreg:$0x1] =	wrdreg $0xFFFFFFFF  }
0xc2: {  	_ =	task.clear_ibuf [dreg:s7], $0x2FFFF;
	_ =	strace $0x9FFFFFFF  }
0xc3: {  	(tm) =	ssettm $0x7FFFFFFF  }
tec
execute0_lowered:
.L_overlay_start_1:
0x0: {  	(tag) =	ssettag $0x1  }
0x1: {  	s5 =	rddreg [dreg:$0x0]  }
0x2: {  	s9 =	rddreg [dreg:$0x1]  }
0x3: {  	s2 =	rddreg [dreg:$0x2]  }
0x4: {  	s0 =	rddreg [dreg:$0x3];
	s3 =	simm.s32 $0x0  }
0x5: {  	s1 =	stileid.u32;
	s7 =	srdreg.scid;
	s18 =	simm.s32 $0x1  }
0x6: {  	s19 =	simm.s32 $0x0;
	[smem:$0x7FF] =	sst s3;
	s6 =	smul.u32 $0x600, s1  }
0x7: {  	s10 =	smul.u32 $0x2800, s1;
	s4 =	sadd.s32 $0xFD000, s5;
	s8 =	sand.u32 $0x1, s7  }
0x8: {  	s11 =	sadd.s32 $0x32400, s5;
	s13 =	sadd.s32 $0x60C00, s5;
	s15 =	smul.u32 $0x50000, s1  }
0x9: {  	s16 =	sadd.s32 $0x88C00, s5;
	s31 =	sshll.u32 s1, $0x6;
	_ =	strace $0x8000004D  }
0xa: {  	s12 =	ssub.s32 $0x2, s8;
	s17 =	smul.u32 $0x2710, s8;
	p0 =	seq.s32 s8, $0x0  }
0xb: {  	s6 =	sadd.s32 s6, s5;
	s29 =	sadd.s32 s10, s5;
	s14 =	sshrl.u32 s12, $0x1  }
0xc: {  	s30 =	sshrl.u32 s15, $0x2;
	s11 =	smov.u32 @p0 s9;
	s16 =	smov.u32 @p0 s13  }
0xd: {  	s13 =	simm.s32 $0x17000;
	s12 =	ssub.s32 s12, s14;
	s5 =	sadd.s32 $0x5AC00, s6  }
0xe: {  	s6 =	sadd.s32 $0x4400, s6;
	s15 =	sadd.s32 s30, s2;
	s7 =	sadd.s32 $0xA400, s29  }
0xf: {  	s9 =	sadd.s32 s11, s10;
	s10 =	sadd.s32 s16, s10;
	s11 =	simm.s32 $0x14000  }
0x10: {  	s14 =	sor.u32 $0x1C02, s31;
	s16 =	simm.s32 $0x80;
	v0 =	vmov s17;
	s17 =	simm.s32 $0x1A000  }
0x11: {  	s8 =	smax.u32 s12, $0x1;
	s12 =	simm.s32 $0x2;
	s15 =	sshrl.u32 s15, $0x3  }
.LBB2_1:
0x12: {  	[tilespmem:s11], [sflag:$0x2] =	stream.linear.gather [hbm4b:s5+s3], $0x3000, $0x38;
	[tilespmem:$0x1E000] =	vst v63  }
0x13: {  	_ =	swait.ge [sflag:s12], $0x3000  }
0x14: {  	[sflag:s12] =	ssyncset.done $0x0  }
0x15: {  	[sflag:s12] =	ssyncadd.s32 $0xFFFFD000  }
0x16: {  	[tilespmem:s13], [sflag:$0x2] =	stream.linear.gather [hbm4b:s6+s3], $0x3000, $0x38;
	[tilespmem:$0x1E000] =	vst v63  }
0x17: {  	s20 =	sand.u32 $0xFE00, s3;
	_ =	swait.ge [sflag:s12], $0x3000  }
0x18: {  	s21 =	sand.u32 $0x70, s3;
	s20 =	sshrl.u32 s20, $0x2;
	[sflag:s12] =	ssyncset.done $0x0  }
0x19: {  	s20 =	sor.u32 s21, s20;
	[sflag:s12] =	ssyncadd.s32 $0xFFFFD000  }
0x1a: {  	v1 =	vld [tilespmem:s20+$0x14000];
	_ =	sdelay $0x2  }
0x1b: {  	s22 =	simm.s32 $0x40  }
0x1c: {  	s23 =	sand.u32 $0xFE00, s22;
	s22 =	simm.s32 $0x80;
	s21 =	simm.s32 $0x10  }
.LBB2_2:
0x1d: {  	p0 =	sne.s32 s22, $0xBFC0;
	s24 =	sand.u32 $0x70, s21;
	s23 =	sshrl.u32 s23, $0x2;
	v1 =	vadd.s32 v0, v1  }
0x1e: {  	[tilespmem:s20+$0x14000] =	vst v1;
	s20 =	sor.u32 s24, s23  }
.Ltmp0:
0x1f: {  	v1 =	vld [tilespmem:s20+$0x14000];
	(pc) =	sbr.rel @p0 .LBB2_2-.Ltmp0, $2  }
0x20: {  	_ =	sdelay $0x2  }
0x21: {  	s21 =	sadd.s32 $0x10, s21;
	s23 =	sand.u32 $0xFE00, s22;
	s22 =	sadd.s32 $0x40, s22  }
0x22: {  	s21 =	sand.u32 $0x70, s21;
	s22 =	sshrl.u32 s23, $0x2;
	v1 =	vadd.s32 v0, v1  }
0x23: {  	s21 =	sor.u32 s21, s22;
	[tilespmem:s20+$0x14000] =	vst v1  }
0x24: {  	v1 =	vld [tilespmem:s21+$0x14000];
	_ =	sdelay $0x4  }
0x25: {  	v1 =	vadd.s32 v0, v1  }
0x26: {  	[tilespmem:s21+$0x14000] =	vst v1  }
0x27: {  	[spmem:s15], [sflag:s14] =	dma.local [hbm:s7], $0x2800  }
0x28: {  	_ =	swait.ge [sflag:s12], $0x2800  }
0x29: {  	[sflag:s12] =	ssyncset.done $0x0  }
0x2a: {  	[sflag:s12] =	ssyncadd.s32 $0xFFFFD800  }
0x2b: {  	s30 =	simm.s32 $0x14000;
	[bflag:$0x0] =	sbarrier.arrive $0xFFFF  }
0x2c: {  	[tilespmem:s17], [sflag:$0x1] =	stream.indirect.gather [hbm4b:s4+s16], $0x80, s30, s16, $0xb8;
	[tilespmem:$0x1E000] =	vst v63  }
0x2d: {  	_ =	swait.ge [sflag:s18], $0x4000  }
0x2e: {  	[sflag:s18] =	ssyncset.done $0x0  }
0x2f: {  	s31 =	simm.s32 $0x17000;
	[sflag:s18] =	ssyncadd.s32 $0xFFFFC000  }
0x30: {  	[spmem:s2] =	stream.indirect.scatter.add.f32 [tilespmem:s17], [sflag:$0x2], $0x80, s31, s16, $0xb8;
	[tilespmem:$0x1E000] =	vst v63  }
0x31: {  	_ =	swait.ge [sflag:s12], $0x4000  }
0x32: {  	s20 =	simm.s32 $0x80;
	s21 =	simm.s32 $0x400;
	[sflag:s12] =	ssyncset.done $0x0  }
.LBB2_4:
0x33: {  	s22 =	sadd.s32 $0x14000, s20  }
0x34: {  	[sflag:s12] =	ssyncadd.s32 $0xFFFFC000;
	s23 =	smov.u32 s21;
	s24 =	sadd.s32 $0x200, s21  }
0x35: {  	[tilespmem:s17], [sflag:$0x1] =	stream.indirect.gather [hbm4b:s4+s16], $0x80, s22, s16, $0xb8;
	[tilespmem:$0x1E000] =	vst v63  }
0x36: {  	p0 =	sne.s32 s21, $0xBE00;
	_ =	swait.ge [sflag:s18], $0x4000  }
.Ltmp1:
0x37: {  	[sflag:s18] =	ssyncset.done $0x0;
	(pc) =	sbr.rel @p0 .LBB2_4-.Ltmp1, $4  }
0x38: {  	s20 =	sadd.s32 $0x17000, s20;
	[sflag:s18] =	ssyncadd.s32 $0xFFFFC000  }
0x39: {  	[spmem:s2] =	stream.indirect.scatter.add.f32 [tilespmem:s17], [sflag:$0x2], $0x80, s20, s16, $0xb8;
	[tilespmem:$0x1E000] =	vst v63  }
0x3a: {  	_ =	swait.ge [sflag:s12], $0x4000  }
0x3b: {  	s21 =	smov.u32 s24;
	s20 =	sshra.s32 s23, $0x2;
	[sflag:s12] =	ssyncset.done $0x0  }
0x3c: {  	s21 =	sadd.s32 $0x14000, s20;
	[sflag:s12] =	ssyncadd.s32 $0xFFFFC000  }
0x3d: {  	[tilespmem:s17], [sflag:$0x1] =	stream.indirect.gather [hbm4b:s4+s16], $0x80, s21, s16, $0xb8;
	[tilespmem:$0x1E000] =	vst v63  }
0x3e: {  	_ =	swait.ge [sflag:s18], $0x4000  }
0x3f: {  	[sflag:s18] =	ssyncset.done $0x0  }
0x40: {  	s29 =	sadd.s32 $0x17000, s20;
	[sflag:s18] =	ssyncadd.s32 $0xFFFFC000  }
0x41: {  	[spmem:s2] =	stream.indirect.scatter.add.f32 [tilespmem:s17], [sflag:$0x2], $0x80, s29, s16, $0xb8;
	[tilespmem:$0x1E000] =	vst v63  }
0x42: {  	_ =	swait.ge [sflag:s12], $0x4000  }
0x43: {  	[sflag:s12] =	ssyncset.done $0x0  }
0x44: {  	[sflag:s12] =	ssyncadd.s32 $0xFFFFC000  }
0x45: {  	[bflag:$0x0] =	sbarrier.arrive $0xFFFF  }
0x46: {  	[hbm:s9], [sflag:s14] =	dma.local [spmem:s15], $0x2800  }
0x47: {  	s30 =	simm.s32 $0x0;
	_ =	swait.ge [sflag:s12], $0x2800  }
0x48: {  	s31 =	sand.u32 $0xFE00, s30;
	[sflag:s12] =	ssyncset.done $0x0  }
0x49: {  	s20 =	sand.u32 $0x70, s30;
	s21 =	sshrl.u32 s31, $0x2;
	[sflag:s12] =	ssyncadd.s32 $0xFFFFD800  }
0x4a: {  	s20 =	sor.u32 s20, s21;
	[bflag:$0x0] =	sbarrier.arrive $0xFFFF  }
0x4b: {  	v1 =	vld [tilespmem:s20+$0x14000];
	_ =	sdelay $0x2  }
0x4c: {  	s22 =	simm.s32 $0x40  }
0x4d: {  	s23 =	sand.u32 $0xFE00, s22;
	s22 =	simm.s32 $0x80;
	s21 =	simm.s32 $0x10  }
.LBB2_6:
0x4e: {  	p0 =	sne.s32 s22, $0xBFC0;
	s24 =	sand.u32 $0x70, s21;
	s23 =	sshrl.u32 s23, $0x2;
	v1 =	vadd.s32 $0x4E20, v1  }
0x4f: {  	[tilespmem:s20+$0x14000] =	vst v1;
	s20 =	sor.u32 s24, s23  }
.Ltmp2:
0x50: {  	v1 =	vld [tilespmem:s20+$0x14000];
	(pc) =	sbr.rel @p0 .LBB2_6-.Ltmp2, $2  }
0x51: {  	_ =	sdelay $0x2  }
0x52: {  	s21 =	sadd.s32 $0x10, s21;
	s23 =	sand.u32 $0xFE00, s22;
	s22 =	sadd.s32 $0x40, s22  }
0x53: {  	s21 =	sand.u32 $0x70, s21;
	s22 =	sshrl.u32 s23, $0x2;
	v1 =	vadd.s32 $0x4E20, v1  }
0x54: {  	s21 =	sor.u32 s21, s22;
	[tilespmem:s20+$0x14000] =	vst v1  }
0x55: {  	v1 =	vld [tilespmem:s21+$0x14000];
	_ =	sdelay $0x4  }
0x56: {  	v1 =	vadd.s32 $0x4E20, v1  }
0x57: {  	[tilespmem:s21+$0x14000] =	vst v1  }
0x58: {  	[spmem:s15], [sflag:s14] =	dma.local [hbm:s7], $0x2800  }
0x59: {  	_ =	swait.ge [sflag:s12], $0x2800  }
0x5a: {  	[sflag:s12] =	ssyncset.done $0x0  }
0x5b: {  	[sflag:s12] =	ssyncadd.s32 $0xFFFFD800  }
0x5c: {  	s30 =	simm.s32 $0x14000;
	[bflag:$0x0] =	sbarrier.arrive $0xFFFF  }
0x5d: {  	[tilespmem:s17], [sflag:$0x1] =	stream.indirect.gather [hbm4b:s4+s16], $0x80, s30, s16, $0xb8;
	[tilespmem:$0x1E000] =	vst v63  }
0x5e: {  	_ =	swait.ge [sflag:s18], $0x4000  }
0x5f: {  	[sflag:s18] =	ssyncset.done $0x0  }
0x60: {  	s31 =	simm.s32 $0x17000;
	[sflag:s18] =	ssyncadd.s32 $0xFFFFC000  }
0x61: {  	[spmem:s2] =	stream.indirect.scatter.add.f32 [tilespmem:s17], [sflag:$0x2], $0x80, s31, s16, $0xb8;
	[tilespmem:$0x1E000] =	vst v63  }
0x62: {  	_ =	swait.ge [sflag:s12], $0x4000  }
0x63: {  	s20 =	simm.s32 $0x80;
	s21 =	simm.s32 $0x400;
	[sflag:s12] =	ssyncset.done $0x0  }
.LBB2_8:
0x64: {  	s22 =	sadd.s32 $0x14000, s20  }
0x65: {  	[sflag:s12] =	ssyncadd.s32 $0xFFFFC000;
	s23 =	smov.u32 s21;
	s24 =	sadd.s32 $0x200, s21  }
0x66: {  	[tilespmem:s17], [sflag:$0x1] =	stream.indirect.gather [hbm4b:s4+s16], $0x80, s22, s16, $0xb8;
	[tilespmem:$0x1E000] =	vst v63  }
0x67: {  	p0 =	sne.s32 s21, $0xBE00;
	_ =	swait.ge [sflag:s18], $0x4000  }
.Ltmp3:
0x68: {  	[sflag:s18] =	ssyncset.done $0x0;
	(pc) =	sbr.rel @p0 .LBB2_8-.Ltmp3, $4  }
0x69: {  	s20 =	sadd.s32 $0x17000, s20;
	[sflag:s18] =	ssyncadd.s32 $0xFFFFC000  }
0x6a: {  	[spmem:s2] =	stream.indirect.scatter.add.f32 [tilespmem:s17], [sflag:$0x2], $0x80, s20, s16, $0xb8;
	[tilespmem:$0x1E000] =	vst v63  }
0x6b: {  	_ =	swait.ge [sflag:s12], $0x4000  }
0x6c: {  	s21 =	smov.u32 s24;
	s20 =	sshra.s32 s23, $0x2;
	[sflag:s12] =	ssyncset.done $0x0  }
0x6d: {  	s21 =	sadd.s32 $0x14000, s20;
	[sflag:s12] =	ssyncadd.s32 $0xFFFFC000  }
0x6e: {  	[tilespmem:s17], [sflag:$0x1] =	stream.indirect.gather [hbm4b:s4+s16], $0x80, s21, s16, $0xb8;
	[tilespmem:$0x1E000] =	vst v63  }
0x6f: {  	_ =	swait.ge [sflag:s18], $0x4000  }
0x70: {  	[sflag:s18] =	ssyncset.done $0x0  }
0x71: {  	s31 =	sadd.s32 $0x17000, s20;
	[sflag:s18] =	ssyncadd.s32 $0xFFFFC000  }
0x72: {  	[spmem:s2] =	stream.indirect.scatter.add.f32 [tilespmem:s17], [sflag:$0x2], $0x80, s31, s16, $0xb8;
	[tilespmem:$0x1E000] =	vst v63  }
0x73: {  	_ =	swait.ge [sflag:s12], $0x4000  }
0x74: {  	s19 =	sadd.s32 $0x1, s19;
	[sflag:s12] =	ssyncset.done $0x0  }
0x75: {  	p0 =	sne.s32 s19, s8;
	[sflag:s12] =	ssyncadd.s32 $0xFFFFC000  }
.Ltmp4:
0x76: {  	[bflag:$0x0] =	sbarrier.arrive $0xFFFF;
	(pc) =	sbr.rel @p0 .LBB2_1-.Ltmp4, $4  }
0x77: {  	[hbm:s10], [sflag:s14] =	dma.local [spmem:s15], $0x2800  }
0x78: {  	_ =	swait.ge [sflag:s12], $0x2800  }
0x79: {  	[sflag:s12] =	ssyncset.done $0x0  }
0x7a: {  	[sflag:s12] =	ssyncadd.s32 $0xFFFFD800  }
0x7b: {  	_ =	sfence.sel $0x180000  }
0x7c: {  	[bflag:$0x0] =	sbarrier.arrive $0xFFFF  }
0x7d: {  	p0 =	sne.s32 s1, $0x0;
	_ =	strace $0x9000004D  }
0x7e: {  	s0 =	sadd.s32 @!p0 $0x100000, s0;
	[bflag:$0x2] =	sbarrier.arrive $0xFFFF  }
0x7f: {  	[sflag:s0] =	ssyncadd.tile.s32 @!p0 $0x1;
	_ =	shalt  }
.Lfunc_end2:
_tile_overlayer_lowered:
.L_overlay_start_2:
0x80: {  	(tag) =	ssettag $0x2  }
0x81: {  	s0 =	rddreg [dreg:$0x0];
	s2 =	stileid.u32  }
0x82: {  	s1 =	rddreg [dreg:$0x1];
	p0 =	sne.s32 s2, $0x0  }
0x83: {  	s3 =	rddreg [dreg:$0x2];
	[bflag:$0x3] =	sbarrier.arrive $0xFFFF;
	s2 =	simm.s32 @!p0 $0x1C02  }
0x84: {  	[timem:s3], [sflag:s2] =	dma.local @!p0 [hbm:s0], s1  }
0x85: {  	s0 =	simm.s32 @!p0 $0x2  }
0x86: {  	_ =	swait.ge @!p0 [sflag:s0], s1  }
0x87: {  	s1 =	ssub.s32 @!p0 $0x0, s1;
	[sflag:s0] =	ssyncset.done @!p0 $0x0  }
0x88: {  	[sflag:s0] =	ssyncadd.s32 @!p0 s1  }
0x89: {  	[bflag:$0x3] =	sbarrier.arrive $0xFFFF  }
0x8a: {  	_ =	shalt  }

// kernel: kernel.22.cloned.1.call-start
scs
__scs_entry_jumppad:
0x0: {  	(pc) =	sbr.rel $0x88, $3  }
0x1: {  	(tag) =	ssettag $0x0;
	lr =	simm.s32 $0x1  }
0x2: {  	[smem:$0x3F93] =	sst lr;
	_ =	strace $0xD0000000  }
0x3: {  	_ = 	snop  }
0x4: {  	_ = 	snop  }
0x5: {  	_ = 	snop  }
0x6: {  	_ = 	snop  }
0x7: {  	_ = 	snop  }
__scs_overlays_trampoline_lowered:
0x8: {  	[smem:$0x3FA2] =	sst s0  }
0x9: {  	[smem:$0x3FA3] =	sst s1  }
0xa: {  	[smem:$0x3FA4] =	sst s2  }
0xb: {  	[smem:$0x3FA5] =	sst s3  }
0xc: {  	[smem:$0x3FA6] =	sst s4  }
0xd: {  	[smem:$0x3FA7] =	sst s5  }
0xe: {  	[smem:$0x3FA8] =	sst s6  }
0xf: {  	[smem:$0x3FA9] =	sst s7  }
0x10: {  	[smem:$0x3FAA] =	sst s8  }
0x11: {  	[smem:$0x3FAB] =	sst s9;
	s0 =	simm.s32 @!p0 $0x0  }
0x12: {  	s1 =	sld [smem:$0x3F91];
	s0 =	simm.s32 @p0 $0x1  }
0x13: {  	[smem:$0x3FAC] =	sst s0;
	s0 =	simm.s32 @!p1 $0x0  }
0x14: {  	s2 =	sld [smem:$0x3F90];
	s0 =	simm.s32 @p1 $0x1  }
0x15: {  	[smem:$0x3FAD] =	sst s0;
	s0 =	simm.s32 @!p2 $0x0  }
0x16: {  	s3 =	sld [smem:$0x3FDB];
	s0 =	simm.s32 @p2 $0x1  }
0x17: {  	s4 =	simm.s32 $0x1BF5;
	[smem:$0x3FAF] =	sst s0  }
0x18: {  	s0 =	sld [smem:$0x3F92];
	_ =	swait.ge [sflag:s4], $0x0  }
0x19: {  	s7 =	sld [smem:$0x3F93]  }
0x1a: {  	s8 =	sadd.s32 $0xFFFFE003, lr  }
0x1b: {  	s9 =	sadd.s32 $0xFFFFFEF7, lr;
	s5 =	simm.s32 $0xFFFFFFFF;
	p2 =	slt.u32 s8, $0xFFFFF086  }
0x1c: {  	p1 =	slt.u32 s9, $0xF7A;
	s5 =	simm.s32 @!p2 $0x0  }
0x1d: {  	s5 =	simm.s32 @p1 $0x1;
	p0 =	seq.s32 s7, s2  }
0x1e: {  	s7 =	smul.u32 @!p0 $0xF7A, s2;
	p2 =	seq.s32 @!p0 s5, $0x0  }
0x1f: {  	s9 =	smul.u32 $0xF7A, s1;
	s8 =	simm.s32 @!p0 $0x1BF5;
	p2 =	por !p2, p0  }
0x20: {  	[sflag:s8] =	ssyncset.s32 @!p0 $0xFFFFF086;
	s6 =	sadd.s32 @!p0 s3, s7;
	s7 =	simm.s32 @!p0 $0x108  }
0x21: {  	s3 =	sadd.s32 s3, s9;
	s6 =	sadd.s32 @!p0 $0x88, s6;
	s7 =	simm.s32 @p2 $0x1082  }
0x22: {  	[simem:s7], [sflag:s8] =	dma.local @!p0 [hbm:s6], $0xF7A  }
0x23: {  	s9 =	sor.u32 $0xD0000000, s2;
	s6 =	simm.s32 $0x108;
	_ =	swait.ge @!p0 [sflag:s8], $0x0  }
0x24: {  	s3 =	sadd.s32 $0x88, s3;
	s6 =	simm.s32 @!p1 $0x1082;
	[sflag:s4] =	ssyncset.s32 $0xFFFFF086  }
0x25: {  	[simem:s6], [sflag:s4] =	dma.local [hbm:s3], $0xF7A  }
0x26: {  	[smem:$0x3F93] =	sst s1;
	(tag) =	ssettag s2;
	_ =	strace s9  }
0x27: {  	s1 =	sld [smem:$0x3FA3]  }
0x28: {  	s2 =	sld [smem:$0x3FA4]  }
0x29: {  	s4 =	sld [smem:$0x3FA6]  }
0x2a: {  	p0 =	seq.s32 s5, $0x0;
	s5 =	sld [smem:$0x3FA7]  }
0x2b: {  	s6 =	sld [smem:$0x3FA8]  }
0x2c: {  	s7 =	sld [smem:$0x3FA9]  }
0x2d: {  	s3 =	simm.s32 $0x108;
	s8 =	sld [smem:$0x3FAA]  }
0x2e: {  	s3 =	simm.s32 @!p0 $0x1082;
	s9 =	sld [smem:$0x3FAB]  }
0x2f: {  	lr =	sadd.s32 s0, s3;
	s0 =	sld [smem:$0x3FA2]  }
0x30: {  	s3 =	sld [smem:$0x3FA5]  }
0x31: {  	[smem:$0x3FAE] =	sst s10  }
0x32: {  	s10 =	sld [smem:$0x3FAC];
	_ =	sdelay $0x3  }
0x33: {  	p0 =	seq.s32 s10, $0x1;
	s10 =	sld [smem:$0x3FAE];
	_ =	sdelay $0x3  }
0x34: {  	[smem:$0x3FAE] =	sst s10  }
0x35: {  	s10 =	sld [smem:$0x3FAD];
	_ =	sdelay $0x3  }
0x36: {  	p1 =	seq.s32 s10, $0x1;
	s10 =	sld [smem:$0x3FAE];
	_ =	sdelay $0x3  }
0x37: {  	[smem:$0x3FAE] =	sst s10  }
0x38: {  	s10 =	sld [smem:$0x3FAF]  }
0x39: {  	_ = 	snop;
	(pc) =	sbr.ind lr, $3  }
0x3a: {  	_ = 	snop  }
0x3b: {  	_ = 	snop  }
0x3c: {  	p2 =	seq.s32 s10, $0x1;
	s10 =	sld [smem:$0x3FAE]  }
0x3d: {  	_ =	shalt  }
0x3e: {  	_ =	shalt  }
0x3f: {  	_ =	shalt  }
0x40: {  	_ =	shalt  }
0x41: {  	_ =	shalt  }
0x42: {  	_ =	shalt  }
0x43: {  	_ =	shalt  }
0x44: {  	_ =	shalt  }
0x45: {  	_ =	shalt  }
0x46: {  	_ =	shalt  }
0x47: {  	_ =	shalt  }
0x48: {  	_ =	shalt  }
0x49: {  	_ =	shalt  }
0x4a: {  	_ =	shalt  }
0x4b: {  	_ =	shalt  }
0x4c: {  	_ =	shalt  }
0x4d: {  	_ =	shalt  }
0x4e: {  	_ =	shalt  }
0x4f: {  	_ =	shalt  }
0x50: {  	_ =	shalt  }
0x51: {  	_ =	shalt  }
0x52: {  	_ =	shalt  }
0x53: {  	_ =	shalt  }
0x54: {  	_ =	shalt  }
0x55: {  	_ =	shalt  }
0x56: {  	_ =	shalt  }
0x57: {  	_ =	shalt  }
0x58: {  	_ =	shalt  }
0x59: {  	_ =	shalt  }
0x5a: {  	_ =	shalt  }
0x5b: {  	_ =	shalt  }
0x5c: {  	_ =	shalt  }
0x5d: {  	_ =	shalt  }
0x5e: {  	_ =	shalt  }
0x5f: {  	_ =	shalt  }
0x60: {  	_ =	shalt  }
0x61: {  	_ =	shalt  }
0x62: {  	_ =	shalt  }
0x63: {  	_ =	shalt  }
0x64: {  	_ =	shalt  }
0x65: {  	_ =	shalt  }
0x66: {  	_ =	shalt  }
0x67: {  	_ =	shalt  }
0x68: {  	_ =	shalt  }
0x69: {  	_ =	shalt  }
0x6a: {  	_ =	shalt  }
0x6b: {  	_ =	shalt  }
0x6c: {  	_ =	shalt  }
0x6d: {  	_ =	shalt  }
0x6e: {  	_ =	shalt  }
0x6f: {  	_ =	shalt  }
0x70: {  	_ =	shalt  }
0x71: {  	_ =	shalt  }
0x72: {  	_ =	shalt  }
0x73: {  	_ =	shalt  }
0x74: {  	_ =	shalt  }
0x75: {  	_ =	shalt  }
0x76: {  	_ =	shalt  }
0x77: {  	_ =	shalt  }
0x78: {  	_ =	shalt  }
0x79: {  	_ =	shalt  }
0x7a: {  	_ =	shalt  }
0x7b: {  	_ =	shalt  }
0x7c: {  	_ =	shalt  }
0x7d: {  	_ =	shalt  }
0x7e: {  	_ =	shalt  }
0x7f: {  	_ =	shalt  }
0x80: {  	_ =	shalt  }
0x81: {  	_ =	shalt  }
0x82: {  	_ =	shalt  }
0x83: {  	_ =	shalt  }
0x84: {  	_ =	shalt  }
0x85: {  	_ =	shalt  }
0x86: {  	_ =	shalt  }
0x87: {  	_ =	shalt  }
.Lfunc_end0:
.L_simem_size_0:
called_computation.3_lowered:
.L_overlay_start_0:
0x88: {  	s2 =	sld [smem:$0x3FD9]  }
0x89: {  	s3 =	sld [smem:$0x3FFE];
	_ =	sdelay $0x1  }
0x8a: {  	s1 =	srdreg.scid  }
0x8b: {  	s0 =	sand.u32 $0x1, s1  }
0x8c: {  	s17 =	sshll.u32 s0, $0xA;
	s2 =	sadd.s32 s3, s2  }
0x8d: {  	s2 =	sadd.s32 s2, s17  }
0x8e: {  	[smem:$0x3FBA] =	sst s2  }
0x8f: {  	_ = 	snop  }
0x90: {  	s2 =	sld [smem:$0x3FD0];
	(tm) =	ssettm $0x1  }
0x91: {  	s18 =	sld [smem:$0x3FFB];
	_ =	sdelay $0x3  }
0x92: {  	_ =	strace s18  }
0x93: {  	s3 =	sld [smem:$0x3FFC];
	_ =	sdelay $0x3  }
0x94: {  	_ =	strace s3  }
0x95: {  	s3 =	sld [smem:$0x3FFD];
	_ =	sdelay $0x3  }
0x96: {  	_ =	strace s3  }
0x97: {  	_ =	strace $0x8FFFFFFF  }
0x98: {  	s19 =	sld [smem:$0x3FDB];
	_ =	sdelay $0x1  }
0x99: {  	s4 =	simm.s32 $_scs_section_size  }
0x9a: {  	s5 =	simm.s32 $_size__tile_overlayer_lowered;
	s6 =	simm.s32 $_tile_overlayer_lowered  }
0x9b: {  	s22 =	simm.s32 $0x1BFF;
	s21 =	sshll.u32 s6, $0x1;
	s3 =	sadd.s32 s4, s19  }
0x9c: {  	s7 =	simm.s32 $0x0;
	s20 =	sshll.u32 s5, $0x1;
	s5 =	sadd.s32 s21, s3  }
0x9d: {  	[timem:s7], [sflag:s22] =	dma.local [hbm:s5], s20  }
0x9e: {  	_ =	swait.ge [sflag:s22], s20  }
0x9f: {  	s4 =	ssub.s32 $0x0, s20;
	[sflag:s22] =	ssyncset.done $0x0  }
0xa0: {  	[sflag:s22] =	ssyncadd.s32 s4;
	_ =	sdelay $0x1  }
0xa1: {  	s23 =	simm.s32 $0x1B8B  }
0xa2: {  	_ =	swait.ge [sflag:s23], $0x1  }
0xa3: {  	[sflag:s23] =	ssyncset.done $0x0  }
0xa4: {  	s25 =	simm.s32 $0x1B8E;
	s24 =	sld [smem:$0x3FFE];
	[sflag:s23] =	ssyncadd.s32 $0xFFFFFFFF  }
0xa5: {  	s26 =	simm.s32 $execute0_lowered;
	[smem:$0x3FD2] =	sst s25  }
0xa6: {  	s5 =	sshll.u32 s26, $0x1;
	_ =	strace $0x8000004F;
	[dreg:$0x1] =	wrdreg $0xFFFFFFFF  }
0xa7: {  	s28 =	simm.s32 $_size_execute0_lowered;
	s3 =	sadd.s32 s3, s5;
	[dreg:$0x0] =	wrdreg $0x0  }
0xa8: {  	s5 =	sshll.u32 s28, $0x1;
	[dreg:$0x2] =	wrdreg s3  }
0xa9: {  	[dreg:$0x3] =	wrdreg s5  }
0xaa: {  	[dreg:$0x4] =	wrdreg $0xC0  }
0xab: {  	_ =	task [dreg:s7], $0x5FFFF  }
0xac: {  	[dreg:$0x1] =	wrdreg $0xFFFFFFFF  }
0xad: {  	[dreg:$0x0] =	wrdreg $0x60  }
0xae: {  	[dreg:$0x2] =	wrdreg s2  }
0xaf: {  	[dreg:$0x3] =	wrdreg s24  }
0xb0: {  	[dreg:$0x4] =	wrdreg $0x0  }
0xb1: {  	[dreg:$0x5] =	wrdreg $0x9  }
0xb2: {  	_ =	task.clear_ibuf [dreg:s7], $0x6FFFF;
	_ =	strace $0x9000004F  }
0xb3: {  	s29 =	simm.s32 $0x9;
	_ =	strace $0x80000051  }
0xb4: {  	_ =	swait.ge [sflag:s29], $0x1  }
0xb5: {  	[sflag:s29] =	ssyncadd.s32 $0xFFFFFFFF  }
0xb6: {  	_ =	strace $0x90000051  }
0xb7: {  	_ =	sfence  }
0xb8: {  	s30 =	sld [smem:$0x0];
	_ =	sdelay $0x2  }
0xb9: {  	s31 =	sshll.u32 s1, $0xD;
	s1 =	sshrl.u32 s1, $0x2  }
0xba: {  	s3 =	sand.u32 $0x4000, s31;
	s1 =	sadd.s32 s1, s30  }
0xbb: {  	s0 =	sor.u32 s3, s0;
	s1 =	sshll.u32 s1, $0x11  }
0xbc: {  	s0 =	sor.u32 s1, s0  }
0xbd: {  	s0 =	sadd.s32 $0x8F2B, s0  }
0xbe: {  	[sflag:s0] =	ssyncadd.remote.s32 $0x1  }
0xbf: {  	_ =	sfence.sel $0xFFFF  }
0xc0: {  	[dreg:$0x0] =	wrdreg $0xFFFFFFFF;
	(pc) =	sbr.abs _section_cstart, $3  }
0xc1: {  	[dreg:$0x1] =	wrdreg $0xFFFFFFFF  }
0xc2: {  	_ =	task.clear_ibuf [dreg:s7], $0x2FFFF;
	_ =	strace $0x9FFFFFFF  }
0xc3: {  	(tm) =	ssettm $0x7FFFFFFF  }
tec
execute0_lowered:
.L_overlay_start_1:
0x0: {  	(tag) =	ssettag $0x1  }
0x1: {  	s2 =	rddreg [dreg:$0x0]  }
0x2: {  	s5 =	rddreg [dreg:$0x1]  }
0x3: {  	s3 =	rddreg [dreg:$0x2]  }
0x4: {  	s0 =	rddreg [dreg:$0x3]  }
0x5: {  	s1 =	stileid.u32;
	s6 =	srdreg.scid  }
0x6: {  	s4 =	simm.s32 $0x0;
	s12 =	simm.s32 $0x17000;
	s15 =	simm.s32 $0x80  }
0x7: {  	s17 =	simm.s32 $0x1;
	s18 =	simm.s32 $0x0;
	s7 =	smul.u32 $0x600, s1  }
0x8: {  	s8 =	sand.u32 $0x1, s6;
	[smem:$0x7FF] =	sst s4;
	s29 =	smul.u32 $0x2800, s1  }
0x9: {  	s30 =	smul.u32 $0x50000, s1;
	s13 =	sshll.u32 s1, $0x6;
	s9 =	ssub.s32 $0x2, s8  }
0xa: {  	_ =	strace $0x80000050;
	s16 =	smul.u32 $0x2710, s8;
	p0 =	seq.s32 s8, $0x1  }
0xb: {  	s13 =	sor.u32 $0x1C02, s13;
	s7 =	sadd.s32 s7, s5;
	s10 =	sshrl.u32 s9, $0x1  }
0xc: {  	s11 =	sadd.s32 s29, s5;
	s31 =	sshrl.u32 s30, $0x2;
	s9 =	ssub.s32 s9, s10  }
0xd: {  	s5 =	sadd.s32 $0x5AC00, s7;
	s6 =	sadd.s32 $0x4400, s7;
	s10 =	simm.s32 $0x60C00  }
0xe: {  	s14 =	sadd.s32 s31, s3;
	s7 =	sadd.s32 $0xA400, s11;
	v0 =	vmov s16;
	s16 =	simm.s32 $0x1A000  }
0xf: {  	s10 =	simm.s32 @!p0 $0x32400;
	s8 =	smax.u32 s9, $0x1;
	s14 =	sshrl.u32 s14, $0x3  }
0x10: {  	s9 =	sadd.s32 s10, s11;
	s10 =	simm.s32 $0x14000;
	s11 =	simm.s32 $0x2  }
.LBB2_1:
0x11: {  	[tilespmem:s10], [sflag:$0x2] =	stream.linear.gather [hbm4b:s5+s4], $0x3000, $0x38;
	[tilespmem:$0x1E000] =	vst v63  }
0x12: {  	_ =	swait.ge [sflag:s11], $0x3000  }
0x13: {  	[sflag:s11] =	ssyncset.done $0x0  }
0x14: {  	[sflag:s11] =	ssyncadd.s32 $0xFFFFD000  }
0x15: {  	[tilespmem:s12], [sflag:$0x2] =	stream.linear.gather [hbm4b:s6+s4], $0x3000, $0x38;
	[tilespmem:$0x1E000] =	vst v63  }
0x16: {  	s19 =	sand.u32 $0xFE00, s4;
	_ =	swait.ge [sflag:s11], $0x3000  }
0x17: {  	s20 =	sand.u32 $0x70, s4;
	s19 =	sshrl.u32 s19, $0x2;
	[sflag:s11] =	ssyncset.done $0x0  }
0x18: {  	s19 =	sor.u32 s20, s19;
	[sflag:s11] =	ssyncadd.s32 $0xFFFFD000  }
0x19: {  	v1 =	vld [tilespmem:s19+$0x14000];
	_ =	sdelay $0x2  }
0x1a: {  	s21 =	simm.s32 $0x40  }
0x1b: {  	s22 =	sand.u32 $0xFE00, s21;
	s21 =	simm.s32 $0x80;
	s20 =	simm.s32 $0x10  }
.LBB2_2:
0x1c: {  	p0 =	sne.s32 s21, $0xBFC0;
	s23 =	sand.u32 $0x70, s20;
	s22 =	sshrl.u32 s22, $0x2;
	v1 =	vadd.s32 v0, v1  }
0x1d: {  	[tilespmem:s19+$0x14000] =	vst v1;
	s19 =	sor.u32 s23, s22  }
.Ltmp0:
0x1e: {  	v1 =	vld [tilespmem:s19+$0x14000];
	(pc) =	sbr.rel @p0 .LBB2_2-.Ltmp0, $2  }
0x1f: {  	_ =	sdelay $0x2  }
0x20: {  	s20 =	sadd.s32 $0x10, s20;
	s22 =	sand.u32 $0xFE00, s21;
	s21 =	sadd.s32 $0x40, s21  }
0x21: {  	s20 =	sand.u32 $0x70, s20;
	s21 =	sshrl.u32 s22, $0x2;
	v1 =	vadd.s32 v0, v1  }
0x22: {  	s20 =	sor.u32 s20, s21;
	[tilespmem:s19+$0x14000] =	vst v1  }
0x23: {  	v1 =	vld [tilespmem:s20+$0x14000];
	_ =	sdelay $0x4  }
0x24: {  	v1 =	vadd.s32 v0, v1  }
0x25: {  	[tilespmem:s20+$0x14000] =	vst v1  }
0x26: {  	[spmem:s14], [sflag:s13] =	dma.local [hbm:s7], $0x2800  }
0x27: {  	_ =	swait.ge [sflag:s11], $0x2800  }
0x28: {  	[sflag:s11] =	ssyncset.done $0x0  }
0x29: {  	[sflag:s11] =	ssyncadd.s32 $0xFFFFD800  }
0x2a: {  	s30 =	simm.s32 $0x14000;
	[bflag:$0x0] =	sbarrier.arrive $0xFFFF  }
0x2b: {  	[tilespmem:s16], [sflag:$0x1] =	stream.indirect.gather [hbm4b:s2+s15], $0x80, s30, s15, $0xb8;
	[tilespmem:$0x1E000] =	vst v63  }
0x2c: {  	_ =	swait.ge [sflag:s17], $0x4000  }
0x2d: {  	[sflag:s17] =	ssyncset.done $0x0  }
0x2e: {  	s31 =	simm.s32 $0x17000;
	[sflag:s17] =	ssyncadd.s32 $0xFFFFC000  }
0x2f: {  	[spmem:s3] =	stream.indirect.scatter.add.f32 [tilespmem:s16], [sflag:$0x2], $0x80, s31, s15, $0xb8;
	[tilespmem:$0x1E000] =	vst v63  }
0x30: {  	_ =	swait.ge [sflag:s11], $0x4000  }
0x31: {  	s19 =	simm.s32 $0x80;
	s20 =	simm.s32 $0x400;
	[sflag:s11] =	ssyncset.done $0x0  }
.LBB2_4:
0x32: {  	s21 =	sadd.s32 $0x14000, s19  }
0x33: {  	[sflag:s11] =	ssyncadd.s32 $0xFFFFC000;
	s22 =	smov.u32 s20;
	s23 =	sadd.s32 $0x200, s20  }
0x34: {  	[tilespmem:s16], [sflag:$0x1] =	stream.indirect.gather [hbm4b:s2+s15], $0x80, s21, s15, $0xb8;
	[tilespmem:$0x1E000] =	vst v63  }
0x35: {  	p0 =	sne.s32 s20, $0xBE00;
	_ =	swait.ge [sflag:s17], $0x4000  }
.Ltmp1:
0x36: {  	[sflag:s17] =	ssyncset.done $0x0;
	(pc) =	sbr.rel @p0 .LBB2_4-.Ltmp1, $4  }
0x37: {  	s19 =	sadd.s32 $0x17000, s19;
	[sflag:s17] =	ssyncadd.s32 $0xFFFFC000  }
0x38: {  	[spmem:s3] =	stream.indirect.scatter.add.f32 [tilespmem:s16], [sflag:$0x2], $0x80, s19, s15, $0xb8;
	[tilespmem:$0x1E000] =	vst v63  }
0x39: {  	_ =	swait.ge [sflag:s11], $0x4000  }
0x3a: {  	s20 =	smov.u32 s23;
	s19 =	sshra.s32 s22, $0x2;
	[sflag:s11] =	ssyncset.done $0x0  }
0x3b: {  	s20 =	sadd.s32 $0x14000, s19;
	[sflag:s11] =	ssyncadd.s32 $0xFFFFC000  }
0x3c: {  	[tilespmem:s16], [sflag:$0x1] =	stream.indirect.gather [hbm4b:s2+s15], $0x80, s20, s15, $0xb8;
	[tilespmem:$0x1E000] =	vst v63  }
0x3d: {  	_ =	swait.ge [sflag:s17], $0x4000  }
0x3e: {  	[sflag:s17] =	ssyncset.done $0x0  }
0x3f: {  	s31 =	sadd.s32 $0x17000, s19;
	[sflag:s17] =	ssyncadd.s32 $0xFFFFC000  }
0x40: {  	[spmem:s3] =	stream.indirect.scatter.add.f32 [tilespmem:s16], [sflag:$0x2], $0x80, s31, s15, $0xb8;
	[tilespmem:$0x1E000] =	vst v63  }
0x41: {  	_ =	swait.ge [sflag:s11], $0x4000  }
0x42: {  	s18 =	sadd.s32 $0x1, s18;
	[sflag:s11] =	ssyncset.done $0x0  }
0x43: {  	p0 =	sne.s32 s18, s8;
	[sflag:s11] =	ssyncadd.s32 $0xFFFFC000  }
.Ltmp2:
0x44: {  	[bflag:$0x0] =	sbarrier.arrive $0xFFFF;
	(pc) =	sbr.rel @p0 .LBB2_1-.Ltmp2, $4  }
0x45: {  	[hbm:s9], [sflag:s13] =	dma.local [spmem:s14], $0x2800  }
0x46: {  	_ =	swait.ge [sflag:s11], $0x2800  }
0x47: {  	[sflag:s11] =	ssyncset.done $0x0  }
0x48: {  	[sflag:s11] =	ssyncadd.s32 $0xFFFFD800  }
0x49: {  	_ =	sfence.sel $0x180000  }
0x4a: {  	[bflag:$0x0] =	sbarrier.arrive $0xFFFF  }
0x4b: {  	p0 =	sne.s32 s1, $0x0;
	_ =	strace $0x90000050  }
0x4c: {  	s0 =	sadd.s32 @!p0 $0x100000, s0;
	[bflag:$0x2] =	sbarrier.arrive $0xFFFF  }
0x4d: {  	[sflag:s0] =	ssyncadd.tile.s32 @!p0 $0x1;
	_ =	shalt  }
.Lfunc_end2:
_tile_overlayer_lowered:
.L_overlay_start_2:
0x4e: {  	(tag) =	ssettag $0x2  }
0x4f: {  	s0 =	rddreg [dreg:$0x0];
	s2 =	stileid.u32  }
0x50: {  	s1 =	rddreg [dreg:$0x1];
	p0 =	sne.s32 s2, $0x0  }
0x51: {  	s3 =	rddreg [dreg:$0x2];
	[bflag:$0x3] =	sbarrier.arrive $0xFFFF;
	s2 =	simm.s32 @!p0 $0x1C02  }
0x52: {  	[timem:s3], [sflag:s2] =	dma.local @!p0 [hbm:s0], s1  }
0x53: {  	s0 =	simm.s32 @!p0 $0x2  }
0x54: {  	_ =	swait.ge @!p0 [sflag:s0], s1  }
0x55: {  	s1 =	ssub.s32 @!p0 $0x0, s1;
	[sflag:s0] =	ssyncset.done @!p0 $0x0  }
0x56: {  	[sflag:s0] =	ssyncadd.s32 @!p0 s1  }
0x57: {  	[bflag:$0x3] =	sbarrier.arrive $0xFFFF  }
0x58: {  	_ =	shalt  }

</sc_bundles>
